<compile_context>
chip_gen: v7x
topology: tpu7x:2x2x1
jax: 0.10.2.dev20260603
libtpu: 0.0.44.dev20260713+nightly
codegen_flags: <defaults>
</compile_context>

<pallas_src>
import functools

import jax
import jax.numpy as jnp
from jax import lax
from jax.experimental import pallas as pl
from jax.experimental.pallas import tpu as pltpu
from jax.experimental.pallas import tpu_sc as plsc

N = 10000
E = 320000
D = 128
NB = 5
KIN = 34
KPAD = 40
BN_EPS = 1e-5

BLK = 1000
NBLK = N // BLK

NC, NS = 2, 16
NW = NC * NS
EW = E // NW
CHUNK = 128
EWP = 10240
NCHUNK = EWP // CHUNK
PH = 2
CPP = NCHUNK // PH
TRASH = 128
NROWS = N + TRASH
NZW = 10
RPS = N // NZW


def _bf16_dot(a, b):
    return jnp.dot(a.astype(jnp.bfloat16), b.astype(jnp.bfloat16),
                   preferred_element_type=jnp.float32)


def _embed_body(xc_ref, wc_ref, b_ref, e_ref, h_ref, t_ref):
    h = _bf16_dot(xc_ref[...], wc_ref[...]) + b_ref[...]
    h_ref[...] = h
    for t in range(NB):
        t_ref[t] = jnp.maximum(h + e_ref[t], 0.0)


def _embed(xc, wc, b, e0):
    return pl.pallas_call(
        _embed_body,
        grid=(NBLK,),
        in_specs=[
            pl.BlockSpec((BLK, KPAD), lambda i: (i, 0)),
            pl.BlockSpec((KPAD, D), lambda i: (0, 0)),
            pl.BlockSpec((1, D), lambda i: (0, 0)),
            pl.BlockSpec((NB, D), lambda i: (0, 0)),
        ],
        out_specs=[
            pl.BlockSpec((BLK, D), lambda i: (i, 0)),
            pl.BlockSpec((NB, BLK, D), lambda i: (0, i, 0)),
        ],
        out_shape=[
            jax.ShapeDtypeStruct((N, D), jnp.float32),
            jax.ShapeDtypeStruct((NB, N, D), jnp.float32),
        ],
    )(xc, wc, b, e0)


def _idx_body(src_ref, attr_ref, out_ref):
    out_ref[...] = attr_ref[...] * N + src_ref[...]


def _fuse_idx(src2d, attr2d):
    return pl.pallas_call(
        _idx_body,
        out_shape=jax.ShapeDtypeStruct(src2d.shape, jnp.int32),
    )(src2d, attr2d)


def _sc_body(t_hbm, aug_hbm, dst_hbm, zero_hbm, out_hbm,
             idx_v, dst_v, rows_v, acc_sh, sem0, sem1):
    cc = lax.axis_index("c")
    s = lax.axis_index("s")
    w = cc * NS + s
    @pl.when(s < NZW)
    def _():
        pltpu.sync_copy(zero_hbm, acc_sh.at[pl.ds(s * RPS, RPS)])
    plsc.subcore_barrier()

    buf0, buf1 = rows_v.at[0], rows_v.at[1]

    def body(c2, carry):
        ci = 2 * c2
        pltpu.make_async_copy(t_hbm.at[idx_v.at[ci]], buf0, sem0).wait()
        pltpu.async_copy(t_hbm.at[idx_v.at[ci + 1]], buf1, sem1)
        pltpu.sync_copy(buf0, acc_sh.at[dst_v.at[ci]], add=True)
        pltpu.make_async_copy(t_hbm.at[idx_v.at[ci + 1]], buf1, sem1).wait()

        @pl.when(ci + 2 < CPP)
        def _():
            pltpu.async_copy(t_hbm.at[idx_v.at[ci + 2]], buf0, sem0)

        pltpu.sync_copy(buf1, acc_sh.at[dst_v.at[ci + 1]], add=True)
        return carry

    for p in range(PH):
        pltpu.sync_copy(aug_hbm.at[w, p], idx_v)
        pltpu.sync_copy(dst_hbm.at[w, p], dst_v)
        pltpu.async_copy(t_hbm.at[idx_v.at[0]], buf0, sem0)
        lax.fori_loop(0, CPP // 2, body, 0)
    plsc.subcore_barrier()

    @pl.when(s < NZW)
    def _():
        pltpu.sync_copy(acc_sh.at[pl.ds(s * RPS, RPS)],
                        out_hbm.at[cc, pl.ds(s * RPS, RPS)])


_sc_gather_scatter = functools.partial(
    pl.kernel,
    out_type=jax.ShapeDtypeStruct((NC, N, D), jnp.float32),
    mesh=plsc.VectorSubcoreMesh(core_axis_name="c", subcore_axis_name="s"),
    scratch_types=[
        pltpu.VMEM((CPP, CHUNK), jnp.int32),
        pltpu.VMEM((CPP, CHUNK), jnp.int32),
        pltpu.VMEM((2, CHUNK, D), jnp.float32),
        pltpu.VMEM_SHARED((NROWS, D), jnp.float32),
        pltpu.SemaphoreType.DMA,
        pltpu.SemaphoreType.DMA,
    ],
)(_sc_body)


def _mlp_body(h_ref, parts_ref, w1_ref, b1_ref, w2_ref, b2_ref,
              out_ref, stats_ref, acc):
    i = pl.program_id(0)
    z = h_ref[...] + parts_ref[0] + parts_ref[1]
    a = jnp.maximum(_bf16_dot(z, w1_ref[...]) + b1_ref[...], 0.0)
    o = _bf16_dot(a, w2_ref[...]) + b2_ref[...]
    out_ref[...] = o

    @pl.when(i == 0)
    def _():
        acc[...] = jnp.zeros_like(acc)

    acc[0:1] += jnp.sum(o, axis=0, keepdims=True)
    acc[1:2] += jnp.sum(o * o, axis=0, keepdims=True)

    @pl.when(i == NBLK - 1)
    def _():
        stats_ref[...] = acc[...]


def _mlp(h, parts, w1, b1, w2, b2):
    return pl.pallas_call(
        _mlp_body,
        grid=(NBLK,),
        in_specs=[
            pl.BlockSpec((BLK, D), lambda i: (i, 0)),
            pl.BlockSpec((NC, BLK, D), lambda i: (0, i, 0)),
            pl.BlockSpec((D, 2 * D), lambda i: (0, 0)),
            pl.BlockSpec((1, 2 * D), lambda i: (0, 0)),
            pl.BlockSpec((2 * D, D), lambda i: (0, 0)),
            pl.BlockSpec((1, D), lambda i: (0, 0)),
        ],
        out_specs=[
            pl.BlockSpec((BLK, D), lambda i: (i, 0)),
            pl.BlockSpec((2, D), lambda i: (0, 0)),
        ],
        out_shape=[
            jax.ShapeDtypeStruct((N, D), jnp.float32),
            jax.ShapeDtypeStruct((2, D), jnp.float32),
        ],
        scratch_shapes=[pltpu.VMEM((2, D), jnp.float32)],
    )(h, parts, w1, b1, w2, b2)


def _bn_scale_shift(stats_ref, gamma_ref, beta_ref):
    mean = stats_ref[0:1] * (1.0 / N)
    var = stats_ref[1:2] * (1.0 / N) - mean * mean
    scale = gamma_ref[...] * lax.rsqrt(var + BN_EPS)
    shift = beta_ref[...] - mean * scale
    return scale, shift


def _normt_body(o_ref, stats_ref, gamma_ref, beta_ref, e_ref, h_ref, t_ref):
    scale, shift = _bn_scale_shift(stats_ref, gamma_ref, beta_ref)
    h = jnp.maximum(o_ref[...] * scale + shift, 0.0)
    h_ref[...] = h
    for t in range(NB):
        t_ref[t] = jnp.maximum(h + e_ref[t], 0.0)


def _normt(o, stats, gamma, beta, e_next):
    return pl.pallas_call(
        _normt_body,
        grid=(NBLK,),
        in_specs=[
            pl.BlockSpec((BLK, D), lambda i: (i, 0)),
            pl.BlockSpec((2, D), lambda i: (0, 0)),
            pl.BlockSpec((1, D), lambda i: (0, 0)),
            pl.BlockSpec((1, D), lambda i: (0, 0)),
            pl.BlockSpec((NB, D), lambda i: (0, 0)),
        ],
        out_specs=[
            pl.BlockSpec((BLK, D), lambda i: (i, 0)),
            pl.BlockSpec((NB, BLK, D), lambda i: (0, i, 0)),
        ],
        out_shape=[
            jax.ShapeDtypeStruct((N, D), jnp.float32),
            jax.ShapeDtypeStruct((NB, N, D), jnp.float32),
        ],
    )(o, stats, gamma, beta, e_next)


def _normf_body(o_ref, stats_ref, gamma_ref, beta_ref, h_ref):
    scale, shift = _bn_scale_shift(stats_ref, gamma_ref, beta_ref)
    h_ref[...] = o_ref[...] * scale + shift


def _normf(o, stats, gamma, beta):
    return pl.pallas_call(
        _normf_body,
        grid=(NBLK,),
        in_specs=[
            pl.BlockSpec((BLK, D), lambda i: (i, 0)),
            pl.BlockSpec((2, D), lambda i: (0, 0)),
            pl.BlockSpec((1, D), lambda i: (0, 0)),
            pl.BlockSpec((1, D), lambda i: (0, 0)),
        ],
        out_specs=pl.BlockSpec((BLK, D), lambda i: (i, 0)),
        out_shape=jax.ShapeDtypeStruct((N, D), jnp.float32),
    )(o, stats, gamma, beta)


def kernel(x, edge_index, edge_attr, instrument, fp,
           w_atom, b_atom, w_inst, b_inst, edge_emb,
           mlp_w1, mlp_b1, mlp_w2, mlp_b2, bn_gamma, bn_beta):
    src = edge_index[0]
    dst = edge_index[1]

    xc = jnp.concatenate(
        [x, instrument, jnp.zeros((N, KPAD - KIN), jnp.float32)], axis=1)
    wc = jnp.concatenate(
        [w_atom, w_inst, jnp.zeros((KPAD - KIN, D), jnp.float32)], axis=0)
    b = (b_atom + b_inst).reshape(1, D)

    h, t_tab = _embed(xc, wc, b, edge_emb[0])

    aug = _fuse_idx(src.reshape(E // D, D), edge_attr.reshape(E // D, D))
    padi = jnp.arange(EWP - EW, dtype=jnp.int32)
    aug = jnp.concatenate(
        [aug.reshape(NW, EW),
         jnp.broadcast_to(padi[None], (NW, EWP - EW))],
        axis=1).reshape(NW, PH, CPP, CHUNK)
    dst3 = jnp.concatenate(
        [dst.reshape(NW, EW),
         jnp.broadcast_to(N + (padi % TRASH)[None], (NW, EWP - EW))],
        axis=1).reshape(NW, PH, CPP, CHUNK)
    zeros = jnp.zeros((RPS, D), jnp.float32)

    for layer in range(3):
        parts = _sc_gather_scatter(t_tab.reshape(NB * N, D), aug, dst3, zeros)
        o, stats = _mlp(h, parts,
                        mlp_w1[layer], mlp_b1[layer].reshape(1, 2 * D),
                        mlp_w2[layer], mlp_b2[layer].reshape(1, D))
        gamma = bn_gamma[layer].reshape(1, D)
        beta = bn_beta[layer].reshape(1, D)
        if layer < 2:
            h, t_tab = _normt(o, stats, gamma, beta, edge_emb[layer + 1])
        else:
            h = _normf(o, stats, gamma, beta)
    return h

# --- scband reference (transcript-rebuilt; emitter-appended) ---
"""Pipeline reference for scband-gnn-graphpred-28750511080000 (READ-ONLY COPY).

The authoritative reference and input builder live on the scoring server;
editing this copy changes nothing except your own understanding.
"""

import jax, jax.numpy as jnp
import numpy as np

NUM_ATOM_TYPE = 27
NUM_INSTRUMENT_TYPE = 7
NUM_BOND_TYPE = 5
NUM_FP_SIZE = 4096
N_NODES = 10000
N_EDGES = 320000
EMB_DIM = 128
NUM_LAYER = 3
BN_EPS = 1e-5


def glorot(key, shape):
    fan_in, fan_out = shape[-2], shape[-1]
    limit = float(np.sqrt(6.0 / (fan_in + fan_out)))
    return jax.random.uniform(key, shape, minval=-limit, maxval=limit, dtype=jnp.float32)


def setup_inputs(seed: int = 0) -> dict:
    key = jax.random.key(seed)
    ks = jax.random.split(key, 16)
    inp = {}
    inp['x'] = jax.random.normal(ks[0], (N_NODES, NUM_ATOM_TYPE), dtype=jnp.float32)
    inp['edge_index'] = jax.random.randint(ks[1], (2, N_EDGES), 0, N_NODES, dtype=jnp.int32)
    inp['edge_attr'] = jax.random.randint(ks[2], (N_EDGES,), 0, NUM_BOND_TYPE, dtype=jnp.int32)
    inp['instrument'] = jax.random.normal(ks[3], (N_NODES, NUM_INSTRUMENT_TYPE), dtype=jnp.float32)
    inp['fp'] = jax.random.uniform(ks[4], (N_NODES, NUM_FP_SIZE), dtype=jnp.float32)
    inp['w_atom'] = glorot(ks[5], (NUM_ATOM_TYPE, EMB_DIM))
    inp['b_atom'] = jnp.zeros((EMB_DIM,), dtype=jnp.float32)
    inp['w_inst'] = glorot(ks[6], (NUM_INSTRUMENT_TYPE, EMB_DIM))
    inp['b_inst'] = jnp.zeros((EMB_DIM,), dtype=jnp.float32)
    inp['edge_emb'] = glorot(ks[7], (NUM_LAYER, NUM_BOND_TYPE, EMB_DIM))
    inp['mlp_w1'] = glorot(ks[8], (NUM_LAYER, EMB_DIM, 2 * EMB_DIM))
    inp['mlp_b1'] = jnp.zeros((NUM_LAYER, 2 * EMB_DIM), dtype=jnp.float32)
    inp['mlp_w2'] = glorot(ks[9], (NUM_LAYER, 2 * EMB_DIM, EMB_DIM))
    inp['mlp_b2'] = jnp.zeros((NUM_LAYER, EMB_DIM), dtype=jnp.float32)
    inp['bn_gamma'] = jnp.ones((NUM_LAYER, EMB_DIM), dtype=jnp.float32)
    inp['bn_beta'] = jnp.zeros((NUM_LAYER, EMB_DIM), dtype=jnp.float32)
    return inp


def _forward(x, instrument, fp, w_atom, b_atom, w_inst, b_inst, edge_emb, mlp_w1, mlp_b1, mlp_w2, mlp_b2, bn_gamma, bn_beta, edge_index, edge_attr):
    # GNN.forward with gnn_type='gin', disable_fingerprint=True, JK='last', drop_ratio=0 (dropout = identity)
    x1 = x[:, :NUM_ATOM_TYPE] @ w_atom + b_atom
    x2 = instrument @ w_inst + b_inst
    h = x1 + x2
    src = edge_index[0]
    dst = edge_index[1]
    for layer in range(NUM_LAYER):
        # GINConv: edge embedding lookup (gather), GINEConv message/aggregate
        e = jnp.take(edge_emb[layer], edge_attr, axis=0)
        msg = jax.nn.relu(h[src] + e)
        agg = jnp.zeros_like(h).at[dst].add(msg)
        out = h + agg  # (1 + eps) * x + aggr, eps = 0
        out = jax.nn.relu(out @ mlp_w1[layer] + mlp_b1[layer]) @ mlp_w2[layer] + mlp_b2[layer]
        # BatchNorm1d (training-mode batch statistics, biased variance)
        mean = jnp.mean(out, axis=0)
        var = jnp.mean((out - mean) ** 2, axis=0)
        out = (out - mean) / jnp.sqrt(var + BN_EPS) * bn_gamma[layer] + bn_beta[layer]
        if layer < NUM_LAYER - 1:
            out = jax.nn.relu(out)
        h = out
    return h  # JK == 'last'


def reference(x, edge_index, edge_attr, instrument, fp, w_atom, b_atom, w_inst, b_inst, edge_emb, mlp_w1, mlp_b1, mlp_w2, mlp_b2, bn_gamma, bn_beta):
    return _forward(x, instrument, fp, w_atom, b_atom, w_inst, b_inst, edge_emb, mlp_w1, mlp_b1, mlp_w2, mlp_b2, bn_gamma, bn_beta, edge_index, edge_attr)

if __name__ == "__main__":
    import jax
    _d = setup_inputs()
    print(jax.jit(kernel)(*tuple(_d.values())))

</pallas_src>

<mosaic_0001>
#map = affine_map<(d0, d1) -> (0, 0)>
#map1 = affine_map<(d0, d1) -> (0, 0, 0, 0)>
#map2 = affine_map<(d0, d1) -> (0, 0, 0)>
module attributes {stable_mosaic.version = 14 : i64} {
  func.func @_sc_body(%arg0: i32, %arg1: i32, %arg2: memref<50000x128xf32, #tpu.memory_space<hbm>>, %arg3: memref<32x2x40x128xi32, #tpu.memory_space<hbm>>, %arg4: memref<32x2x40x128xi32, #tpu.memory_space<hbm>>, %arg5: memref<1000x128xf32, #tpu.memory_space<hbm>>, %arg6: memref<2x10000x128xf32, #tpu.memory_space<hbm>>, %arg7: memref<40x128xi32, #tpu.memory_space<vmem>>, %arg8: memref<40x128xi32, #tpu.memory_space<vmem>>, %arg9: memref<2x128x128xf32, #tpu.memory_space<vmem>>, %arg10: memref<10128x128xf32, #tpu.memory_space<vmem_shared>>, %arg11: memref<!tpu.dma_semaphore, #tpu.memory_space<semaphore_mem>>, %arg12: memref<!tpu.dma_semaphore, #tpu.memory_space<semaphore_mem>>) attributes {dimension_semantics = [#tpu.dimension_semantics<core_parallel>, #tpu.dimension_semantics<subcore_parallel>], iteration_bounds = array<i64: 2, 16>, scalar_prefetch = 0 : i64, scratch_operands = 6 : i64, tpu.core_type = #tpu.core_type<sc_vector_subcore>, window_params = [{transform_indices = #map}, {transform_indices = #map1}, {transform_indices = #map1}, {transform_indices = #map}, {transform_indices = #map2}]} {
    %mul3A = arith.constant 16 : i32
    %mul3A_0 = arith.muli %arg0, %mul3A : i32
    %add3A = arith.addi %mul3A_0, %arg1 : i32
    %lt3A = arith.constant 10 : i32
    %lt3A_1 = arith.cmpi slt, %arg1, %lt3A : i32
    %convert_element_type3A = arith.extui %lt3A_1 : i1 to i32
    %cond3A = arith.constant 0 : i32
    %cond3A_2 = arith.cmpi ne, %convert_element_type3A, %cond3A : i32
    scf.if %cond3A_2 {
      %mul3A_50 = arith.constant 1000 : i32
      %mul3A_51 = arith.muli %arg1, %mul3A_50 : i32
      "tpu.region"() ({
        %run_scoped3A_52 = tpu.sem_alloc : memref<!tpu.dma_semaphore, #tpu.memory_space<semaphore_mem>>
        %dma_start3A_53 = arith.constant 0 : i32
        %dma_start3A_54 = tpu.memref_slice %arg10[%mul3A_51, %dma_start3A_53] : memref<10128x128xf32, #tpu.memory_space<vmem_shared>> -> memref<1000x128xf32, #tpu.memory_space<vmem_shared>>
        tpu.enqueue_dma source(%arg5 : memref<1000x128xf32, #tpu.memory_space<hbm>>) target(%dma_start3A_54 : memref<1000x128xf32, #tpu.memory_space<vmem_shared>>) target_semaphore(%run_scoped3A_52 : memref<!tpu.dma_semaphore, #tpu.memory_space<semaphore_mem>>)
        %dma_wait3A = arith.constant 0 : i32
        %dma_wait3A_55 = tpu.memref_slice %arg10[%mul3A_51, %dma_wait3A] : memref<10128x128xf32, #tpu.memory_space<vmem_shared>> -> memref<1000x128xf32, #tpu.memory_space<vmem_shared>>
        tpu.wait_dma2 semaphore(%run_scoped3A_52 : memref<!tpu.dma_semaphore, #tpu.memory_space<semaphore_mem>>) src(%arg5 : memref<1000x128xf32, #tpu.memory_space<hbm>>) dst(%dma_wait3A_55 : memref<1000x128xf32, #tpu.memory_space<vmem_shared>>)
        tpu.yield
      }) : () -> ()
    } else {
    }
    %barrier3A = arith.constant 0 : index
    tpu.barrier barrier_id(%barrier3A)
    %run_scoped3A = arith.constant 0 : i32
    "tpu.region"() ({
      %run_scoped3A_50 = tpu.sem_alloc : memref<!tpu.dma_semaphore, #tpu.memory_space<semaphore_mem>>
      %dma_start3A_51 = arith.constant 0 : i32
      %dma_start3A_52 = arith.constant 0 : i32
      %dma_start3A_53 = tpu.memref_slice %arg3[%add3A, %run_scoped3A, %dma_start3A_51, %dma_start3A_52] : memref<32x2x40x128xi32, #tpu.memory_space<hbm>> -> memref<1x1x40x128xi32, #tpu.memory_space<hbm>>
      %dma_start3A_54 = tpu.memref_squeeze %dma_start3A_53 : memref<1x1x40x128xi32, #tpu.memory_space<hbm>> -> memref<40x128xi32, #tpu.memory_space<hbm>>
      %dma_start3A_55 = arith.constant 0 : i32
      %dma_start3A_56 = arith.constant 0 : i32
      %dma_start3A_57 = tpu.memref_slice %arg3[%add3A, %run_scoped3A, %dma_start3A_55, %dma_start3A_56] : memref<32x2x40x128xi32, #tpu.memory_space<hbm>> -> memref<1x1x40x128xi32, #tpu.memory_space<hbm>>
      %dma_start3A_58 = tpu.memref_squeeze %dma_start3A_57 : memref<1x1x40x128xi32, #tpu.memory_space<hbm>> -> memref<40x128xi32, #tpu.memory_space<hbm>>
      tpu.enqueue_dma source(%dma_start3A_58 : memref<40x128xi32, #tpu.memory_space<hbm>>) target(%arg7 : memref<40x128xi32, #tpu.memory_space<vmem>>) target_semaphore(%run_scoped3A_50 : memref<!tpu.dma_semaphore, #tpu.memory_space<semaphore_mem>>)
      %dma_wait3A = arith.constant 0 : i32
      %dma_wait3A_59 = arith.constant 0 : i32
      %dma_wait3A_60 = tpu.memref_slice %arg3[%add3A, %run_scoped3A, %dma_wait3A, %dma_wait3A_59] : memref<32x2x40x128xi32, #tpu.memory_space<hbm>> -> memref<1x1x40x128xi32, #tpu.memory_space<hbm>>
      %dma_wait3A_61 = tpu.memref_squeeze %dma_wait3A_60 : memref<1x1x40x128xi32, #tpu.memory_space<hbm>> -> memref<40x128xi32, #tpu.memory_space<hbm>>
      %dma_wait3A_62 = arith.constant 0 : i32
      %dma_wait3A_63 = arith.constant 0 : i32
      %dma_wait3A_64 = tpu.memref_slice %arg3[%add3A, %run_scoped3A, %dma_wait3A_62, %dma_wait3A_63] : memref<32x2x40x128xi32, #tpu.memory_space<hbm>> -> memref<1x1x40x128xi32, #tpu.memory_space<hbm>>
      %dma_wait3A_65 = tpu.memref_squeeze %dma_wait3A_64 : memref<1x1x40x128xi32, #tpu.memory_space<hbm>> -> memref<40x128xi32, #tpu.memory_space<hbm>>
      tpu.wait_dma2 semaphore(%run_scoped3A_50 : memref<!tpu.dma_semaphore, #tpu.memory_space<semaphore_mem>>) src(%dma_wait3A_65 : memref<40x128xi32, #tpu.memory_space<hbm>>) dst(%arg7 : memref<40x128xi32, #tpu.memory_space<vmem>>)
      tpu.yield
    }) : () -> ()
    %run_scoped3A_3 = arith.constant 0 : i32
    "tpu.region"() ({
      %run_scoped3A_50 = tpu.sem_alloc : memref<!tpu.dma_semaphore, #tpu.memory_space<semaphore_mem>>
      %dma_start3A_51 = arith.constant 0 : i32
      %dma_start3A_52 = arith.constant 0 : i32
      %dma_start3A_53 = tpu.memref_slice %arg4[%add3A, %run_scoped3A_3, %dma_start3A_51, %dma_start3A_52] : memref<32x2x40x128xi32, #tpu.memory_space<hbm>> -> memref<1x1x40x128xi32, #tpu.memory_space<hbm>>
      %dma_start3A_54 = tpu.memref_squeeze %dma_start3A_53 : memref<1x1x40x128xi32, #tpu.memory_space<hbm>> -> memref<40x128xi32, #tpu.memory_space<hbm>>
      %dma_start3A_55 = arith.constant 0 : i32
      %dma_start3A_56 = arith.constant 0 : i32
      %dma_start3A_57 = tpu.memref_slice %arg4[%add3A, %run_scoped3A_3, %dma_start3A_55, %dma_start3A_56] : memref<32x2x40x128xi32, #tpu.memory_space<hbm>> -> memref<1x1x40x128xi32, #tpu.memory_space<hbm>>
      %dma_start3A_58 = tpu.memref_squeeze %dma_start3A_57 : memref<1x1x40x128xi32, #tpu.memory_space<hbm>> -> memref<40x128xi32, #tpu.memory_space<hbm>>
      tpu.enqueue_dma source(%dma_start3A_58 : memref<40x128xi32, #tpu.memory_space<hbm>>) target(%arg8 : memref<40x128xi32, #tpu.memory_space<vmem>>) target_semaphore(%run_scoped3A_50 : memref<!tpu.dma_semaphore, #tpu.memory_space<semaphore_mem>>)
      %dma_wait3A = arith.constant 0 : i32
      %dma_wait3A_59 = arith.constant 0 : i32
      %dma_wait3A_60 = tpu.memref_slice %arg4[%add3A, %run_scoped3A_3, %dma_wait3A, %dma_wait3A_59] : memref<32x2x40x128xi32, #tpu.memory_space<hbm>> -> memref<1x1x40x128xi32, #tpu.memory_space<hbm>>
      %dma_wait3A_61 = tpu.memref_squeeze %dma_wait3A_60 : memref<1x1x40x128xi32, #tpu.memory_space<hbm>> -> memref<40x128xi32, #tpu.memory_space<hbm>>
      %dma_wait3A_62 = arith.constant 0 : i32
      %dma_wait3A_63 = arith.constant 0 : i32
      %dma_wait3A_64 = tpu.memref_slice %arg4[%add3A, %run_scoped3A_3, %dma_wait3A_62, %dma_wait3A_63] : memref<32x2x40x128xi32, #tpu.memory_space<hbm>> -> memref<1x1x40x128xi32, #tpu.memory_space<hbm>>
      %dma_wait3A_65 = tpu.memref_squeeze %dma_wait3A_64 : memref<1x1x40x128xi32, #tpu.memory_space<hbm>> -> memref<40x128xi32, #tpu.memory_space<hbm>>
      tpu.wait_dma2 semaphore(%run_scoped3A_50 : memref<!tpu.dma_semaphore, #tpu.memory_space<semaphore_mem>>) src(%dma_wait3A_65 : memref<40x128xi32, #tpu.memory_space<hbm>>) dst(%arg8 : memref<40x128xi32, #tpu.memory_space<vmem>>)
      tpu.yield
    }) : () -> ()
    %dma_start3A = arith.constant 0 : i32
    %dma_start3A_4 = arith.constant 0 : i32
    %dma_start3A_5 = arith.constant 0 : i32
    %dma_start3A_6 = arith.constant 0 : i32
    %dma_start3A_7 = tpu.memref_slice %arg9[%dma_start3A_4, %dma_start3A_5, %dma_start3A_6] : memref<2x128x128xf32, #tpu.memory_space<vmem>> -> memref<1x128x128xf32, #tpu.memory_space<vmem>>
    %dma_start3A_8 = tpu.memref_squeeze %dma_start3A_7 : memref<1x128x128xf32, #tpu.memory_space<vmem>> -> memref<128x128xf32, #tpu.memory_space<vmem>>
    %dma_start3A_9 = arith.constant 0 : i32
    %dma_start3A_10 = tpu.memref_slice %arg7[%dma_start3A, %dma_start3A_9] : memref<40x128xi32, #tpu.memory_space<vmem>> -> memref<1x128xi32, #tpu.memory_space<vmem>>
    %dma_start3A_11 = tpu.memref_squeeze %dma_start3A_10 : memref<1x128xi32, #tpu.memory_space<vmem>> -> memref<128xi32, #tpu.memory_space<vmem>>
    %dma_start3A_12 = arith.constant 0 : i32
    %dma_start3A_13 = arith.constant 0 : i32
    %dma_start3A_14 = tpu.memref_slice %arg2[%dma_start3A_12, %dma_start3A_13] : memref<50000x128xf32, #tpu.memory_space<hbm>> -> memref<50000x128xf32, #tpu.memory_space<hbm>>
    tpu.enqueue_indirect_dma source(%dma_start3A_14 : memref<50000x128xf32, #tpu.memory_space<hbm>>) target(%dma_start3A_8 : memref<128x128xf32, #tpu.memory_space<vmem>>) offsets(%dma_start3A_11 : memref<128xi32, #tpu.memory_space<vmem>>) semaphore(%arg11 : memref<!tpu.dma_semaphore, #tpu.memory_space<semaphore_mem>>)
    %scan3A = arith.constant 0 : i32
    %scan3A_15 = arith.constant 0 : i32
    %scan3A_16 = arith.constant 1 : i32
    %scan3A_17 = arith.constant 0 : i32
    %scan3A_18 = arith.constant 20 : i32
    %scan3A_19 = arith.addi %scan3A_17, %scan3A_18 : i32
    %scan3A_20 = arith.constant 1 : i32
    scf.for %scan3A_50 = %scan3A_17 to %scan3A_19 step %scan3A_20  : i32 {
      %mul3A_51 = arith.constant 2 : i32
      %mul3A_52 = arith.muli %mul3A_51, %scan3A_50 : i32
      %dma_wait3A = arith.constant 0 : i32
      %dma_wait3A_53 = arith.constant 0 : i32
      %dma_wait3A_54 = tpu.memref_slice %arg9[%scan3A_15, %dma_wait3A, %dma_wait3A_53] : memref<2x128x128xf32, #tpu.memory_space<vmem>> -> memref<1x128x128xf32, #tpu.memory_space<vmem>>
      %dma_wait3A_55 = tpu.memref_squeeze %dma_wait3A_54 : memref<1x128x128xf32, #tpu.memory_space<vmem>> -> memref<128x128xf32, #tpu.memory_space<vmem>>
      %dma_wait3A_56 = arith.constant 0 : i32
      %dma_wait3A_57 = tpu.memref_slice %arg7[%mul3A_52, %dma_wait3A_56] : memref<40x128xi32, #tpu.memory_space<vmem>> -> memref<1x128xi32, #tpu.memory_space<vmem>>
      %dma_wait3A_58 = tpu.memref_squeeze %dma_wait3A_57 : memref<1x128xi32, #tpu.memory_space<vmem>> -> memref<128xi32, #tpu.memory_space<vmem>>
      %dma_wait3A_59 = arith.constant 0 : i32
      %dma_wait3A_60 = arith.constant 0 : i32
      %dma_wait3A_61 = tpu.memref_slice %arg2[%dma_wait3A_59, %dma_wait3A_60] : memref<50000x128xf32, #tpu.memory_space<hbm>> -> memref<50000x128xf32, #tpu.memory_space<hbm>>
      tpu.wait_indirect_dma semaphore(%arg11 : memref<!tpu.dma_semaphore, #tpu.memory_space<semaphore_mem>>) src(%dma_wait3A_61 : memref<50000x128xf32, #tpu.memory_space<hbm>>) dst(%dma_wait3A_55 : memref<128x128xf32, #tpu.memory_space<vmem>>)
      %add3A_62 = arith.constant 1 : i32
      %add3A_63 = arith.addi %mul3A_52, %add3A_62 : i32
      %dma_start3A_64 = arith.constant 0 : i32
      %dma_start3A_65 = arith.constant 0 : i32
      %dma_start3A_66 = tpu.memref_slice %arg9[%scan3A_16, %dma_start3A_64, %dma_start3A_65] : memref<2x128x128xf32, #tpu.memory_space<vmem>> -> memref<1x128x128xf32, #tpu.memory_space<vmem>>
      %dma_start3A_67 = tpu.memref_squeeze %dma_start3A_66 : memref<1x128x128xf32, #tpu.memory_space<vmem>> -> memref<128x128xf32, #tpu.memory_space<vmem>>
      %dma_start3A_68 = arith.constant 0 : i32
      %dma_start3A_69 = tpu.memref_slice %arg7[%add3A_63, %dma_start3A_68] : memref<40x128xi32, #tpu.memory_space<vmem>> -> memref<1x128xi32, #tpu.memory_space<vmem>>
      %dma_start3A_70 = tpu.memref_squeeze %dma_start3A_69 : memref<1x128xi32, #tpu.memory_space<vmem>> -> memref<128xi32, #tpu.memory_space<vmem>>
      %dma_start3A_71 = arith.constant 0 : i32
      %dma_start3A_72 = arith.constant 0 : i32
      %dma_start3A_73 = tpu.memref_slice %arg2[%dma_start3A_71, %dma_start3A_72] : memref<50000x128xf32, #tpu.memory_space<hbm>> -> memref<50000x128xf32, #tpu.memory_space<hbm>>
      tpu.enqueue_indirect_dma source(%dma_start3A_73 : memref<50000x128xf32, #tpu.memory_space<hbm>>) target(%dma_start3A_67 : memref<128x128xf32, #tpu.memory_space<vmem>>) offsets(%dma_start3A_70 : memref<128xi32, #tpu.memory_space<vmem>>) semaphore(%arg12 : memref<!tpu.dma_semaphore, #tpu.memory_space<semaphore_mem>>)
      "tpu.region"() ({
        %run_scoped3A_95 = tpu.sem_alloc : memref<!tpu.dma_semaphore, #tpu.memory_space<semaphore_mem>>
        %dma_start3A_96 = arith.constant 0 : i32
        %dma_start3A_97 = arith.constant 0 : i32
        %dma_start3A_98 = tpu.memref_slice %arg9[%scan3A_15, %dma_start3A_96, %dma_start3A_97] : memref<2x128x128xf32, #tpu.memory_space<vmem>> -> memref<1x128x128xf32, #tpu.memory_space<vmem>>
        %dma_start3A_99 = tpu.memref_squeeze %dma_start3A_98 : memref<1x128x128xf32, #tpu.memory_space<vmem>> -> memref<128x128xf32, #tpu.memory_space<vmem>>
        %dma_start3A_100 = arith.constant 0 : i32
        %dma_start3A_101 = tpu.memref_slice %arg8[%mul3A_52, %dma_start3A_100] : memref<40x128xi32, #tpu.memory_space<vmem>> -> memref<1x128xi32, #tpu.memory_space<vmem>>
        %dma_start3A_102 = tpu.memref_squeeze %dma_start3A_101 : memref<1x128xi32, #tpu.memory_space<vmem>> -> memref<128xi32, #tpu.memory_space<vmem>>
        %dma_start3A_103 = arith.constant 0 : i32
        %dma_start3A_104 = arith.constant 0 : i32
        %dma_start3A_105 = tpu.memref_slice %arg10[%dma_start3A_103, %dma_start3A_104] : memref<10128x128xf32, #tpu.memory_space<vmem_shared>> -> memref<10128x128xf32, #tpu.memory_space<vmem_shared>>
        tpu.enqueue_indirect_dma source(%dma_start3A_99 : memref<128x128xf32, #tpu.memory_space<vmem>>) target(%dma_start3A_105 : memref<10128x128xf32, #tpu.memory_space<vmem_shared>>) offsets(%dma_start3A_102 : memref<128xi32, #tpu.memory_space<vmem>>) semaphore(%run_scoped3A_95 : memref<!tpu.dma_semaphore, #tpu.memory_space<semaphore_mem>>) {add = true}
        %dma_wait3A_106 = arith.constant 0 : i32
        %dma_wait3A_107 = arith.constant 0 : i32
        %dma_wait3A_108 = tpu.memref_slice %arg9[%scan3A_15, %dma_wait3A_106, %dma_wait3A_107] : memref<2x128x128xf32, #tpu.memory_space<vmem>> -> memref<1x128x128xf32, #tpu.memory_space<vmem>>
        %dma_wait3A_109 = tpu.memref_squeeze %dma_wait3A_108 : memref<1x128x128xf32, #tpu.memory_space<vmem>> -> memref<128x128xf32, #tpu.memory_space<vmem>>
        %dma_wait3A_110 = arith.constant 0 : i32
        %dma_wait3A_111 = tpu.memref_slice %arg8[%mul3A_52, %dma_wait3A_110] : memref<40x128xi32, #tpu.memory_space<vmem>> -> memref<1x128xi32, #tpu.memory_space<vmem>>
        %dma_wait3A_112 = tpu.memref_squeeze %dma_wait3A_111 : memref<1x128xi32, #tpu.memory_space<vmem>> -> memref<128xi32, #tpu.memory_space<vmem>>
        %dma_wait3A_113 = arith.constant 0 : i32
        %dma_wait3A_114 = arith.constant 0 : i32
        %dma_wait3A_115 = tpu.memref_slice %arg10[%dma_wait3A_113, %dma_wait3A_114] : memref<10128x128xf32, #tpu.memory_space<vmem_shared>> -> memref<10128x128xf32, #tpu.memory_space<vmem_shared>>
        tpu.wait_indirect_dma semaphore(%run_scoped3A_95 : memref<!tpu.dma_semaphore, #tpu.memory_space<semaphore_mem>>) src(%dma_wait3A_109 : memref<128x128xf32, #tpu.memory_space<vmem>>) dst(%dma_wait3A_115 : memref<10128x128xf32, #tpu.memory_space<vmem_shared>>)
        tpu.yield
      }) : () -> ()
      %add3A_74 = arith.constant 1 : i32
      %add3A_75 = arith.addi %mul3A_52, %add3A_74 : i32
      %dma_wait3A_76 = arith.constant 0 : i32
      %dma_wait3A_77 = arith.constant 0 : i32
      %dma_wait3A_78 = tpu.memref_slice %arg9[%scan3A_16, %dma_wait3A_76, %dma_wait3A_77] : memref<2x128x128xf32, #tpu.memory_space<vmem>> -> memref<1x128x128xf32, #tpu.memory_space<vmem>>
      %dma_wait3A_79 = tpu.memref_squeeze %dma_wait3A_78 : memref<1x128x128xf32, #tpu.memory_space<vmem>> -> memref<128x128xf32, #tpu.memory_space<vmem>>
      %dma_wait3A_80 = arith.constant 0 : i32
      %dma_wait3A_81 = tpu.memref_slice %arg7[%add3A_75, %dma_wait3A_80] : memref<40x128xi32, #tpu.memory_space<vmem>> -> memref<1x128xi32, #tpu.memory_space<vmem>>
      %dma_wait3A_82 = tpu.memref_squeeze %dma_wait3A_81 : memref<1x128xi32, #tpu.memory_space<vmem>> -> memref<128xi32, #tpu.memory_space<vmem>>
      %dma_wait3A_83 = arith.constant 0 : i32
      %dma_wait3A_84 = arith.constant 0 : i32
      %dma_wait3A_85 = tpu.memref_slice %arg2[%dma_wait3A_83, %dma_wait3A_84] : memref<50000x128xf32, #tpu.memory_space<hbm>> -> memref<50000x128xf32, #tpu.memory_space<hbm>>
      tpu.wait_indirect_dma semaphore(%arg12 : memref<!tpu.dma_semaphore, #tpu.memory_space<semaphore_mem>>) src(%dma_wait3A_85 : memref<50000x128xf32, #tpu.memory_space<hbm>>) dst(%dma_wait3A_79 : memref<128x128xf32, #tpu.memory_space<vmem>>)
      %add3A_86 = arith.constant 2 : i32
      %add3A_87 = arith.addi %mul3A_52, %add3A_86 : i32
      %lt3A_88 = arith.constant 40 : i32
      %lt3A_89 = arith.cmpi slt, %add3A_87, %lt3A_88 : i32
      %convert_element_type3A_90 = arith.extui %lt3A_89 : i1 to i32
      %cond3A_91 = arith.constant 0 : i32
      %cond3A_92 = arith.cmpi ne, %convert_element_type3A_90, %cond3A_91 : i32
      scf.if %cond3A_92 {
        %add3A_95 = arith.constant 2 : i32
        %add3A_96 = arith.addi %mul3A_52, %add3A_95 : i32
        %dma_start3A_97 = arith.constant 0 : i32
        %dma_start3A_98 = arith.constant 0 : i32
        %dma_start3A_99 = tpu.memref_slice %arg9[%scan3A_15, %dma_start3A_97, %dma_start3A_98] : memref<2x128x128xf32, #tpu.memory_space<vmem>> -> memref<1x128x128xf32, #tpu.memory_space<vmem>>
        %dma_start3A_100 = tpu.memref_squeeze %dma_start3A_99 : memref<1x128x128xf32, #tpu.memory_space<vmem>> -> memref<128x128xf32, #tpu.memory_space<vmem>>
        %dma_start3A_101 = arith.constant 0 : i32
        %dma_start3A_102 = tpu.memref_slice %arg7[%add3A_96, %dma_start3A_101] : memref<40x128xi32, #tpu.memory_space<vmem>> -> memref<1x128xi32, #tpu.memory_space<vmem>>
        %dma_start3A_103 = tpu.memref_squeeze %dma_start3A_102 : memref<1x128xi32, #tpu.memory_space<vmem>> -> memref<128xi32, #tpu.memory_space<vmem>>
        %dma_start3A_104 = arith.constant 0 : i32
        %dma_start3A_105 = arith.constant 0 : i32
        %dma_start3A_106 = tpu.memref_slice %arg2[%dma_start3A_104, %dma_start3A_105] : memref<50000x128xf32, #tpu.memory_space<hbm>> -> memref<50000x128xf32, #tpu.memory_space<hbm>>
        tpu.enqueue_indirect_dma source(%dma_start3A_106 : memref<50000x128xf32, #tpu.memory_space<hbm>>) target(%dma_start3A_100 : memref<128x128xf32, #tpu.memory_space<vmem>>) offsets(%dma_start3A_103 : memref<128xi32, #tpu.memory_space<vmem>>) semaphore(%arg11 : memref<!tpu.dma_semaphore, #tpu.memory_space<semaphore_mem>>)
      } else {
      }
      %add3A_93 = arith.constant 1 : i32
      %add3A_94 = arith.addi %mul3A_52, %add3A_93 : i32
      "tpu.region"() ({
        %run_scoped3A_95 = tpu.sem_alloc : memref<!tpu.dma_semaphore, #tpu.memory_space<semaphore_mem>>
        %dma_start3A_96 = arith.constant 0 : i32
        %dma_start3A_97 = arith.constant 0 : i32
        %dma_start3A_98 = tpu.memref_slice %arg9[%scan3A_16, %dma_start3A_96, %dma_start3A_97] : memref<2x128x128xf32, #tpu.memory_space<vmem>> -> memref<1x128x128xf32, #tpu.memory_space<vmem>>
        %dma_start3A_99 = tpu.memref_squeeze %dma_start3A_98 : memref<1x128x128xf32, #tpu.memory_space<vmem>> -> memref<128x128xf32, #tpu.memory_space<vmem>>
        %dma_start3A_100 = arith.constant 0 : i32
        %dma_start3A_101 = tpu.memref_slice %arg8[%add3A_94, %dma_start3A_100] : memref<40x128xi32, #tpu.memory_space<vmem>> -> memref<1x128xi32, #tpu.memory_space<vmem>>
        %dma_start3A_102 = tpu.memref_squeeze %dma_start3A_101 : memref<1x128xi32, #tpu.memory_space<vmem>> -> memref<128xi32, #tpu.memory_space<vmem>>
        %dma_start3A_103 = arith.constant 0 : i32
        %dma_start3A_104 = arith.constant 0 : i32
        %dma_start3A_105 = tpu.memref_slice %arg10[%dma_start3A_103, %dma_start3A_104] : memref<10128x128xf32, #tpu.memory_space<vmem_shared>> -> memref<10128x128xf32, #tpu.memory_space<vmem_shared>>
        tpu.enqueue_indirect_dma source(%dma_start3A_99 : memref<128x128xf32, #tpu.memory_space<vmem>>) target(%dma_start3A_105 : memref<10128x128xf32, #tpu.memory_space<vmem_shared>>) offsets(%dma_start3A_102 : memref<128xi32, #tpu.memory_space<vmem>>) semaphore(%run_scoped3A_95 : memref<!tpu.dma_semaphore, #tpu.memory_space<semaphore_mem>>) {add = true}
        %dma_wait3A_106 = arith.constant 0 : i32
        %dma_wait3A_107 = arith.constant 0 : i32
        %dma_wait3A_108 = tpu.memref_slice %arg9[%scan3A_16, %dma_wait3A_106, %dma_wait3A_107] : memref<2x128x128xf32, #tpu.memory_space<vmem>> -> memref<1x128x128xf32, #tpu.memory_space<vmem>>
        %dma_wait3A_109 = tpu.memref_squeeze %dma_wait3A_108 : memref<1x128x128xf32, #tpu.memory_space<vmem>> -> memref<128x128xf32, #tpu.memory_space<vmem>>
        %dma_wait3A_110 = arith.constant 0 : i32
        %dma_wait3A_111 = tpu.memref_slice %arg8[%add3A_94, %dma_wait3A_110] : memref<40x128xi32, #tpu.memory_space<vmem>> -> memref<1x128xi32, #tpu.memory_space<vmem>>
        %dma_wait3A_112 = tpu.memref_squeeze %dma_wait3A_111 : memref<1x128xi32, #tpu.memory_space<vmem>> -> memref<128xi32, #tpu.memory_space<vmem>>
        %dma_wait3A_113 = arith.constant 0 : i32
        %dma_wait3A_114 = arith.constant 0 : i32
        %dma_wait3A_115 = tpu.memref_slice %arg10[%dma_wait3A_113, %dma_wait3A_114] : memref<10128x128xf32, #tpu.memory_space<vmem_shared>> -> memref<10128x128xf32, #tpu.memory_space<vmem_shared>>
        tpu.wait_indirect_dma semaphore(%run_scoped3A_95 : memref<!tpu.dma_semaphore, #tpu.memory_space<semaphore_mem>>) src(%dma_wait3A_109 : memref<128x128xf32, #tpu.memory_space<vmem>>) dst(%dma_wait3A_115 : memref<10128x128xf32, #tpu.memory_space<vmem_shared>>)
        tpu.yield
      }) : () -> ()
    }
    %scan3A_21 = arith.constant 20 : i32
    %run_scoped3A_22 = arith.constant 1 : i32
    "tpu.region"() ({
      %run_scoped3A_50 = tpu.sem_alloc : memref<!tpu.dma_semaphore, #tpu.memory_space<semaphore_mem>>
      %dma_start3A_51 = arith.constant 0 : i32
      %dma_start3A_52 = arith.constant 0 : i32
      %dma_start3A_53 = tpu.memref_slice %arg3[%add3A, %run_scoped3A_22, %dma_start3A_51, %dma_start3A_52] : memref<32x2x40x128xi32, #tpu.memory_space<hbm>> -> memref<1x1x40x128xi32, #tpu.memory_space<hbm>>
      %dma_start3A_54 = tpu.memref_squeeze %dma_start3A_53 : memref<1x1x40x128xi32, #tpu.memory_space<hbm>> -> memref<40x128xi32, #tpu.memory_space<hbm>>
      %dma_start3A_55 = arith.constant 0 : i32
      %dma_start3A_56 = arith.constant 0 : i32
      %dma_start3A_57 = tpu.memref_slice %arg3[%add3A, %run_scoped3A_22, %dma_start3A_55, %dma_start3A_56] : memref<32x2x40x128xi32, #tpu.memory_space<hbm>> -> memref<1x1x40x128xi32, #tpu.memory_space<hbm>>
      %dma_start3A_58 = tpu.memref_squeeze %dma_start3A_57 : memref<1x1x40x128xi32, #tpu.memory_space<hbm>> -> memref<40x128xi32, #tpu.memory_space<hbm>>
      tpu.enqueue_dma source(%dma_start3A_58 : memref<40x128xi32, #tpu.memory_space<hbm>>) target(%arg7 : memref<40x128xi32, #tpu.memory_space<vmem>>) target_semaphore(%run_scoped3A_50 : memref<!tpu.dma_semaphore, #tpu.memory_space<semaphore_mem>>)
      %dma_wait3A = arith.constant 0 : i32
      %dma_wait3A_59 = arith.constant 0 : i32
      %dma_wait3A_60 = tpu.memref_slice %arg3[%add3A, %run_scoped3A_22, %dma_wait3A, %dma_wait3A_59] : memref<32x2x40x128xi32, #tpu.memory_space<hbm>> -> memref<1x1x40x128xi32, #tpu.memory_space<hbm>>
      %dma_wait3A_61 = tpu.memref_squeeze %dma_wait3A_60 : memref<1x1x40x128xi32, #tpu.memory_space<hbm>> -> memref<40x128xi32, #tpu.memory_space<hbm>>
      %dma_wait3A_62 = arith.constant 0 : i32
      %dma_wait3A_63 = arith.constant 0 : i32
      %dma_wait3A_64 = tpu.memref_slice %arg3[%add3A, %run_scoped3A_22, %dma_wait3A_62, %dma_wait3A_63] : memref<32x2x40x128xi32, #tpu.memory_space<hbm>> -> memref<1x1x40x128xi32, #tpu.memory_space<hbm>>
      %dma_wait3A_65 = tpu.memref_squeeze %dma_wait3A_64 : memref<1x1x40x128xi32, #tpu.memory_space<hbm>> -> memref<40x128xi32, #tpu.memory_space<hbm>>
      tpu.wait_dma2 semaphore(%run_scoped3A_50 : memref<!tpu.dma_semaphore, #tpu.memory_space<semaphore_mem>>) src(%dma_wait3A_65 : memref<40x128xi32, #tpu.memory_space<hbm>>) dst(%arg7 : memref<40x128xi32, #tpu.memory_space<vmem>>)
      tpu.yield
    }) : () -> ()
    %run_scoped3A_23 = arith.constant 1 : i32
    "tpu.region"() ({
      %run_scoped3A_50 = tpu.sem_alloc : memref<!tpu.dma_semaphore, #tpu.memory_space<semaphore_mem>>
      %dma_start3A_51 = arith.constant 0 : i32
      %dma_start3A_52 = arith.constant 0 : i32
      %dma_start3A_53 = tpu.memref_slice %arg4[%add3A, %run_scoped3A_23, %dma_start3A_51, %dma_start3A_52] : memref<32x2x40x128xi32, #tpu.memory_space<hbm>> -> memref<1x1x40x128xi32, #tpu.memory_space<hbm>>
      %dma_start3A_54 = tpu.memref_squeeze %dma_start3A_53 : memref<1x1x40x128xi32, #tpu.memory_space<hbm>> -> memref<40x128xi32, #tpu.memory_space<hbm>>
      %dma_start3A_55 = arith.constant 0 : i32
      %dma_start3A_56 = arith.constant 0 : i32
      %dma_start3A_57 = tpu.memref_slice %arg4[%add3A, %run_scoped3A_23, %dma_start3A_55, %dma_start3A_56] : memref<32x2x40x128xi32, #tpu.memory_space<hbm>> -> memref<1x1x40x128xi32, #tpu.memory_space<hbm>>
      %dma_start3A_58 = tpu.memref_squeeze %dma_start3A_57 : memref<1x1x40x128xi32, #tpu.memory_space<hbm>> -> memref<40x128xi32, #tpu.memory_space<hbm>>
      tpu.enqueue_dma source(%dma_start3A_58 : memref<40x128xi32, #tpu.memory_space<hbm>>) target(%arg8 : memref<40x128xi32, #tpu.memory_space<vmem>>) target_semaphore(%run_scoped3A_50 : memref<!tpu.dma_semaphore, #tpu.memory_space<semaphore_mem>>)
      %dma_wait3A = arith.constant 0 : i32
      %dma_wait3A_59 = arith.constant 0 : i32
      %dma_wait3A_60 = tpu.memref_slice %arg4[%add3A, %run_scoped3A_23, %dma_wait3A, %dma_wait3A_59] : memref<32x2x40x128xi32, #tpu.memory_space<hbm>> -> memref<1x1x40x128xi32, #tpu.memory_space<hbm>>
      %dma_wait3A_61 = tpu.memref_squeeze %dma_wait3A_60 : memref<1x1x40x128xi32, #tpu.memory_space<hbm>> -> memref<40x128xi32, #tpu.memory_space<hbm>>
      %dma_wait3A_62 = arith.constant 0 : i32
      %dma_wait3A_63 = arith.constant 0 : i32
      %dma_wait3A_64 = tpu.memref_slice %arg4[%add3A, %run_scoped3A_23, %dma_wait3A_62, %dma_wait3A_63] : memref<32x2x40x128xi32, #tpu.memory_space<hbm>> -> memref<1x1x40x128xi32, #tpu.memory_space<hbm>>
      %dma_wait3A_65 = tpu.memref_squeeze %dma_wait3A_64 : memref<1x1x40x128xi32, #tpu.memory_space<hbm>> -> memref<40x128xi32, #tpu.memory_space<hbm>>
      tpu.wait_dma2 semaphore(%run_scoped3A_50 : memref<!tpu.dma_semaphore, #tpu.memory_space<semaphore_mem>>) src(%dma_wait3A_65 : memref<40x128xi32, #tpu.memory_space<hbm>>) dst(%arg8 : memref<40x128xi32, #tpu.memory_space<vmem>>)
      tpu.yield
    }) : () -> ()
    %dma_start3A_24 = arith.constant 0 : i32
    %dma_start3A_25 = arith.constant 0 : i32
    %dma_start3A_26 = arith.constant 0 : i32
    %dma_start3A_27 = arith.constant 0 : i32
    %dma_start3A_28 = tpu.memref_slice %arg9[%dma_start3A_25, %dma_start3A_26, %dma_start3A_27] : memref<2x128x128xf32, #tpu.memory_space<vmem>> -> memref<1x128x128xf32, #tpu.memory_space<vmem>>
    %dma_start3A_29 = tpu.memref_squeeze %dma_start3A_28 : memref<1x128x128xf32, #tpu.memory_space<vmem>> -> memref<128x128xf32, #tpu.memory_space<vmem>>
    %dma_start3A_30 = arith.constant 0 : i32
    %dma_start3A_31 = tpu.memref_slice %arg7[%dma_start3A_24, %dma_start3A_30] : memref<40x128xi32, #tpu.memory_space<vmem>> -> memref<1x128xi32, #tpu.memory_space<vmem>>
    %dma_start3A_32 = tpu.memref_squeeze %dma_start3A_31 : memref<1x128xi32, #tpu.memory_space<vmem>> -> memref<128xi32, #tpu.memory_space<vmem>>
    %dma_start3A_33 = arith.constant 0 : i32
    %dma_start3A_34 = arith.constant 0 : i32
    %dma_start3A_35 = tpu.memref_slice %arg2[%dma_start3A_33, %dma_start3A_34] : memref<50000x128xf32, #tpu.memory_space<hbm>> -> memref<50000x128xf32, #tpu.memory_space<hbm>>
    tpu.enqueue_indirect_dma source(%dma_start3A_35 : memref<50000x128xf32, #tpu.memory_space<hbm>>) target(%dma_start3A_29 : memref<128x128xf32, #tpu.memory_space<vmem>>) offsets(%dma_start3A_32 : memref<128xi32, #tpu.memory_space<vmem>>) semaphore(%arg11 : memref<!tpu.dma_semaphore, #tpu.memory_space<semaphore_mem>>)
    %scan3A_36 = arith.constant 0 : i32
    %scan3A_37 = arith.constant 0 : i32
    %scan3A_38 = arith.constant 1 : i32
    %scan3A_39 = arith.constant 0 : i32
    %scan3A_40 = arith.constant 20 : i32
    %scan3A_41 = arith.addi %scan3A_39, %scan3A_40 : i32
    %scan3A_42 = arith.constant 1 : i32
    scf.for %scan3A_50 = %scan3A_39 to %scan3A_41 step %scan3A_42  : i32 {
      %mul3A_51 = arith.constant 2 : i32
      %mul3A_52 = arith.muli %mul3A_51, %scan3A_50 : i32
      %dma_wait3A = arith.constant 0 : i32
      %dma_wait3A_53 = arith.constant 0 : i32
      %dma_wait3A_54 = tpu.memref_slice %arg9[%scan3A_37, %dma_wait3A, %dma_wait3A_53] : memref<2x128x128xf32, #tpu.memory_space<vmem>> -> memref<1x128x128xf32, #tpu.memory_space<vmem>>
      %dma_wait3A_55 = tpu.memref_squeeze %dma_wait3A_54 : memref<1x128x128xf32, #tpu.memory_space<vmem>> -> memref<128x128xf32, #tpu.memory_space<vmem>>
      %dma_wait3A_56 = arith.constant 0 : i32
      %dma_wait3A_57 = tpu.memref_slice %arg7[%mul3A_52, %dma_wait3A_56] : memref<40x128xi32, #tpu.memory_space<vmem>> -> memref<1x128xi32, #tpu.memory_space<vmem>>
      %dma_wait3A_58 = tpu.memref_squeeze %dma_wait3A_57 : memref<1x128xi32, #tpu.memory_space<vmem>> -> memref<128xi32, #tpu.memory_space<vmem>>
      %dma_wait3A_59 = arith.constant 0 : i32
      %dma_wait3A_60 = arith.constant 0 : i32
      %dma_wait3A_61 = tpu.memref_slice %arg2[%dma_wait3A_59, %dma_wait3A_60] : memref<50000x128xf32, #tpu.memory_space<hbm>> -> memref<50000x128xf32, #tpu.memory_space<hbm>>
      tpu.wait_indirect_dma semaphore(%arg11 : memref<!tpu.dma_semaphore, #tpu.memory_space<semaphore_mem>>) src(%dma_wait3A_61 : memref<50000x128xf32, #tpu.memory_space<hbm>>) dst(%dma_wait3A_55 : memref<128x128xf32, #tpu.memory_space<vmem>>)
      %add3A_62 = arith.constant 1 : i32
      %add3A_63 = arith.addi %mul3A_52, %add3A_62 : i32
      %dma_start3A_64 = arith.constant 0 : i32
      %dma_start3A_65 = arith.constant 0 : i32
      %dma_start3A_66 = tpu.memref_slice %arg9[%scan3A_38, %dma_start3A_64, %dma_start3A_65] : memref<2x128x128xf32, #tpu.memory_space<vmem>> -> memref<1x128x128xf32, #tpu.memory_space<vmem>>
      %dma_start3A_67 = tpu.memref_squeeze %dma_start3A_66 : memref<1x128x128xf32, #tpu.memory_space<vmem>> -> memref<128x128xf32, #tpu.memory_space<vmem>>
      %dma_start3A_68 = arith.constant 0 : i32
      %dma_start3A_69 = tpu.memref_slice %arg7[%add3A_63, %dma_start3A_68] : memref<40x128xi32, #tpu.memory_space<vmem>> -> memref<1x128xi32, #tpu.memory_space<vmem>>
      %dma_start3A_70 = tpu.memref_squeeze %dma_start3A_69 : memref<1x128xi32, #tpu.memory_space<vmem>> -> memref<128xi32, #tpu.memory_space<vmem>>
      %dma_start3A_71 = arith.constant 0 : i32
      %dma_start3A_72 = arith.constant 0 : i32
      %dma_start3A_73 = tpu.memref_slice %arg2[%dma_start3A_71, %dma_start3A_72] : memref<50000x128xf32, #tpu.memory_space<hbm>> -> memref<50000x128xf32, #tpu.memory_space<hbm>>
      tpu.enqueue_indirect_dma source(%dma_start3A_73 : memref<50000x128xf32, #tpu.memory_space<hbm>>) target(%dma_start3A_67 : memref<128x128xf32, #tpu.memory_space<vmem>>) offsets(%dma_start3A_70 : memref<128xi32, #tpu.memory_space<vmem>>) semaphore(%arg12 : memref<!tpu.dma_semaphore, #tpu.memory_space<semaphore_mem>>)
      "tpu.region"() ({
        %run_scoped3A_95 = tpu.sem_alloc : memref<!tpu.dma_semaphore, #tpu.memory_space<semaphore_mem>>
        %dma_start3A_96 = arith.constant 0 : i32
        %dma_start3A_97 = arith.constant 0 : i32
        %dma_start3A_98 = tpu.memref_slice %arg9[%scan3A_37, %dma_start3A_96, %dma_start3A_97] : memref<2x128x128xf32, #tpu.memory_space<vmem>> -> memref<1x128x128xf32, #tpu.memory_space<vmem>>
        %dma_start3A_99 = tpu.memref_squeeze %dma_start3A_98 : memref<1x128x128xf32, #tpu.memory_space<vmem>> -> memref<128x128xf32, #tpu.memory_space<vmem>>
        %dma_start3A_100 = arith.constant 0 : i32
        %dma_start3A_101 = tpu.memref_slice %arg8[%mul3A_52, %dma_start3A_100] : memref<40x128xi32, #tpu.memory_space<vmem>> -> memref<1x128xi32, #tpu.memory_space<vmem>>
        %dma_start3A_102 = tpu.memref_squeeze %dma_start3A_101 : memref<1x128xi32, #tpu.memory_space<vmem>> -> memref<128xi32, #tpu.memory_space<vmem>>
        %dma_start3A_103 = arith.constant 0 : i32
        %dma_start3A_104 = arith.constant 0 : i32
        %dma_start3A_105 = tpu.memref_slice %arg10[%dma_start3A_103, %dma_start3A_104] : memref<10128x128xf32, #tpu.memory_space<vmem_shared>> -> memref<10128x128xf32, #tpu.memory_space<vmem_shared>>
        tpu.enqueue_indirect_dma source(%dma_start3A_99 : memref<128x128xf32, #tpu.memory_space<vmem>>) target(%dma_start3A_105 : memref<10128x128xf32, #tpu.memory_space<vmem_shared>>) offsets(%dma_start3A_102 : memref<128xi32, #tpu.memory_space<vmem>>) semaphore(%run_scoped3A_95 : memref<!tpu.dma_semaphore, #tpu.memory_space<semaphore_mem>>) {add = true}
        %dma_wait3A_106 = arith.constant 0 : i32
        %dma_wait3A_107 = arith.constant 0 : i32
        %dma_wait3A_108 = tpu.memref_slice %arg9[%scan3A_37, %dma_wait3A_106, %dma_wait3A_107] : memref<2x128x128xf32, #tpu.memory_space<vmem>> -> memref<1x128x128xf32, #tpu.memory_space<vmem>>
        %dma_wait3A_109 = tpu.memref_squeeze %dma_wait3A_108 : memref<1x128x128xf32, #tpu.memory_space<vmem>> -> memref<128x128xf32, #tpu.memory_space<vmem>>
        %dma_wait3A_110 = arith.constant 0 : i32
        %dma_wait3A_111 = tpu.memref_slice %arg8[%mul3A_52, %dma_wait3A_110] : memref<40x128xi32, #tpu.memory_space<vmem>> -> memref<1x128xi32, #tpu.memory_space<vmem>>
        %dma_wait3A_112 = tpu.memref_squeeze %dma_wait3A_111 : memref<1x128xi32, #tpu.memory_space<vmem>> -> memref<128xi32, #tpu.memory_space<vmem>>
        %dma_wait3A_113 = arith.constant 0 : i32
        %dma_wait3A_114 = arith.constant 0 : i32
        %dma_wait3A_115 = tpu.memref_slice %arg10[%dma_wait3A_113, %dma_wait3A_114] : memref<10128x128xf32, #tpu.memory_space<vmem_shared>> -> memref<10128x128xf32, #tpu.memory_space<vmem_shared>>
        tpu.wait_indirect_dma semaphore(%run_scoped3A_95 : memref<!tpu.dma_semaphore, #tpu.memory_space<semaphore_mem>>) src(%dma_wait3A_109 : memref<128x128xf32, #tpu.memory_space<vmem>>) dst(%dma_wait3A_115 : memref<10128x128xf32, #tpu.memory_space<vmem_shared>>)
        tpu.yield
      }) : () -> ()
      %add3A_74 = arith.constant 1 : i32
      %add3A_75 = arith.addi %mul3A_52, %add3A_74 : i32
      %dma_wait3A_76 = arith.constant 0 : i32
      %dma_wait3A_77 = arith.constant 0 : i32
      %dma_wait3A_78 = tpu.memref_slice %arg9[%scan3A_38, %dma_wait3A_76, %dma_wait3A_77] : memref<2x128x128xf32, #tpu.memory_space<vmem>> -> memref<1x128x128xf32, #tpu.memory_space<vmem>>
      %dma_wait3A_79 = tpu.memref_squeeze %dma_wait3A_78 : memref<1x128x128xf32, #tpu.memory_space<vmem>> -> memref<128x128xf32, #tpu.memory_space<vmem>>
      %dma_wait3A_80 = arith.constant 0 : i32
      %dma_wait3A_81 = tpu.memref_slice %arg7[%add3A_75, %dma_wait3A_80] : memref<40x128xi32, #tpu.memory_space<vmem>> -> memref<1x128xi32, #tpu.memory_space<vmem>>
      %dma_wait3A_82 = tpu.memref_squeeze %dma_wait3A_81 : memref<1x128xi32, #tpu.memory_space<vmem>> -> memref<128xi32, #tpu.memory_space<vmem>>
      %dma_wait3A_83 = arith.constant 0 : i32
      %dma_wait3A_84 = arith.constant 0 : i32
      %dma_wait3A_85 = tpu.memref_slice %arg2[%dma_wait3A_83, %dma_wait3A_84] : memref<50000x128xf32, #tpu.memory_space<hbm>> -> memref<50000x128xf32, #tpu.memory_space<hbm>>
      tpu.wait_indirect_dma semaphore(%arg12 : memref<!tpu.dma_semaphore, #tpu.memory_space<semaphore_mem>>) src(%dma_wait3A_85 : memref<50000x128xf32, #tpu.memory_space<hbm>>) dst(%dma_wait3A_79 : memref<128x128xf32, #tpu.memory_space<vmem>>)
      %add3A_86 = arith.constant 2 : i32
      %add3A_87 = arith.addi %mul3A_52, %add3A_86 : i32
      %lt3A_88 = arith.constant 40 : i32
      %lt3A_89 = arith.cmpi slt, %add3A_87, %lt3A_88 : i32
      %convert_element_type3A_90 = arith.extui %lt3A_89 : i1 to i32
      %cond3A_91 = arith.constant 0 : i32
      %cond3A_92 = arith.cmpi ne, %convert_element_type3A_90, %cond3A_91 : i32
      scf.if %cond3A_92 {
        %add3A_95 = arith.constant 2 : i32
        %add3A_96 = arith.addi %mul3A_52, %add3A_95 : i32
        %dma_start3A_97 = arith.constant 0 : i32
        %dma_start3A_98 = arith.constant 0 : i32
        %dma_start3A_99 = tpu.memref_slice %arg9[%scan3A_37, %dma_start3A_97, %dma_start3A_98] : memref<2x128x128xf32, #tpu.memory_space<vmem>> -> memref<1x128x128xf32, #tpu.memory_space<vmem>>
        %dma_start3A_100 = tpu.memref_squeeze %dma_start3A_99 : memref<1x128x128xf32, #tpu.memory_space<vmem>> -> memref<128x128xf32, #tpu.memory_space<vmem>>
        %dma_start3A_101 = arith.constant 0 : i32
        %dma_start3A_102 = tpu.memref_slice %arg7[%add3A_96, %dma_start3A_101] : memref<40x128xi32, #tpu.memory_space<vmem>> -> memref<1x128xi32, #tpu.memory_space<vmem>>
        %dma_start3A_103 = tpu.memref_squeeze %dma_start3A_102 : memref<1x128xi32, #tpu.memory_space<vmem>> -> memref<128xi32, #tpu.memory_space<vmem>>
        %dma_start3A_104 = arith.constant 0 : i32
        %dma_start3A_105 = arith.constant 0 : i32
        %dma_start3A_106 = tpu.memref_slice %arg2[%dma_start3A_104, %dma_start3A_105] : memref<50000x128xf32, #tpu.memory_space<hbm>> -> memref<50000x128xf32, #tpu.memory_space<hbm>>
        tpu.enqueue_indirect_dma source(%dma_start3A_106 : memref<50000x128xf32, #tpu.memory_space<hbm>>) target(%dma_start3A_100 : memref<128x128xf32, #tpu.memory_space<vmem>>) offsets(%dma_start3A_103 : memref<128xi32, #tpu.memory_space<vmem>>) semaphore(%arg11 : memref<!tpu.dma_semaphore, #tpu.memory_space<semaphore_mem>>)
      } else {
      }
      %add3A_93 = arith.constant 1 : i32
      %add3A_94 = arith.addi %mul3A_52, %add3A_93 : i32
      "tpu.region"() ({
        %run_scoped3A_95 = tpu.sem_alloc : memref<!tpu.dma_semaphore, #tpu.memory_space<semaphore_mem>>
        %dma_start3A_96 = arith.constant 0 : i32
        %dma_start3A_97 = arith.constant 0 : i32
        %dma_start3A_98 = tpu.memref_slice %arg9[%scan3A_38, %dma_start3A_96, %dma_start3A_97] : memref<2x128x128xf32, #tpu.memory_space<vmem>> -> memref<1x128x128xf32, #tpu.memory_space<vmem>>
        %dma_start3A_99 = tpu.memref_squeeze %dma_start3A_98 : memref<1x128x128xf32, #tpu.memory_space<vmem>> -> memref<128x128xf32, #tpu.memory_space<vmem>>
        %dma_start3A_100 = arith.constant 0 : i32
        %dma_start3A_101 = tpu.memref_slice %arg8[%add3A_94, %dma_start3A_100] : memref<40x128xi32, #tpu.memory_space<vmem>> -> memref<1x128xi32, #tpu.memory_space<vmem>>
        %dma_start3A_102 = tpu.memref_squeeze %dma_start3A_101 : memref<1x128xi32, #tpu.memory_space<vmem>> -> memref<128xi32, #tpu.memory_space<vmem>>
        %dma_start3A_103 = arith.constant 0 : i32
        %dma_start3A_104 = arith.constant 0 : i32
        %dma_start3A_105 = tpu.memref_slice %arg10[%dma_start3A_103, %dma_start3A_104] : memref<10128x128xf32, #tpu.memory_space<vmem_shared>> -> memref<10128x128xf32, #tpu.memory_space<vmem_shared>>
        tpu.enqueue_indirect_dma source(%dma_start3A_99 : memref<128x128xf32, #tpu.memory_space<vmem>>) target(%dma_start3A_105 : memref<10128x128xf32, #tpu.memory_space<vmem_shared>>) offsets(%dma_start3A_102 : memref<128xi32, #tpu.memory_space<vmem>>) semaphore(%run_scoped3A_95 : memref<!tpu.dma_semaphore, #tpu.memory_space<semaphore_mem>>) {add = true}
        %dma_wait3A_106 = arith.constant 0 : i32
        %dma_wait3A_107 = arith.constant 0 : i32
        %dma_wait3A_108 = tpu.memref_slice %arg9[%scan3A_38, %dma_wait3A_106, %dma_wait3A_107] : memref<2x128x128xf32, #tpu.memory_space<vmem>> -> memref<1x128x128xf32, #tpu.memory_space<vmem>>
        %dma_wait3A_109 = tpu.memref_squeeze %dma_wait3A_108 : memref<1x128x128xf32, #tpu.memory_space<vmem>> -> memref<128x128xf32, #tpu.memory_space<vmem>>
        %dma_wait3A_110 = arith.constant 0 : i32
        %dma_wait3A_111 = tpu.memref_slice %arg8[%add3A_94, %dma_wait3A_110] : memref<40x128xi32, #tpu.memory_space<vmem>> -> memref<1x128xi32, #tpu.memory_space<vmem>>
        %dma_wait3A_112 = tpu.memref_squeeze %dma_wait3A_111 : memref<1x128xi32, #tpu.memory_space<vmem>> -> memref<128xi32, #tpu.memory_space<vmem>>
        %dma_wait3A_113 = arith.constant 0 : i32
        %dma_wait3A_114 = arith.constant 0 : i32
        %dma_wait3A_115 = tpu.memref_slice %arg10[%dma_wait3A_113, %dma_wait3A_114] : memref<10128x128xf32, #tpu.memory_space<vmem_shared>> -> memref<10128x128xf32, #tpu.memory_space<vmem_shared>>
        tpu.wait_indirect_dma semaphore(%run_scoped3A_95 : memref<!tpu.dma_semaphore, #tpu.memory_space<semaphore_mem>>) src(%dma_wait3A_109 : memref<128x128xf32, #tpu.memory_space<vmem>>) dst(%dma_wait3A_115 : memref<10128x128xf32, #tpu.memory_space<vmem_shared>>)
        tpu.yield
      }) : () -> ()
    }
    %scan3A_43 = arith.constant 20 : i32
    %barrier3A_44 = arith.constant 0 : index
    tpu.barrier barrier_id(%barrier3A_44)
    %lt3A_45 = arith.constant 10 : i32
    %lt3A_46 = arith.cmpi slt, %arg1, %lt3A_45 : i32
    %convert_element_type3A_47 = arith.extui %lt3A_46 : i1 to i32
    %cond3A_48 = arith.constant 0 : i32
    %cond3A_49 = arith.cmpi ne, %convert_element_type3A_47, %cond3A_48 : i32
    scf.if %cond3A_49 {
      %mul3A_50 = arith.constant 1000 : i32
      %mul3A_51 = arith.muli %arg1, %mul3A_50 : i32
      %mul3A_52 = arith.constant 1000 : i32
      %mul3A_53 = arith.muli %arg1, %mul3A_52 : i32
      "tpu.region"() ({
        %run_scoped3A_54 = tpu.sem_alloc : memref<!tpu.dma_semaphore, #tpu.memory_space<semaphore_mem>>
        %dma_start3A_55 = arith.constant 0 : i32
        %dma_start3A_56 = tpu.memref_slice %arg6[%arg0, %mul3A_53, %dma_start3A_55] : memref<2x10000x128xf32, #tpu.memory_space<hbm>> -> memref<1x1000x128xf32, #tpu.memory_space<hbm>>
        %dma_start3A_57 = tpu.memref_squeeze %dma_start3A_56 : memref<1x1000x128xf32, #tpu.memory_space<hbm>> -> memref<1000x128xf32, #tpu.memory_space<hbm>>
        %dma_start3A_58 = arith.constant 0 : i32
        %dma_start3A_59 = tpu.memref_slice %arg10[%mul3A_51, %dma_start3A_58] : memref<10128x128xf32, #tpu.memory_space<vmem_shared>> -> memref<1000x128xf32, #tpu.memory_space<vmem_shared>>
        tpu.enqueue_dma source(%dma_start3A_59 : memref<1000x128xf32, #tpu.memory_space<vmem_shared>>) target(%dma_start3A_57 : memref<1000x128xf32, #tpu.memory_space<hbm>>) target_semaphore(%run_scoped3A_54 : memref<!tpu.dma_semaphore, #tpu.memory_space<semaphore_mem>>)
        %dma_wait3A = arith.constant 0 : i32
        %dma_wait3A_60 = tpu.memref_slice %arg6[%arg0, %mul3A_53, %dma_wait3A] : memref<2x10000x128xf32, #tpu.memory_space<hbm>> -> memref<1x1000x128xf32, #tpu.memory_space<hbm>>
        %dma_wait3A_61 = tpu.memref_squeeze %dma_wait3A_60 : memref<1x1000x128xf32, #tpu.memory_space<hbm>> -> memref<1000x128xf32, #tpu.memory_space<hbm>>
        %dma_wait3A_62 = arith.constant 0 : i32
        %dma_wait3A_63 = tpu.memref_slice %arg10[%mul3A_51, %dma_wait3A_62] : memref<10128x128xf32, #tpu.memory_space<vmem_shared>> -> memref<1000x128xf32, #tpu.memory_space<vmem_shared>>
        tpu.wait_dma2 semaphore(%run_scoped3A_54 : memref<!tpu.dma_semaphore, #tpu.memory_space<semaphore_mem>>) src(%dma_wait3A_63 : memref<1000x128xf32, #tpu.memory_space<vmem_shared>>) dst(%dma_wait3A_61 : memref<1000x128xf32, #tpu.memory_space<hbm>>)
        tpu.yield
      }) : () -> ()
    } else {
    }
    return
  }
}

#map = affine_map<(d0, d1) -> (0, 0)>
#map1 = affine_map<(d0, d1) -> (0, 0, 0, 0)>
#map2 = affine_map<(d0, d1) -> (0, 0, 0)>
module attributes {stable_mosaic.version = 14 : i64} {
  func.func @_sc_body(%arg0: i32, %arg1: i32, %arg2: memref<50000x128xf32, #tpu.memory_space<hbm>>, %arg3: memref<32x2x40x128xi32, #tpu.memory_space<hbm>>, %arg4: memref<32x2x40x128xi32, #tpu.memory_space<hbm>>, %arg5: memref<1000x128xf32, #tpu.memory_space<hbm>>, %arg6: memref<2x10000x128xf32, #tpu.memory_space<hbm>>, %arg7: memref<40x128xi32, #tpu.memory_space<vmem>>, %arg8: memref<40x128xi32, #tpu.memory_space<vmem>>, %arg9: memref<2x128x128xf32, #tpu.memory_space<vmem>>, %arg10: memref<10128x128xf32, #tpu.memory_space<vmem_shared>>, %arg11: memref<!tpu.dma_semaphore, #tpu.memory_space<semaphore_mem>>, %arg12: memref<!tpu.dma_semaphore, #tpu.memory_space<semaphore_mem>>) attributes {dimension_semantics = [#tpu.dimension_semantics<core_parallel>, #tpu.dimension_semantics<subcore_parallel>], iteration_bounds = array<i64: 2, 16>, scalar_prefetch = 0 : i64, scratch_operands = 6 : i64, tpu.core_type = #tpu.core_type<sc_vector_subcore>, window_params = [{transform_indices = #map}, {transform_indices = #map1}, {transform_indices = #map1}, {transform_indices = #map}, {transform_indices = #map2}]} {
    %mul3A = arith.constant 16 : i32
    %mul3A_0 = arith.muli %arg0, %mul3A : i32
    %add3A = arith.addi %mul3A_0, %arg1 : i32
    %lt3A = arith.constant 10 : i32
    %lt3A_1 = arith.cmpi slt, %arg1, %lt3A : i32
    %convert_element_type3A = arith.extui %lt3A_1 : i1 to i32
    %cond3A = arith.constant 0 : i32
    %cond3A_2 = arith.cmpi ne, %convert_element_type3A, %cond3A : i32
    scf.if %cond3A_2 {
      %mul3A_50 = arith.constant 1000 : i32
      %mul3A_51 = arith.muli %arg1, %mul3A_50 : i32
      "tpu.region"() ({
        %run_scoped3A_52 = tpu.sem_alloc : memref<!tpu.dma_semaphore, #tpu.memory_space<semaphore_mem>>
        %dma_start3A_53 = arith.constant 0 : i32
        %dma_start3A_54 = tpu.memref_slice %arg10[%mul3A_51, %dma_start3A_53] : memref<10128x128xf32, #tpu.memory_space<vmem_shared>> -> memref<1000x128xf32, #tpu.memory_space<vmem_shared>>
        tpu.enqueue_dma source(%arg5 : memref<1000x128xf32, #tpu.memory_space<hbm>>) target(%dma_start3A_54 : memref<1000x128xf32, #tpu.memory_space<vmem_shared>>) target_semaphore(%run_scoped3A_52 : memref<!tpu.dma_semaphore, #tpu.memory_space<semaphore_mem>>)
        %dma_wait3A = arith.constant 0 : i32
        %dma_wait3A_55 = tpu.memref_slice %arg10[%mul3A_51, %dma_wait3A] : memref<10128x128xf32, #tpu.memory_space<vmem_shared>> -> memref<1000x128xf32, #tpu.memory_space<vmem_shared>>
        tpu.wait_dma2 semaphore(%run_scoped3A_52 : memref<!tpu.dma_semaphore, #tpu.memory_space<semaphore_mem>>) src(%arg5 : memref<1000x128xf32, #tpu.memory_space<hbm>>) dst(%dma_wait3A_55 : memref<1000x128xf32, #tpu.memory_space<vmem_shared>>)
        tpu.yield
      }) : () -> ()
    } else {
    }
    %barrier3A = arith.constant 0 : index
    tpu.barrier barrier_id(%barrier3A)
    %run_scoped3A = arith.constant 0 : i32
    "tpu.region"() ({
      %run_scoped3A_50 = tpu.sem_alloc : memref<!tpu.dma_semaphore, #tpu.memory_space<semaphore_mem>>
      %dma_start3A_51 = arith.constant 0 : i32
      %dma_start3A_52 = arith.constant 0 : i32
      %dma_start3A_53 = tpu.memref_slice %arg3[%add3A, %run_scoped3A, %dma_start3A_51, %dma_start3A_52] : memref<32x2x40x128xi32, #tpu.memory_space<hbm>> -> memref<1x1x40x128xi32, #tpu.memory_space<hbm>>
      %dma_start3A_54 = tpu.memref_squeeze %dma_start3A_53 : memref<1x1x40x128xi32, #tpu.memory_space<hbm>> -> memref<40x128xi32, #tpu.memory_space<hbm>>
      %dma_start3A_55 = arith.constant 0 : i32
      %dma_start3A_56 = arith.constant 0 : i32
      %dma_start3A_57 = tpu.memref_slice %arg3[%add3A, %run_scoped3A, %dma_start3A_55, %dma_start3A_56] : memref<32x2x40x128xi32, #tpu.memory_space<hbm>> -> memref<1x1x40x128xi32, #tpu.memory_space<hbm>>
      %dma_start3A_58 = tpu.memref_squeeze %dma_start3A_57 : memref<1x1x40x128xi32, #tpu.memory_space<hbm>> -> memref<40x128xi32, #tpu.memory_space<hbm>>
      tpu.enqueue_dma source(%dma_start3A_58 : memref<40x128xi32, #tpu.memory_space<hbm>>) target(%arg7 : memref<40x128xi32, #tpu.memory_space<vmem>>) target_semaphore(%run_scoped3A_50 : memref<!tpu.dma_semaphore, #tpu.memory_space<semaphore_mem>>)
      %dma_wait3A = arith.constant 0 : i32
      %dma_wait3A_59 = arith.constant 0 : i32
      %dma_wait3A_60 = tpu.memref_slice %arg3[%add3A, %run_scoped3A, %dma_wait3A, %dma_wait3A_59] : memref<32x2x40x128xi32, #tpu.memory_space<hbm>> -> memref<1x1x40x128xi32, #tpu.memory_space<hbm>>
      %dma_wait3A_61 = tpu.memref_squeeze %dma_wait3A_60 : memref<1x1x40x128xi32, #tpu.memory_space<hbm>> -> memref<40x128xi32, #tpu.memory_space<hbm>>
      %dma_wait3A_62 = arith.constant 0 : i32
      %dma_wait3A_63 = arith.constant 0 : i32
      %dma_wait3A_64 = tpu.memref_slice %arg3[%add3A, %run_scoped3A, %dma_wait3A_62, %dma_wait3A_63] : memref<32x2x40x128xi32, #tpu.memory_space<hbm>> -> memref<1x1x40x128xi32, #tpu.memory_space<hbm>>
      %dma_wait3A_65 = tpu.memref_squeeze %dma_wait3A_64 : memref<1x1x40x128xi32, #tpu.memory_space<hbm>> -> memref<40x128xi32, #tpu.memory_space<hbm>>
      tpu.wait_dma2 semaphore(%run_scoped3A_50 : memref<!tpu.dma_semaphore, #tpu.memory_space<semaphore_mem>>) src(%dma_wait3A_65 : memref<40x128xi32, #tpu.memory_space<hbm>>) dst(%arg7 : memref<40x128xi32, #tpu.memory_space<vmem>>)
      tpu.yield
    }) : () -> ()
    %run_scoped3A_3 = arith.constant 0 : i32
    "tpu.region"() ({
      %run_scoped3A_50 = tpu.sem_alloc : memref<!tpu.dma_semaphore, #tpu.memory_space<semaphore_mem>>
      %dma_start3A_51 = arith.constant 0 : i32
      %dma_start3A_52 = arith.constant 0 : i32
      %dma_start3A_53 = tpu.memref_slice %arg4[%add3A, %run_scoped3A_3, %dma_start3A_51, %dma_start3A_52] : memref<32x2x40x128xi32, #tpu.memory_space<hbm>> -> memref<1x1x40x128xi32, #tpu.memory_space<hbm>>
      %dma_start3A_54 = tpu.memref_squeeze %dma_start3A_53 : memref<1x1x40x128xi32, #tpu.memory_space<hbm>> -> memref<40x128xi32, #tpu.memory_space<hbm>>
      %dma_start3A_55 = arith.constant 0 : i32
      %dma_start3A_56 = arith.constant 0 : i32
      %dma_start3A_57 = tpu.memref_slice %arg4[%add3A, %run_scoped3A_3, %dma_start3A_55, %dma_start3A_56] : memref<32x2x40x128xi32, #tpu.memory_space<hbm>> -> memref<1x1x40x128xi32, #tpu.memory_space<hbm>>
      %dma_start3A_58 = tpu.memref_squeeze %dma_start3A_57 : memref<1x1x40x128xi32, #tpu.memory_space<hbm>> -> memref<40x128xi32, #tpu.memory_space<hbm>>
      tpu.enqueue_dma source(%dma_start3A_58 : memref<40x128xi32, #tpu.memory_space<hbm>>) target(%arg8 : memref<40x128xi32, #tpu.memory_space<vmem>>) target_semaphore(%run_scoped3A_50 : memref<!tpu.dma_semaphore, #tpu.memory_space<semaphore_mem>>)
      %dma_wait3A = arith.constant 0 : i32
      %dma_wait3A_59 = arith.constant 0 : i32
      %dma_wait3A_60 = tpu.memref_slice %arg4[%add3A, %run_scoped3A_3, %dma_wait3A, %dma_wait3A_59] : memref<32x2x40x128xi32, #tpu.memory_space<hbm>> -> memref<1x1x40x128xi32, #tpu.memory_space<hbm>>
      %dma_wait3A_61 = tpu.memref_squeeze %dma_wait3A_60 : memref<1x1x40x128xi32, #tpu.memory_space<hbm>> -> memref<40x128xi32, #tpu.memory_space<hbm>>
      %dma_wait3A_62 = arith.constant 0 : i32
      %dma_wait3A_63 = arith.constant 0 : i32
      %dma_wait3A_64 = tpu.memref_slice %arg4[%add3A, %run_scoped3A_3, %dma_wait3A_62, %dma_wait3A_63] : memref<32x2x40x128xi32, #tpu.memory_space<hbm>> -> memref<1x1x40x128xi32, #tpu.memory_space<hbm>>
      %dma_wait3A_65 = tpu.memref_squeeze %dma_wait3A_64 : memref<1x1x40x128xi32, #tpu.memory_space<hbm>> -> memref<40x128xi32, #tpu.memory_space<hbm>>
      tpu.wait_dma2 semaphore(%run_scoped3A_50 : memref<!tpu.dma_semaphore, #tpu.memory_space<semaphore_mem>>) src(%dma_wait3A_65 : memref<40x128xi32, #tpu.memory_space<hbm>>) dst(%arg8 : memref<40x128xi32, #tpu.memory_space<vmem>>)
      tpu.yield
    }) : () -> ()
    %dma_start3A = arith.constant 0 : i32
    %dma_start3A_4 = arith.constant 0 : i32
    %dma_start3A_5 = arith.constant 0 : i32
    %dma_start3A_6 = arith.constant 0 : i32
    %dma_start3A_7 = tpu.memref_slice %arg9[%dma_start3A_4, %dma_start3A_5, %dma_start3A_6] : memref<2x128x128xf32, #tpu.memory_space<vmem>> -> memref<1x128x128xf32, #tpu.memory_space<vmem>>
    %dma_start3A_8 = tpu.memref_squeeze %dma_start3A_7 : memref<1x128x128xf32, #tpu.memory_space<vmem>> -> memref<128x128xf32, #tpu.memory_space<vmem>>
    %dma_start3A_9 = arith.constant 0 : i32
    %dma_start3A_10 = tpu.memref_slice %arg7[%dma_start3A, %dma_start3A_9] : memref<40x128xi32, #tpu.memory_space<vmem>> -> memref<1x128xi32, #tpu.memory_space<vmem>>
    %dma_start3A_11 = tpu.memref_squeeze %dma_start3A_10 : memref<1x128xi32, #tpu.memory_space<vmem>> -> memref<128xi32, #tpu.memory_space<vmem>>
    %dma_start3A_12 = arith.constant 0 : i32
    %dma_start3A_13 = arith.constant 0 : i32
    %dma_start3A_14 = tpu.memref_slice %arg2[%dma_start3A_12, %dma_start3A_13] : memref<50000x128xf32, #tpu.memory_space<hbm>> -> memref<50000x128xf32, #tpu.memory_space<hbm>>
    tpu.enqueue_indirect_dma source(%dma_start3A_14 : memref<50000x128xf32, #tpu.memory_space<hbm>>) target(%dma_start3A_8 : memref<128x128xf32, #tpu.memory_space<vmem>>) offsets(%dma_start3A_11 : memref<128xi32, #tpu.memory_space<vmem>>) semaphore(%arg11 : memref<!tpu.dma_semaphore, #tpu.memory_space<semaphore_mem>>)
    %scan3A = arith.constant 0 : i32
    %scan3A_15 = arith.constant 0 : i32
    %scan3A_16 = arith.constant 1 : i32
    %scan3A_17 = arith.constant 0 : i32
    %scan3A_18 = arith.constant 20 : i32
    %scan3A_19 = arith.addi %scan3A_17, %scan3A_18 : i32
    %scan3A_20 = arith.constant 1 : i32
    scf.for %scan3A_50 = %scan3A_17 to %scan3A_19 step %scan3A_20  : i32 {
      %mul3A_51 = arith.constant 2 : i32
      %mul3A_52 = arith.muli %mul3A_51, %scan3A_50 : i32
      %dma_wait3A = arith.constant 0 : i32
      %dma_wait3A_53 = arith.constant 0 : i32
      %dma_wait3A_54 = tpu.memref_slice %arg9[%scan3A_15, %dma_wait3A, %dma_wait3A_53] : memref<2x128x128xf32, #tpu.memory_space<vmem>> -> memref<1x128x128xf32, #tpu.memory_space<vmem>>
      %dma_wait3A_55 = tpu.memref_squeeze %dma_wait3A_54 : memref<1x128x128xf32, #tpu.memory_space<vmem>> -> memref<128x128xf32, #tpu.memory_space<vmem>>
      %dma_wait3A_56 = arith.constant 0 : i32
      %dma_wait3A_57 = tpu.memref_slice %arg7[%mul3A_52, %dma_wait3A_56] : memref<40x128xi32, #tpu.memory_space<vmem>> -> memref<1x128xi32, #tpu.memory_space<vmem>>
      %dma_wait3A_58 = tpu.memref_squeeze %dma_wait3A_57 : memref<1x128xi32, #tpu.memory_space<vmem>> -> memref<128xi32, #tpu.memory_space<vmem>>
      %dma_wait3A_59 = arith.constant 0 : i32
      %dma_wait3A_60 = arith.constant 0 : i32
      %dma_wait3A_61 = tpu.memref_slice %arg2[%dma_wait3A_59, %dma_wait3A_60] : memref<50000x128xf32, #tpu.memory_space<hbm>> -> memref<50000x128xf32, #tpu.memory_space<hbm>>
      tpu.wait_indirect_dma semaphore(%arg11 : memref<!tpu.dma_semaphore, #tpu.memory_space<semaphore_mem>>) src(%dma_wait3A_61 : memref<50000x128xf32, #tpu.memory_space<hbm>>) dst(%dma_wait3A_55 : memref<128x128xf32, #tpu.memory_space<vmem>>)
      %add3A_62 = arith.constant 1 : i32
      %add3A_63 = arith.addi %mul3A_52, %add3A_62 : i32
      %dma_start3A_64 = arith.constant 0 : i32
      %dma_start3A_65 = arith.constant 0 : i32
      %dma_start3A_66 = tpu.memref_slice %arg9[%scan3A_16, %dma_start3A_64, %dma_start3A_65] : memref<2x128x128xf32, #tpu.memory_space<vmem>> -> memref<1x128x128xf32, #tpu.memory_space<vmem>>
      %dma_start3A_67 = tpu.memref_squeeze %dma_start3A_66 : memref<1x128x128xf32, #tpu.memory_space<vmem>> -> memref<128x128xf32, #tpu.memory_space<vmem>>
      %dma_start3A_68 = arith.constant 0 : i32
      %dma_start3A_69 = tpu.memref_slice %arg7[%add3A_63, %dma_start3A_68] : memref<40x128xi32, #tpu.memory_space<vmem>> -> memref<1x128xi32, #tpu.memory_space<vmem>>
      %dma_start3A_70 = tpu.memref_squeeze %dma_start3A_69 : memref<1x128xi32, #tpu.memory_space<vmem>> -> memref<128xi32, #tpu.memory_space<vmem>>
      %dma_start3A_71 = arith.constant 0 : i32
      %dma_start3A_72 = arith.constant 0 : i32
      %dma_start3A_73 = tpu.memref_slice %arg2[%dma_start3A_71, %dma_start3A_72] : memref<50000x128xf32, #tpu.memory_space<hbm>> -> memref<50000x128xf32, #tpu.memory_space<hbm>>
      tpu.enqueue_indirect_dma source(%dma_start3A_73 : memref<50000x128xf32, #tpu.memory_space<hbm>>) target(%dma_start3A_67 : memref<128x128xf32, #tpu.memory_space<vmem>>) offsets(%dma_start3A_70 : memref<128xi32, #tpu.memory_space<vmem>>) semaphore(%arg12 : memref<!tpu.dma_semaphore, #tpu.memory_space<semaphore_mem>>)
      "tpu.region"() ({
        %run_scoped3A_95 = tpu.sem_alloc : memref<!tpu.dma_semaphore, #tpu.memory_space<semaphore_mem>>
        %dma_start3A_96 = arith.constant 0 : i32
        %dma_start3A_97 = arith.constant 0 : i32
        %dma_start3A_98 = tpu.memref_slice %arg9[%scan3A_15, %dma_start3A_96, %dma_start3A_97] : memref<2x128x128xf32, #tpu.memory_space<vmem>> -> memref<1x128x128xf32, #tpu.memory_space<vmem>>
        %dma_start3A_99 = tpu.memref_squeeze %dma_start3A_98 : memref<1x128x128xf32, #tpu.memory_space<vmem>> -> memref<128x128xf32, #tpu.memory_space<vmem>>
        %dma_start3A_100 = arith.constant 0 : i32
        %dma_start3A_101 = tpu.memref_slice %arg8[%mul3A_52, %dma_start3A_100] : memref<40x128xi32, #tpu.memory_space<vmem>> -> memref<1x128xi32, #tpu.memory_space<vmem>>
        %dma_start3A_102 = tpu.memref_squeeze %dma_start3A_101 : memref<1x128xi32, #tpu.memory_space<vmem>> -> memref<128xi32, #tpu.memory_space<vmem>>
        %dma_start3A_103 = arith.constant 0 : i32
        %dma_start3A_104 = arith.constant 0 : i32
        %dma_start3A_105 = tpu.memref_slice %arg10[%dma_start3A_103, %dma_start3A_104] : memref<10128x128xf32, #tpu.memory_space<vmem_shared>> -> memref<10128x128xf32, #tpu.memory_space<vmem_shared>>
        tpu.enqueue_indirect_dma source(%dma_start3A_99 : memref<128x128xf32, #tpu.memory_space<vmem>>) target(%dma_start3A_105 : memref<10128x128xf32, #tpu.memory_space<vmem_shared>>) offsets(%dma_start3A_102 : memref<128xi32, #tpu.memory_space<vmem>>) semaphore(%run_scoped3A_95 : memref<!tpu.dma_semaphore, #tpu.memory_space<semaphore_mem>>) {add = true}
        %dma_wait3A_106 = arith.constant 0 : i32
        %dma_wait3A_107 = arith.constant 0 : i32
        %dma_wait3A_108 = tpu.memref_slice %arg9[%scan3A_15, %dma_wait3A_106, %dma_wait3A_107] : memref<2x128x128xf32, #tpu.memory_space<vmem>> -> memref<1x128x128xf32, #tpu.memory_space<vmem>>
        %dma_wait3A_109 = tpu.memref_squeeze %dma_wait3A_108 : memref<1x128x128xf32, #tpu.memory_space<vmem>> -> memref<128x128xf32, #tpu.memory_space<vmem>>
        %dma_wait3A_110 = arith.constant 0 : i32
        %dma_wait3A_111 = tpu.memref_slice %arg8[%mul3A_52, %dma_wait3A_110] : memref<40x128xi32, #tpu.memory_space<vmem>> -> memref<1x128xi32, #tpu.memory_space<vmem>>
        %dma_wait3A_112 = tpu.memref_squeeze %dma_wait3A_111 : memref<1x128xi32, #tpu.memory_space<vmem>> -> memref<128xi32, #tpu.memory_space<vmem>>
        %dma_wait3A_113 = arith.constant 0 : i32
        %dma_wait3A_114 = arith.constant 0 : i32
        %dma_wait3A_115 = tpu.memref_slice %arg10[%dma_wait3A_113, %dma_wait3A_114] : memref<10128x128xf32, #tpu.memory_space<vmem_shared>> -> memref<10128x128xf32, #tpu.memory_space<vmem_shared>>
        tpu.wait_indirect_dma semaphore(%run_scoped3A_95 : memref<!tpu.dma_semaphore, #tpu.memory_space<semaphore_mem>>) src(%dma_wait3A_109 : memref<128x128xf32, #tpu.memory_space<vmem>>) dst(%dma_wait3A_115 : memref<10128x128xf32, #tpu.memory_space<vmem_shared>>)
        tpu.yield
      }) : () -> ()
      %add3A_74 = arith.constant 1 : i32
      %add3A_75 = arith.addi %mul3A_52, %add3A_74 : i32
      %dma_wait3A_76 = arith.constant 0 : i32
      %dma_wait3A_77 = arith.constant 0 : i32
      %dma_wait3A_78 = tpu.memref_slice %arg9[%scan3A_16, %dma_wait3A_76, %dma_wait3A_77] : memref<2x128x128xf32, #tpu.memory_space<vmem>> -> memref<1x128x128xf32, #tpu.memory_space<vmem>>
      %dma_wait3A_79 = tpu.memref_squeeze %dma_wait3A_78 : memref<1x128x128xf32, #tpu.memory_space<vmem>> -> memref<128x128xf32, #tpu.memory_space<vmem>>
      %dma_wait3A_80 = arith.constant 0 : i32
      %dma_wait3A_81 = tpu.memref_slice %arg7[%add3A_75, %dma_wait3A_80] : memref<40x128xi32, #tpu.memory_space<vmem>> -> memref<1x128xi32, #tpu.memory_space<vmem>>
      %dma_wait3A_82 = tpu.memref_squeeze %dma_wait3A_81 : memref<1x128xi32, #tpu.memory_space<vmem>> -> memref<128xi32, #tpu.memory_space<vmem>>
      %dma_wait3A_83 = arith.constant 0 : i32
      %dma_wait3A_84 = arith.constant 0 : i32
      %dma_wait3A_85 = tpu.memref_slice %arg2[%dma_wait3A_83, %dma_wait3A_84] : memref<50000x128xf32, #tpu.memory_space<hbm>> -> memref<50000x128xf32, #tpu.memory_space<hbm>>
      tpu.wait_indirect_dma semaphore(%arg12 : memref<!tpu.dma_semaphore, #tpu.memory_space<semaphore_mem>>) src(%dma_wait3A_85 : memref<50000x128xf32, #tpu.memory_space<hbm>>) dst(%dma_wait3A_79 : memref<128x128xf32, #tpu.memory_space<vmem>>)
      %add3A_86 = arith.constant 2 : i32
      %add3A_87 = arith.addi %mul3A_52, %add3A_86 : i32
      %lt3A_88 = arith.constant 40 : i32
      %lt3A_89 = arith.cmpi slt, %add3A_87, %lt3A_88 : i32
      %convert_element_type3A_90 = arith.extui %lt3A_89 : i1 to i32
      %cond3A_91 = arith.constant 0 : i32
      %cond3A_92 = arith.cmpi ne, %convert_element_type3A_90, %cond3A_91 : i32
      scf.if %cond3A_92 {
        %add3A_95 = arith.constant 2 : i32
        %add3A_96 = arith.addi %mul3A_52, %add3A_95 : i32
        %dma_start3A_97 = arith.constant 0 : i32
        %dma_start3A_98 = arith.constant 0 : i32
        %dma_start3A_99 = tpu.memref_slice %arg9[%scan3A_15, %dma_start3A_97, %dma_start3A_98] : memref<2x128x128xf32, #tpu.memory_space<vmem>> -> memref<1x128x128xf32, #tpu.memory_space<vmem>>
        %dma_start3A_100 = tpu.memref_squeeze %dma_start3A_99 : memref<1x128x128xf32, #tpu.memory_space<vmem>> -> memref<128x128xf32, #tpu.memory_space<vmem>>
        %dma_start3A_101 = arith.constant 0 : i32
        %dma_start3A_102 = tpu.memref_slice %arg7[%add3A_96, %dma_start3A_101] : memref<40x128xi32, #tpu.memory_space<vmem>> -> memref<1x128xi32, #tpu.memory_space<vmem>>
        %dma_start3A_103 = tpu.memref_squeeze %dma_start3A_102 : memref<1x128xi32, #tpu.memory_space<vmem>> -> memref<128xi32, #tpu.memory_space<vmem>>
        %dma_start3A_104 = arith.constant 0 : i32
        %dma_start3A_105 = arith.constant 0 : i32
        %dma_start3A_106 = tpu.memref_slice %arg2[%dma_start3A_104, %dma_start3A_105] : memref<50000x128xf32, #tpu.memory_space<hbm>> -> memref<50000x128xf32, #tpu.memory_space<hbm>>
        tpu.enqueue_indirect_dma source(%dma_start3A_106 : memref<50000x128xf32, #tpu.memory_space<hbm>>) target(%dma_start3A_100 : memref<128x128xf32, #tpu.memory_space<vmem>>) offsets(%dma_start3A_103 : memref<128xi32, #tpu.memory_space<vmem>>) semaphore(%arg11 : memref<!tpu.dma_semaphore, #tpu.memory_space<semaphore_mem>>)
      } else {
      }
      %add3A_93 = arith.constant 1 : i32
      %add3A_94 = arith.addi %mul3A_52, %add3A_93 : i32
      "tpu.region"() ({
        %run_scoped3A_95 = tpu.sem_alloc : memref<!tpu.dma_semaphore, #tpu.memory_space<semaphore_mem>>
        %dma_start3A_96 = arith.constant 0 : i32
        %dma_start3A_97 = arith.constant 0 : i32
        %dma_start3A_98 = tpu.memref_slice %arg9[%scan3A_16, %dma_start3A_96, %dma_start3A_97] : memref<2x128x128xf32, #tpu.memory_space<vmem>> -> memref<1x128x128xf32, #tpu.memory_space<vmem>>
        %dma_start3A_99 = tpu.memref_squeeze %dma_start3A_98 : memref<1x128x128xf32, #tpu.memory_space<vmem>> -> memref<128x128xf32, #tpu.memory_space<vmem>>
        %dma_start3A_100 = arith.constant 0 : i32
        %dma_start3A_101 = tpu.memref_slice %arg8[%add3A_94, %dma_start3A_100] : memref<40x128xi32, #tpu.memory_space<vmem>> -> memref<1x128xi32, #tpu.memory_space<vmem>>
        %dma_start3A_102 = tpu.memref_squeeze %dma_start3A_101 : memref<1x128xi32, #tpu.memory_space<vmem>> -> memref<128xi32, #tpu.memory_space<vmem>>
        %dma_start3A_103 = arith.constant 0 : i32
        %dma_start3A_104 = arith.constant 0 : i32
        %dma_start3A_105 = tpu.memref_slice %arg10[%dma_start3A_103, %dma_start3A_104] : memref<10128x128xf32, #tpu.memory_space<vmem_shared>> -> memref<10128x128xf32, #tpu.memory_space<vmem_shared>>
        tpu.enqueue_indirect_dma source(%dma_start3A_99 : memref<128x128xf32, #tpu.memory_space<vmem>>) target(%dma_start3A_105 : memref<10128x128xf32, #tpu.memory_space<vmem_shared>>) offsets(%dma_start3A_102 : memref<128xi32, #tpu.memory_space<vmem>>) semaphore(%run_scoped3A_95 : memref<!tpu.dma_semaphore, #tpu.memory_space<semaphore_mem>>) {add = true}
        %dma_wait3A_106 = arith.constant 0 : i32
        %dma_wait3A_107 = arith.constant 0 : i32
        %dma_wait3A_108 = tpu.memref_slice %arg9[%scan3A_16, %dma_wait3A_106, %dma_wait3A_107] : memref<2x128x128xf32, #tpu.memory_space<vmem>> -> memref<1x128x128xf32, #tpu.memory_space<vmem>>
        %dma_wait3A_109 = tpu.memref_squeeze %dma_wait3A_108 : memref<1x128x128xf32, #tpu.memory_space<vmem>> -> memref<128x128xf32, #tpu.memory_space<vmem>>
        %dma_wait3A_110 = arith.constant 0 : i32
        %dma_wait3A_111 = tpu.memref_slice %arg8[%add3A_94, %dma_wait3A_110] : memref<40x128xi32, #tpu.memory_space<vmem>> -> memref<1x128xi32, #tpu.memory_space<vmem>>
        %dma_wait3A_112 = tpu.memref_squeeze %dma_wait3A_111 : memref<1x128xi32, #tpu.memory_space<vmem>> -> memref<128xi32, #tpu.memory_space<vmem>>
        %dma_wait3A_113 = arith.constant 0 : i32
        %dma_wait3A_114 = arith.constant 0 : i32
        %dma_wait3A_115 = tpu.memref_slice %arg10[%dma_wait3A_113, %dma_wait3A_114] : memref<10128x128xf32, #tpu.memory_space<vmem_shared>> -> memref<10128x128xf32, #tpu.memory_space<vmem_shared>>
        tpu.wait_indirect_dma semaphore(%run_scoped3A_95 : memref<!tpu.dma_semaphore, #tpu.memory_space<semaphore_mem>>) src(%dma_wait3A_109 : memref<128x128xf32, #tpu.memory_space<vmem>>) dst(%dma_wait3A_115 : memref<10128x128xf32, #tpu.memory_space<vmem_shared>>)
        tpu.yield
      }) : () -> ()
    }
    %scan3A_21 = arith.constant 20 : i32
    %run_scoped3A_22 = arith.constant 1 : i32
    "tpu.region"() ({
      %run_scoped3A_50 = tpu.sem_alloc : memref<!tpu.dma_semaphore, #tpu.memory_space<semaphore_mem>>
      %dma_start3A_51 = arith.constant 0 : i32
      %dma_start3A_52 = arith.constant 0 : i32
      %dma_start3A_53 = tpu.memref_slice %arg3[%add3A, %run_scoped3A_22, %dma_start3A_51, %dma_start3A_52] : memref<32x2x40x128xi32, #tpu.memory_space<hbm>> -> memref<1x1x40x128xi32, #tpu.memory_space<hbm>>
      %dma_start3A_54 = tpu.memref_squeeze %dma_start3A_53 : memref<1x1x40x128xi32, #tpu.memory_space<hbm>> -> memref<40x128xi32, #tpu.memory_space<hbm>>
      %dma_start3A_55 = arith.constant 0 : i32
      %dma_start3A_56 = arith.constant 0 : i32
      %dma_start3A_57 = tpu.memref_slice %arg3[%add3A, %run_scoped3A_22, %dma_start3A_55, %dma_start3A_56] : memref<32x2x40x128xi32, #tpu.memory_space<hbm>> -> memref<1x1x40x128xi32, #tpu.memory_space<hbm>>
      %dma_start3A_58 = tpu.memref_squeeze %dma_start3A_57 : memref<1x1x40x128xi32, #tpu.memory_space<hbm>> -> memref<40x128xi32, #tpu.memory_space<hbm>>
      tpu.enqueue_dma source(%dma_start3A_58 : memref<40x128xi32, #tpu.memory_space<hbm>>) target(%arg7 : memref<40x128xi32, #tpu.memory_space<vmem>>) target_semaphore(%run_scoped3A_50 : memref<!tpu.dma_semaphore, #tpu.memory_space<semaphore_mem>>)
      %dma_wait3A = arith.constant 0 : i32
      %dma_wait3A_59 = arith.constant 0 : i32
      %dma_wait3A_60 = tpu.memref_slice %arg3[%add3A, %run_scoped3A_22, %dma_wait3A, %dma_wait3A_59] : memref<32x2x40x128xi32, #tpu.memory_space<hbm>> -> memref<1x1x40x128xi32, #tpu.memory_space<hbm>>
      %dma_wait3A_61 = tpu.memref_squeeze %dma_wait3A_60 : memref<1x1x40x128xi32, #tpu.memory_space<hbm>> -> memref<40x128xi32, #tpu.memory_space<hbm>>
      %dma_wait3A_62 = arith.constant 0 : i32
      %dma_wait3A_63 = arith.constant 0 : i32
      %dma_wait3A_64 = tpu.memref_slice %arg3[%add3A, %run_scoped3A_22, %dma_wait3A_62, %dma_wait3A_63] : memref<32x2x40x128xi32, #tpu.memory_space<hbm>> -> memref<1x1x40x128xi32, #tpu.memory_space<hbm>>
      %dma_wait3A_65 = tpu.memref_squeeze %dma_wait3A_64 : memref<1x1x40x128xi32, #tpu.memory_space<hbm>> -> memref<40x128xi32, #tpu.memory_space<hbm>>
      tpu.wait_dma2 semaphore(%run_scoped3A_50 : memref<!tpu.dma_semaphore, #tpu.memory_space<semaphore_mem>>) src(%dma_wait3A_65 : memref<40x128xi32, #tpu.memory_space<hbm>>) dst(%arg7 : memref<40x128xi32, #tpu.memory_space<vmem>>)
      tpu.yield
    }) : () -> ()
    %run_scoped3A_23 = arith.constant 1 : i32
    "tpu.region"() ({
      %run_scoped3A_50 = tpu.sem_alloc : memref<!tpu.dma_semaphore, #tpu.memory_space<semaphore_mem>>
      %dma_start3A_51 = arith.constant 0 : i32
      %dma_start3A_52 = arith.constant 0 : i32
      %dma_start3A_53 = tpu.memref_slice %arg4[%add3A, %run_scoped3A_23, %dma_start3A_51, %dma_start3A_52] : memref<32x2x40x128xi32, #tpu.memory_space<hbm>> -> memref<1x1x40x128xi32, #tpu.memory_space<hbm>>
      %dma_start3A_54 = tpu.memref_squeeze %dma_start3A_53 : memref<1x1x40x128xi32, #tpu.memory_space<hbm>> -> memref<40x128xi32, #tpu.memory_space<hbm>>
      %dma_start3A_55 = arith.constant 0 : i32
      %dma_start3A_56 = arith.constant 0 : i32
      %dma_start3A_57 = tpu.memref_slice %arg4[%add3A, %run_scoped3A_23, %dma_start3A_55, %dma_start3A_56] : memref<32x2x40x128xi32, #tpu.memory_space<hbm>> -> memref<1x1x40x128xi32, #tpu.memory_space<hbm>>
      %dma_start3A_58 = tpu.memref_squeeze %dma_start3A_57 : memref<1x1x40x128xi32, #tpu.memory_space<hbm>> -> memref<40x128xi32, #tpu.memory_space<hbm>>
      tpu.enqueue_dma source(%dma_start3A_58 : memref<40x128xi32, #tpu.memory_space<hbm>>) target(%arg8 : memref<40x128xi32, #tpu.memory_space<vmem>>) target_semaphore(%run_scoped3A_50 : memref<!tpu.dma_semaphore, #tpu.memory_space<semaphore_mem>>)
      %dma_wait3A = arith.constant 0 : i32
      %dma_wait3A_59 = arith.constant 0 : i32
      %dma_wait3A_60 = tpu.memref_slice %arg4[%add3A, %run_scoped3A_23, %dma_wait3A, %dma_wait3A_59] : memref<32x2x40x128xi32, #tpu.memory_space<hbm>> -> memref<1x1x40x128xi32, #tpu.memory_space<hbm>>
      %dma_wait3A_61 = tpu.memref_squeeze %dma_wait3A_60 : memref<1x1x40x128xi32, #tpu.memory_space<hbm>> -> memref<40x128xi32, #tpu.memory_space<hbm>>
      %dma_wait3A_62 = arith.constant 0 : i32
      %dma_wait3A_63 = arith.constant 0 : i32
      %dma_wait3A_64 = tpu.memref_slice %arg4[%add3A, %run_scoped3A_23, %dma_wait3A_62, %dma_wait3A_63] : memref<32x2x40x128xi32, #tpu.memory_space<hbm>> -> memref<1x1x40x128xi32, #tpu.memory_space<hbm>>
      %dma_wait3A_65 = tpu.memref_squeeze %dma_wait3A_64 : memref<1x1x40x128xi32, #tpu.memory_space<hbm>> -> memref<40x128xi32, #tpu.memory_space<hbm>>
      tpu.wait_dma2 semaphore(%run_scoped3A_50 : memref<!tpu.dma_semaphore, #tpu.memory_space<semaphore_mem>>) src(%dma_wait3A_65 : memref<40x128xi32, #tpu.memory_space<hbm>>) dst(%arg8 : memref<40x128xi32, #tpu.memory_space<vmem>>)
      tpu.yield
    }) : () -> ()
    %dma_start3A_24 = arith.constant 0 : i32
    %dma_start3A_25 = arith.constant 0 : i32
    %dma_start3A_26 = arith.constant 0 : i32
    %dma_start3A_27 = arith.constant 0 : i32
    %dma_start3A_28 = tpu.memref_slice %arg9[%dma_start3A_25, %dma_start3A_26, %dma_start3A_27] : memref<2x128x128xf32, #tpu.memory_space<vmem>> -> memref<1x128x128xf32, #tpu.memory_space<vmem>>
    %dma_start3A_29 = tpu.memref_squeeze %dma_start3A_28 : memref<1x128x128xf32, #tpu.memory_space<vmem>> -> memref<128x128xf32, #tpu.memory_space<vmem>>
    %dma_start3A_30 = arith.constant 0 : i32
    %dma_start3A_31 = tpu.memref_slice %arg7[%dma_start3A_24, %dma_start3A_30] : memref<40x128xi32, #tpu.memory_space<vmem>> -> memref<1x128xi32, #tpu.memory_space<vmem>>
    %dma_start3A_32 = tpu.memref_squeeze %dma_start3A_31 : memref<1x128xi32, #tpu.memory_space<vmem>> -> memref<128xi32, #tpu.memory_space<vmem>>
    %dma_start3A_33 = arith.constant 0 : i32
    %dma_start3A_34 = arith.constant 0 : i32
    %dma_start3A_35 = tpu.memref_slice %arg2[%dma_start3A_33, %dma_start3A_34] : memref<50000x128xf32, #tpu.memory_space<hbm>> -> memref<50000x128xf32, #tpu.memory_space<hbm>>
    tpu.enqueue_indirect_dma source(%dma_start3A_35 : memref<50000x128xf32, #tpu.memory_space<hbm>>) target(%dma_start3A_29 : memref<128x128xf32, #tpu.memory_space<vmem>>) offsets(%dma_start3A_32 : memref<128xi32, #tpu.memory_space<vmem>>) semaphore(%arg11 : memref<!tpu.dma_semaphore, #tpu.memory_space<semaphore_mem>>)
    %scan3A_36 = arith.constant 0 : i32
    %scan3A_37 = arith.constant 0 : i32
    %scan3A_38 = arith.constant 1 : i32
    %scan3A_39 = arith.constant 0 : i32
    %scan3A_40 = arith.constant 20 : i32
    %scan3A_41 = arith.addi %scan3A_39, %scan3A_40 : i32
    %scan3A_42 = arith.constant 1 : i32
    scf.for %scan3A_50 = %scan3A_39 to %scan3A_41 step %scan3A_42  : i32 {
      %mul3A_51 = arith.constant 2 : i32
      %mul3A_52 = arith.muli %mul3A_51, %scan3A_50 : i32
      %dma_wait3A = arith.constant 0 : i32
      %dma_wait3A_53 = arith.constant 0 : i32
      %dma_wait3A_54 = tpu.memref_slice %arg9[%scan3A_37, %dma_wait3A, %dma_wait3A_53] : memref<2x128x128xf32, #tpu.memory_space<vmem>> -> memref<1x128x128xf32, #tpu.memory_space<vmem>>
      %dma_wait3A_55 = tpu.memref_squeeze %dma_wait3A_54 : memref<1x128x128xf32, #tpu.memory_space<vmem>> -> memref<128x128xf32, #tpu.memory_space<vmem>>
      %dma_wait3A_56 = arith.constant 0 : i32
      %dma_wait3A_57 = tpu.memref_slice %arg7[%mul3A_52, %dma_wait3A_56] : memref<40x128xi32, #tpu.memory_space<vmem>> -> memref<1x128xi32, #tpu.memory_space<vmem>>
      %dma_wait3A_58 = tpu.memref_squeeze %dma_wait3A_57 : memref<1x128xi32, #tpu.memory_space<vmem>> -> memref<128xi32, #tpu.memory_space<vmem>>
      %dma_wait3A_59 = arith.constant 0 : i32
      %dma_wait3A_60 = arith.constant 0 : i32
      %dma_wait3A_61 = tpu.memref_slice %arg2[%dma_wait3A_59, %dma_wait3A_60] : memref<50000x128xf32, #tpu.memory_space<hbm>> -> memref<50000x128xf32, #tpu.memory_space<hbm>>
      tpu.wait_indirect_dma semaphore(%arg11 : memref<!tpu.dma_semaphore, #tpu.memory_space<semaphore_mem>>) src(%dma_wait3A_61 : memref<50000x128xf32, #tpu.memory_space<hbm>>) dst(%dma_wait3A_55 : memref<128x128xf32, #tpu.memory_space<vmem>>)
      %add3A_62 = arith.constant 1 : i32
      %add3A_63 = arith.addi %mul3A_52, %add3A_62 : i32
      %dma_start3A_64 = arith.constant 0 : i32
      %dma_start3A_65 = arith.constant 0 : i32
      %dma_start3A_66 = tpu.memref_slice %arg9[%scan3A_38, %dma_start3A_64, %dma_start3A_65] : memref<2x128x128xf32, #tpu.memory_space<vmem>> -> memref<1x128x128xf32, #tpu.memory_space<vmem>>
      %dma_start3A_67 = tpu.memref_squeeze %dma_start3A_66 : memref<1x128x128xf32, #tpu.memory_space<vmem>> -> memref<128x128xf32, #tpu.memory_space<vmem>>
      %dma_start3A_68 = arith.constant 0 : i32
      %dma_start3A_69 = tpu.memref_slice %arg7[%add3A_63, %dma_start3A_68] : memref<40x128xi32, #tpu.memory_space<vmem>> -> memref<1x128xi32, #tpu.memory_space<vmem>>
      %dma_start3A_70 = tpu.memref_squeeze %dma_start3A_69 : memref<1x128xi32, #tpu.memory_space<vmem>> -> memref<128xi32, #tpu.memory_space<vmem>>
      %dma_start3A_71 = arith.constant 0 : i32
      %dma_start3A_72 = arith.constant 0 : i32
      %dma_start3A_73 = tpu.memref_slice %arg2[%dma_start3A_71, %dma_start3A_72] : memref<50000x128xf32, #tpu.memory_space<hbm>> -> memref<50000x128xf32, #tpu.memory_space<hbm>>
      tpu.enqueue_indirect_dma source(%dma_start3A_73 : memref<50000x128xf32, #tpu.memory_space<hbm>>) target(%dma_start3A_67 : memref<128x128xf32, #tpu.memory_space<vmem>>) offsets(%dma_start3A_70 : memref<128xi32, #tpu.memory_space<vmem>>) semaphore(%arg12 : memref<!tpu.dma_semaphore, #tpu.memory_space<semaphore_mem>>)
      "tpu.region"() ({
        %run_scoped3A_95 = tpu.sem_alloc : memref<!tpu.dma_semaphore, #tpu.memory_space<semaphore_mem>>
        %dma_start3A_96 = arith.constant 0 : i32
        %dma_start3A_97 = arith.constant 0 : i32
        %dma_start3A_98 = tpu.memref_slice %arg9[%scan3A_37, %dma_start3A_96, %dma_start3A_97] : memref<2x128x128xf32, #tpu.memory_space<vmem>> -> memref<1x128x128xf32, #tpu.memory_space<vmem>>
        %dma_start3A_99 = tpu.memref_squeeze %dma_start3A_98 : memref<1x128x128xf32, #tpu.memory_space<vmem>> -> memref<128x128xf32, #tpu.memory_space<vmem>>
        %dma_start3A_100 = arith.constant 0 : i32
        %dma_start3A_101 = tpu.memref_slice %arg8[%mul3A_52, %dma_start3A_100] : memref<40x128xi32, #tpu.memory_space<vmem>> -> memref<1x128xi32, #tpu.memory_space<vmem>>
        %dma_start3A_102 = tpu.memref_squeeze %dma_start3A_101 : memref<1x128xi32, #tpu.memory_space<vmem>> -> memref<128xi32, #tpu.memory_space<vmem>>
        %dma_start3A_103 = arith.constant 0 : i32
        %dma_start3A_104 = arith.constant 0 : i32
        %dma_start3A_105 = tpu.memref_slice %arg10[%dma_start3A_103, %dma_start3A_104] : memref<10128x128xf32, #tpu.memory_space<vmem_shared>> -> memref<10128x128xf32, #tpu.memory_space<vmem_shared>>
        tpu.enqueue_indirect_dma source(%dma_start3A_99 : memref<128x128xf32, #tpu.memory_space<vmem>>) target(%dma_start3A_105 : memref<10128x128xf32, #tpu.memory_space<vmem_shared>>) offsets(%dma_start3A_102 : memref<128xi32, #tpu.memory_space<vmem>>) semaphore(%run_scoped3A_95 : memref<!tpu.dma_semaphore, #tpu.memory_space<semaphore_mem>>) {add = true}
        %dma_wait3A_106 = arith.constant 0 : i32
        %dma_wait3A_107 = arith.constant 0 : i32
        %dma_wait3A_108 = tpu.memref_slice %arg9[%scan3A_37, %dma_wait3A_106, %dma_wait3A_107] : memref<2x128x128xf32, #tpu.memory_space<vmem>> -> memref<1x128x128xf32, #tpu.memory_space<vmem>>
        %dma_wait3A_109 = tpu.memref_squeeze %dma_wait3A_108 : memref<1x128x128xf32, #tpu.memory_space<vmem>> -> memref<128x128xf32, #tpu.memory_space<vmem>>
        %dma_wait3A_110 = arith.constant 0 : i32
        %dma_wait3A_111 = tpu.memref_slice %arg8[%mul3A_52, %dma_wait3A_110] : memref<40x128xi32, #tpu.memory_space<vmem>> -> memref<1x128xi32, #tpu.memory_space<vmem>>
        %dma_wait3A_112 = tpu.memref_squeeze %dma_wait3A_111 : memref<1x128xi32, #tpu.memory_space<vmem>> -> memref<128xi32, #tpu.memory_space<vmem>>
        %dma_wait3A_113 = arith.constant 0 : i32
        %dma_wait3A_114 = arith.constant 0 : i32
        %dma_wait3A_115 = tpu.memref_slice %arg10[%dma_wait3A_113, %dma_wait3A_114] : memref<10128x128xf32, #tpu.memory_space<vmem_shared>> -> memref<10128x128xf32, #tpu.memory_space<vmem_shared>>
        tpu.wait_indirect_dma semaphore(%run_scoped3A_95 : memref<!tpu.dma_semaphore, #tpu.memory_space<semaphore_mem>>) src(%dma_wait3A_109 : memref<128x128xf32, #tpu.memory_space<vmem>>) dst(%dma_wait3A_115 : memref<10128x128xf32, #tpu.memory_space<vmem_shared>>)
        tpu.yield
      }) : () -> ()
      %add3A_74 = arith.constant 1 : i32
      %add3A_75 = arith.addi %mul3A_52, %add3A_74 : i32
      %dma_wait3A_76 = arith.constant 0 : i32
      %dma_wait3A_77 = arith.constant 0 : i32
      %dma_wait3A_78 = tpu.memref_slice %arg9[%scan3A_38, %dma_wait3A_76, %dma_wait3A_77] : memref<2x128x128xf32, #tpu.memory_space<vmem>> -> memref<1x128x128xf32, #tpu.memory_space<vmem>>
      %dma_wait3A_79 = tpu.memref_squeeze %dma_wait3A_78 : memref<1x128x128xf32, #tpu.memory_space<vmem>> -> memref<128x128xf32, #tpu.memory_space<vmem>>
      %dma_wait3A_80 = arith.constant 0 : i32
      %dma_wait3A_81 = tpu.memref_slice %arg7[%add3A_75, %dma_wait3A_80] : memref<40x128xi32, #tpu.memory_space<vmem>> -> memref<1x128xi32, #tpu.memory_space<vmem>>
      %dma_wait3A_82 = tpu.memref_squeeze %dma_wait3A_81 : memref<1x128xi32, #tpu.memory_space<vmem>> -> memref<128xi32, #tpu.memory_space<vmem>>
      %dma_wait3A_83 = arith.constant 0 : i32
      %dma_wait3A_84 = arith.constant 0 : i32
      %dma_wait3A_85 = tpu.memref_slice %arg2[%dma_wait3A_83, %dma_wait3A_84] : memref<50000x128xf32, #tpu.memory_space<hbm>> -> memref<50000x128xf32, #tpu.memory_space<hbm>>
      tpu.wait_indirect_dma semaphore(%arg12 : memref<!tpu.dma_semaphore, #tpu.memory_space<semaphore_mem>>) src(%dma_wait3A_85 : memref<50000x128xf32, #tpu.memory_space<hbm>>) dst(%dma_wait3A_79 : memref<128x128xf32, #tpu.memory_space<vmem>>)
      %add3A_86 = arith.constant 2 : i32
      %add3A_87 = arith.addi %mul3A_52, %add3A_86 : i32
      %lt3A_88 = arith.constant 40 : i32
      %lt3A_89 = arith.cmpi slt, %add3A_87, %lt3A_88 : i32
      %convert_element_type3A_90 = arith.extui %lt3A_89 : i1 to i32
      %cond3A_91 = arith.constant 0 : i32
      %cond3A_92 = arith.cmpi ne, %convert_element_type3A_90, %cond3A_91 : i32
      scf.if %cond3A_92 {
        %add3A_95 = arith.constant 2 : i32
        %add3A_96 = arith.addi %mul3A_52, %add3A_95 : i32
        %dma_start3A_97 = arith.constant 0 : i32
        %dma_start3A_98 = arith.constant 0 : i32
        %dma_start3A_99 = tpu.memref_slice %arg9[%scan3A_37, %dma_start3A_97, %dma_start3A_98] : memref<2x128x128xf32, #tpu.memory_space<vmem>> -> memref<1x128x128xf32, #tpu.memory_space<vmem>>
        %dma_start3A_100 = tpu.memref_squeeze %dma_start3A_99 : memref<1x128x128xf32, #tpu.memory_space<vmem>> -> memref<128x128xf32, #tpu.memory_space<vmem>>
        %dma_start3A_101 = arith.constant 0 : i32
        %dma_start3A_102 = tpu.memref_slice %arg7[%add3A_96, %dma_start3A_101] : memref<40x128xi32, #tpu.memory_space<vmem>> -> memref<1x128xi32, #tpu.memory_space<vmem>>
        %dma_start3A_103 = tpu.memref_squeeze %dma_start3A_102 : memref<1x128xi32, #tpu.memory_space<vmem>> -> memref<128xi32, #tpu.memory_space<vmem>>
        %dma_start3A_104 = arith.constant 0 : i32
        %dma_start3A_105 = arith.constant 0 : i32
        %dma_start3A_106 = tpu.memref_slice %arg2[%dma_start3A_104, %dma_start3A_105] : memref<50000x128xf32, #tpu.memory_space<hbm>> -> memref<50000x128xf32, #tpu.memory_space<hbm>>
        tpu.enqueue_indirect_dma source(%dma_start3A_106 : memref<50000x128xf32, #tpu.memory_space<hbm>>) target(%dma_start3A_100 : memref<128x128xf32, #tpu.memory_space<vmem>>) offsets(%dma_start3A_103 : memref<128xi32, #tpu.memory_space<vmem>>) semaphore(%arg11 : memref<!tpu.dma_semaphore, #tpu.memory_space<semaphore_mem>>)
      } else {
      }
      %add3A_93 = arith.constant 1 : i32
      %add3A_94 = arith.addi %mul3A_52, %add3A_93 : i32
      "tpu.region"() ({
        %run_scoped3A_95 = tpu.sem_alloc : memref<!tpu.dma_semaphore, #tpu.memory_space<semaphore_mem>>
        %dma_start3A_96 = arith.constant 0 : i32
        %dma_start3A_97 = arith.constant 0 : i32
        %dma_start3A_98 = tpu.memref_slice %arg9[%scan3A_38, %dma_start3A_96, %dma_start3A_97] : memref<2x128x128xf32, #tpu.memory_space<vmem>> -> memref<1x128x128xf32, #tpu.memory_space<vmem>>
        %dma_start3A_99 = tpu.memref_squeeze %dma_start3A_98 : memref<1x128x128xf32, #tpu.memory_space<vmem>> -> memref<128x128xf32, #tpu.memory_space<vmem>>
        %dma_start3A_100 = arith.constant 0 : i32
        %dma_start3A_101 = tpu.memref_slice %arg8[%add3A_94, %dma_start3A_100] : memref<40x128xi32, #tpu.memory_space<vmem>> -> memref<1x128xi32, #tpu.memory_space<vmem>>
        %dma_start3A_102 = tpu.memref_squeeze %dma_start3A_101 : memref<1x128xi32, #tpu.memory_space<vmem>> -> memref<128xi32, #tpu.memory_space<vmem>>
        %dma_start3A_103 = arith.constant 0 : i32
        %dma_start3A_104 = arith.constant 0 : i32
        %dma_start3A_105 = tpu.memref_slice %arg10[%dma_start3A_103, %dma_start3A_104] : memref<10128x128xf32, #tpu.memory_space<vmem_shared>> -> memref<10128x128xf32, #tpu.memory_space<vmem_shared>>
        tpu.enqueue_indirect_dma source(%dma_start3A_99 : memref<128x128xf32, #tpu.memory_space<vmem>>) target(%dma_start3A_105 : memref<10128x128xf32, #tpu.memory_space<vmem_shared>>) offsets(%dma_start3A_102 : memref<128xi32, #tpu.memory_space<vmem>>) semaphore(%run_scoped3A_95 : memref<!tpu.dma_semaphore, #tpu.memory_space<semaphore_mem>>) {add = true}
        %dma_wait3A_106 = arith.constant 0 : i32
        %dma_wait3A_107 = arith.constant 0 : i32
        %dma_wait3A_108 = tpu.memref_slice %arg9[%scan3A_38, %dma_wait3A_106, %dma_wait3A_107] : memref<2x128x128xf32, #tpu.memory_space<vmem>> -> memref<1x128x128xf32, #tpu.memory_space<vmem>>
        %dma_wait3A_109 = tpu.memref_squeeze %dma_wait3A_108 : memref<1x128x128xf32, #tpu.memory_space<vmem>> -> memref<128x128xf32, #tpu.memory_space<vmem>>
        %dma_wait3A_110 = arith.constant 0 : i32
        %dma_wait3A_111 = tpu.memref_slice %arg8[%add3A_94, %dma_wait3A_110] : memref<40x128xi32, #tpu.memory_space<vmem>> -> memref<1x128xi32, #tpu.memory_space<vmem>>
        %dma_wait3A_112 = tpu.memref_squeeze %dma_wait3A_111 : memref<1x128xi32, #tpu.memory_space<vmem>> -> memref<128xi32, #tpu.memory_space<vmem>>
        %dma_wait3A_113 = arith.constant 0 : i32
        %dma_wait3A_114 = arith.constant 0 : i32
        %dma_wait3A_115 = tpu.memref_slice %arg10[%dma_wait3A_113, %dma_wait3A_114] : memref<10128x128xf32, #tpu.memory_space<vmem_shared>> -> memref<10128x128xf32, #tpu.memory_space<vmem_shared>>
        tpu.wait_indirect_dma semaphore(%run_scoped3A_95 : memref<!tpu.dma_semaphore, #tpu.memory_space<semaphore_mem>>) src(%dma_wait3A_109 : memref<128x128xf32, #tpu.memory_space<vmem>>) dst(%dma_wait3A_115 : memref<10128x128xf32, #tpu.memory_space<vmem_shared>>)
        tpu.yield
      }) : () -> ()
    }
    %scan3A_43 = arith.constant 20 : i32
    %barrier3A_44 = arith.constant 0 : index
    tpu.barrier barrier_id(%barrier3A_44)
    %lt3A_45 = arith.constant 10 : i32
    %lt3A_46 = arith.cmpi slt, %arg1, %lt3A_45 : i32
    %convert_element_type3A_47 = arith.extui %lt3A_46 : i1 to i32
    %cond3A_48 = arith.constant 0 : i32
    %cond3A_49 = arith.cmpi ne, %convert_element_type3A_47, %cond3A_48 : i32
    scf.if %cond3A_49 {
      %mul3A_50 = arith.constant 1000 : i32
      %mul3A_51 = arith.muli %arg1, %mul3A_50 : i32
      %mul3A_52 = arith.constant 1000 : i32
      %mul3A_53 = arith.muli %arg1, %mul3A_52 : i32
      "tpu.region"() ({
        %run_scoped3A_54 = tpu.sem_alloc : memref<!tpu.dma_semaphore, #tpu.memory_space<semaphore_mem>>
        %dma_start3A_55 = arith.constant 0 : i32
        %dma_start3A_56 = tpu.memref_slice %arg6[%arg0, %mul3A_53, %dma_start3A_55] : memref<2x10000x128xf32, #tpu.memory_space<hbm>> -> memref<1x1000x128xf32, #tpu.memory_space<hbm>>
        %dma_start3A_57 = tpu.memref_squeeze %dma_start3A_56 : memref<1x1000x128xf32, #tpu.memory_space<hbm>> -> memref<1000x128xf32, #tpu.memory_space<hbm>>
        %dma_start3A_58 = arith.constant 0 : i32
        %dma_start3A_59 = tpu.memref_slice %arg10[%mul3A_51, %dma_start3A_58] : memref<10128x128xf32, #tpu.memory_space<vmem_shared>> -> memref<1000x128xf32, #tpu.memory_space<vmem_shared>>
        tpu.enqueue_dma source(%dma_start3A_59 : memref<1000x128xf32, #tpu.memory_space<vmem_shared>>) target(%dma_start3A_57 : memref<1000x128xf32, #tpu.memory_space<hbm>>) target_semaphore(%run_scoped3A_54 : memref<!tpu.dma_semaphore, #tpu.memory_space<semaphore_mem>>)
        %dma_wait3A = arith.constant 0 : i32
        %dma_wait3A_60 = tpu.memref_slice %arg6[%arg0, %mul3A_53, %dma_wait3A] : memref<2x10000x128xf32, #tpu.memory_space<hbm>> -> memref<1x1000x128xf32, #tpu.memory_space<hbm>>
        %dma_wait3A_61 = tpu.memref_squeeze %dma_wait3A_60 : memref<1x1000x128xf32, #tpu.memory_space<hbm>> -> memref<1000x128xf32, #tpu.memory_space<hbm>>
        %dma_wait3A_62 = arith.constant 0 : i32
        %dma_wait3A_63 = tpu.memref_slice %arg10[%mul3A_51, %dma_wait3A_62] : memref<10128x128xf32, #tpu.memory_space<vmem_shared>> -> memref<1000x128xf32, #tpu.memory_space<vmem_shared>>
        tpu.wait_dma2 semaphore(%run_scoped3A_54 : memref<!tpu.dma_semaphore, #tpu.memory_space<semaphore_mem>>) src(%dma_wait3A_63 : memref<1000x128xf32, #tpu.memory_space<vmem_shared>>) dst(%dma_wait3A_61 : memref<1000x128xf32, #tpu.memory_space<hbm>>)
        tpu.yield
      }) : () -> ()
    } else {
    }
    return
  }
}

#map = affine_map<(d0, d1) -> (0, 0)>
#map1 = affine_map<(d0, d1) -> (0, 0, 0, 0)>
#map2 = affine_map<(d0, d1) -> (0, 0, 0)>
module attributes {stable_mosaic.version = 14 : i64} {
  func.func @_sc_body(%arg0: i32, %arg1: i32, %arg2: memref<50000x128xf32, #tpu.memory_space<hbm>>, %arg3: memref<32x2x40x128xi32, #tpu.memory_space<hbm>>, %arg4: memref<32x2x40x128xi32, #tpu.memory_space<hbm>>, %arg5: memref<1000x128xf32, #tpu.memory_space<hbm>>, %arg6: memref<2x10000x128xf32, #tpu.memory_space<hbm>>, %arg7: memref<40x128xi32, #tpu.memory_space<vmem>>, %arg8: memref<40x128xi32, #tpu.memory_space<vmem>>, %arg9: memref<2x128x128xf32, #tpu.memory_space<vmem>>, %arg10: memref<10128x128xf32, #tpu.memory_space<vmem_shared>>, %arg11: memref<!tpu.dma_semaphore, #tpu.memory_space<semaphore_mem>>, %arg12: memref<!tpu.dma_semaphore, #tpu.memory_space<semaphore_mem>>) attributes {dimension_semantics = [#tpu.dimension_semantics<core_parallel>, #tpu.dimension_semantics<subcore_parallel>], iteration_bounds = array<i64: 2, 16>, scalar_prefetch = 0 : i64, scratch_operands = 6 : i64, tpu.core_type = #tpu.core_type<sc_vector_subcore>, window_params = [{transform_indices = #map}, {transform_indices = #map1}, {transform_indices = #map1}, {transform_indices = #map}, {transform_indices = #map2}]} {
    %mul3A = arith.constant 16 : i32
    %mul3A_0 = arith.muli %arg0, %mul3A : i32
    %add3A = arith.addi %mul3A_0, %arg1 : i32
    %lt3A = arith.constant 10 : i32
    %lt3A_1 = arith.cmpi slt, %arg1, %lt3A : i32
    %convert_element_type3A = arith.extui %lt3A_1 : i1 to i32
    %cond3A = arith.constant 0 : i32
    %cond3A_2 = arith.cmpi ne, %convert_element_type3A, %cond3A : i32
    scf.if %cond3A_2 {
      %mul3A_50 = arith.constant 1000 : i32
      %mul3A_51 = arith.muli %arg1, %mul3A_50 : i32
      "tpu.region"() ({
        %run_scoped3A_52 = tpu.sem_alloc : memref<!tpu.dma_semaphore, #tpu.memory_space<semaphore_mem>>
        %dma_start3A_53 = arith.constant 0 : i32
        %dma_start3A_54 = tpu.memref_slice %arg10[%mul3A_51, %dma_start3A_53] : memref<10128x128xf32, #tpu.memory_space<vmem_shared>> -> memref<1000x128xf32, #tpu.memory_space<vmem_shared>>
        tpu.enqueue_dma source(%arg5 : memref<1000x128xf32, #tpu.memory_space<hbm>>) target(%dma_start3A_54 : memref<1000x128xf32, #tpu.memory_space<vmem_shared>>) target_semaphore(%run_scoped3A_52 : memref<!tpu.dma_semaphore, #tpu.memory_space<semaphore_mem>>)
        %dma_wait3A = arith.constant 0 : i32
        %dma_wait3A_55 = tpu.memref_slice %arg10[%mul3A_51, %dma_wait3A] : memref<10128x128xf32, #tpu.memory_space<vmem_shared>> -> memref<1000x128xf32, #tpu.memory_space<vmem_shared>>
        tpu.wait_dma2 semaphore(%run_scoped3A_52 : memref<!tpu.dma_semaphore, #tpu.memory_space<semaphore_mem>>) src(%arg5 : memref<1000x128xf32, #tpu.memory_space<hbm>>) dst(%dma_wait3A_55 : memref<1000x128xf32, #tpu.memory_space<vmem_shared>>)
        tpu.yield
      }) : () -> ()
    } else {
    }
    %barrier3A = arith.constant 0 : index
    tpu.barrier barrier_id(%barrier3A)
    %run_scoped3A = arith.constant 0 : i32
    "tpu.region"() ({
      %run_scoped3A_50 = tpu.sem_alloc : memref<!tpu.dma_semaphore, #tpu.memory_space<semaphore_mem>>
      %dma_start3A_51 = arith.constant 0 : i32
      %dma_start3A_52 = arith.constant 0 : i32
      %dma_start3A_53 = tpu.memref_slice %arg3[%add3A, %run_scoped3A, %dma_start3A_51, %dma_start3A_52] : memref<32x2x40x128xi32, #tpu.memory_space<hbm>> -> memref<1x1x40x128xi32, #tpu.memory_space<hbm>>
      %dma_start3A_54 = tpu.memref_squeeze %dma_start3A_53 : memref<1x1x40x128xi32, #tpu.memory_space<hbm>> -> memref<40x128xi32, #tpu.memory_space<hbm>>
      %dma_start3A_55 = arith.constant 0 : i32
      %dma_start3A_56 = arith.constant 0 : i32
      %dma_start3A_57 = tpu.memref_slice %arg3[%add3A, %run_scoped3A, %dma_start3A_55, %dma_start3A_56] : memref<32x2x40x128xi32, #tpu.memory_space<hbm>> -> memref<1x1x40x128xi32, #tpu.memory_space<hbm>>
      %dma_start3A_58 = tpu.memref_squeeze %dma_start3A_57 : memref<1x1x40x128xi32, #tpu.memory_space<hbm>> -> memref<40x128xi32, #tpu.memory_space<hbm>>
      tpu.enqueue_dma source(%dma_start3A_58 : memref<40x128xi32, #tpu.memory_space<hbm>>) target(%arg7 : memref<40x128xi32, #tpu.memory_space<vmem>>) target_semaphore(%run_scoped3A_50 : memref<!tpu.dma_semaphore, #tpu.memory_space<semaphore_mem>>)
      %dma_wait3A = arith.constant 0 : i32
      %dma_wait3A_59 = arith.constant 0 : i32
      %dma_wait3A_60 = tpu.memref_slice %arg3[%add3A, %run_scoped3A, %dma_wait3A, %dma_wait3A_59] : memref<32x2x40x128xi32, #tpu.memory_space<hbm>> -> memref<1x1x40x128xi32, #tpu.memory_space<hbm>>
      %dma_wait3A_61 = tpu.memref_squeeze %dma_wait3A_60 : memref<1x1x40x128xi32, #tpu.memory_space<hbm>> -> memref<40x128xi32, #tpu.memory_space<hbm>>
      %dma_wait3A_62 = arith.constant 0 : i32
      %dma_wait3A_63 = arith.constant 0 : i32
      %dma_wait3A_64 = tpu.memref_slice %arg3[%add3A, %run_scoped3A, %dma_wait3A_62, %dma_wait3A_63] : memref<32x2x40x128xi32, #tpu.memory_space<hbm>> -> memref<1x1x40x128xi32, #tpu.memory_space<hbm>>
      %dma_wait3A_65 = tpu.memref_squeeze %dma_wait3A_64 : memref<1x1x40x128xi32, #tpu.memory_space<hbm>> -> memref<40x128xi32, #tpu.memory_space<hbm>>
      tpu.wait_dma2 semaphore(%run_scoped3A_50 : memref<!tpu.dma_semaphore, #tpu.memory_space<semaphore_mem>>) src(%dma_wait3A_65 : memref<40x128xi32, #tpu.memory_space<hbm>>) dst(%arg7 : memref<40x128xi32, #tpu.memory_space<vmem>>)
      tpu.yield
    }) : () -> ()
    %run_scoped3A_3 = arith.constant 0 : i32
    "tpu.region"() ({
      %run_scoped3A_50 = tpu.sem_alloc : memref<!tpu.dma_semaphore, #tpu.memory_space<semaphore_mem>>
      %dma_start3A_51 = arith.constant 0 : i32
      %dma_start3A_52 = arith.constant 0 : i32
      %dma_start3A_53 = tpu.memref_slice %arg4[%add3A, %run_scoped3A_3, %dma_start3A_51, %dma_start3A_52] : memref<32x2x40x128xi32, #tpu.memory_space<hbm>> -> memref<1x1x40x128xi32, #tpu.memory_space<hbm>>
      %dma_start3A_54 = tpu.memref_squeeze %dma_start3A_53 : memref<1x1x40x128xi32, #tpu.memory_space<hbm>> -> memref<40x128xi32, #tpu.memory_space<hbm>>
      %dma_start3A_55 = arith.constant 0 : i32
      %dma_start3A_56 = arith.constant 0 : i32
      %dma_start3A_57 = tpu.memref_slice %arg4[%add3A, %run_scoped3A_3, %dma_start3A_55, %dma_start3A_56] : memref<32x2x40x128xi32, #tpu.memory_space<hbm>> -> memref<1x1x40x128xi32, #tpu.memory_space<hbm>>
      %dma_start3A_58 = tpu.memref_squeeze %dma_start3A_57 : memref<1x1x40x128xi32, #tpu.memory_space<hbm>> -> memref<40x128xi32, #tpu.memory_space<hbm>>
      tpu.enqueue_dma source(%dma_start3A_58 : memref<40x128xi32, #tpu.memory_space<hbm>>) target(%arg8 : memref<40x128xi32, #tpu.memory_space<vmem>>) target_semaphore(%run_scoped3A_50 : memref<!tpu.dma_semaphore, #tpu.memory_space<semaphore_mem>>)
      %dma_wait3A = arith.constant 0 : i32
      %dma_wait3A_59 = arith.constant 0 : i32
      %dma_wait3A_60 = tpu.memref_slice %arg4[%add3A, %run_scoped3A_3, %dma_wait3A, %dma_wait3A_59] : memref<32x2x40x128xi32, #tpu.memory_space<hbm>> -> memref<1x1x40x128xi32, #tpu.memory_space<hbm>>
      %dma_wait3A_61 = tpu.memref_squeeze %dma_wait3A_60 : memref<1x1x40x128xi32, #tpu.memory_space<hbm>> -> memref<40x128xi32, #tpu.memory_space<hbm>>
      %dma_wait3A_62 = arith.constant 0 : i32
      %dma_wait3A_63 = arith.constant 0 : i32
      %dma_wait3A_64 = tpu.memref_slice %arg4[%add3A, %run_scoped3A_3, %dma_wait3A_62, %dma_wait3A_63] : memref<32x2x40x128xi32, #tpu.memory_space<hbm>> -> memref<1x1x40x128xi32, #tpu.memory_space<hbm>>
      %dma_wait3A_65 = tpu.memref_squeeze %dma_wait3A_64 : memref<1x1x40x128xi32, #tpu.memory_space<hbm>> -> memref<40x128xi32, #tpu.memory_space<hbm>>
      tpu.wait_dma2 semaphore(%run_scoped3A_50 : memref<!tpu.dma_semaphore, #tpu.memory_space<semaphore_mem>>) src(%dma_wait3A_65 : memref<40x128xi32, #tpu.memory_space<hbm>>) dst(%arg8 : memref<40x128xi32, #tpu.memory_space<vmem>>)
      tpu.yield
    }) : () -> ()
    %dma_start3A = arith.constant 0 : i32
    %dma_start3A_4 = arith.constant 0 : i32
    %dma_start3A_5 = arith.constant 0 : i32
    %dma_start3A_6 = arith.constant 0 : i32
    %dma_start3A_7 = tpu.memref_slice %arg9[%dma_start3A_4, %dma_start3A_5, %dma_start3A_6] : memref<2x128x128xf32, #tpu.memory_space<vmem>> -> memref<1x128x128xf32, #tpu.memory_space<vmem>>
    %dma_start3A_8 = tpu.memref_squeeze %dma_start3A_7 : memref<1x128x128xf32, #tpu.memory_space<vmem>> -> memref<128x128xf32, #tpu.memory_space<vmem>>
    %dma_start3A_9 = arith.constant 0 : i32
    %dma_start3A_10 = tpu.memref_slice %arg7[%dma_start3A, %dma_start3A_9] : memref<40x128xi32, #tpu.memory_space<vmem>> -> memref<1x128xi32, #tpu.memory_space<vmem>>
    %dma_start3A_11 = tpu.memref_squeeze %dma_start3A_10 : memref<1x128xi32, #tpu.memory_space<vmem>> -> memref<128xi32, #tpu.memory_space<vmem>>
    %dma_start3A_12 = arith.constant 0 : i32
    %dma_start3A_13 = arith.constant 0 : i32
    %dma_start3A_14 = tpu.memref_slice %arg2[%dma_start3A_12, %dma_start3A_13] : memref<50000x128xf32, #tpu.memory_space<hbm>> -> memref<50000x128xf32, #tpu.memory_space<hbm>>
    tpu.enqueue_indirect_dma source(%dma_start3A_14 : memref<50000x128xf32, #tpu.memory_space<hbm>>) target(%dma_start3A_8 : memref<128x128xf32, #tpu.memory_space<vmem>>) offsets(%dma_start3A_11 : memref<128xi32, #tpu.memory_space<vmem>>) semaphore(%arg11 : memref<!tpu.dma_semaphore, #tpu.memory_space<semaphore_mem>>)
    %scan3A = arith.constant 0 : i32
    %scan3A_15 = arith.constant 0 : i32
    %scan3A_16 = arith.constant 1 : i32
    %scan3A_17 = arith.constant 0 : i32
    %scan3A_18 = arith.constant 20 : i32
    %scan3A_19 = arith.addi %scan3A_17, %scan3A_18 : i32
    %scan3A_20 = arith.constant 1 : i32
    scf.for %scan3A_50 = %scan3A_17 to %scan3A_19 step %scan3A_20  : i32 {
      %mul3A_51 = arith.constant 2 : i32
      %mul3A_52 = arith.muli %mul3A_51, %scan3A_50 : i32
      %dma_wait3A = arith.constant 0 : i32
      %dma_wait3A_53 = arith.constant 0 : i32
      %dma_wait3A_54 = tpu.memref_slice %arg9[%scan3A_15, %dma_wait3A, %dma_wait3A_53] : memref<2x128x128xf32, #tpu.memory_space<vmem>> -> memref<1x128x128xf32, #tpu.memory_space<vmem>>
      %dma_wait3A_55 = tpu.memref_squeeze %dma_wait3A_54 : memref<1x128x128xf32, #tpu.memory_space<vmem>> -> memref<128x128xf32, #tpu.memory_space<vmem>>
      %dma_wait3A_56 = arith.constant 0 : i32
      %dma_wait3A_57 = tpu.memref_slice %arg7[%mul3A_52, %dma_wait3A_56] : memref<40x128xi32, #tpu.memory_space<vmem>> -> memref<1x128xi32, #tpu.memory_space<vmem>>
      %dma_wait3A_58 = tpu.memref_squeeze %dma_wait3A_57 : memref<1x128xi32, #tpu.memory_space<vmem>> -> memref<128xi32, #tpu.memory_space<vmem>>
      %dma_wait3A_59 = arith.constant 0 : i32
      %dma_wait3A_60 = arith.constant 0 : i32
      %dma_wait3A_61 = tpu.memref_slice %arg2[%dma_wait3A_59, %dma_wait3A_60] : memref<50000x128xf32, #tpu.memory_space<hbm>> -> memref<50000x128xf32, #tpu.memory_space<hbm>>
      tpu.wait_indirect_dma semaphore(%arg11 : memref<!tpu.dma_semaphore, #tpu.memory_space<semaphore_mem>>) src(%dma_wait3A_61 : memref<50000x128xf32, #tpu.memory_space<hbm>>) dst(%dma_wait3A_55 : memref<128x128xf32, #tpu.memory_space<vmem>>)
      %add3A_62 = arith.constant 1 : i32
      %add3A_63 = arith.addi %mul3A_52, %add3A_62 : i32
      %dma_start3A_64 = arith.constant 0 : i32
      %dma_start3A_65 = arith.constant 0 : i32
      %dma_start3A_66 = tpu.memref_slice %arg9[%scan3A_16, %dma_start3A_64, %dma_start3A_65] : memref<2x128x128xf32, #tpu.memory_space<vmem>> -> memref<1x128x128xf32, #tpu.memory_space<vmem>>
      %dma_start3A_67 = tpu.memref_squeeze %dma_start3A_66 : memref<1x128x128xf32, #tpu.memory_space<vmem>> -> memref<128x128xf32, #tpu.memory_space<vmem>>
      %dma_start3A_68 = arith.constant 0 : i32
      %dma_start3A_69 = tpu.memref_slice %arg7[%add3A_63, %dma_start3A_68] : memref<40x128xi32, #tpu.memory_space<vmem>> -> memref<1x128xi32, #tpu.memory_space<vmem>>
      %dma_start3A_70 = tpu.memref_squeeze %dma_start3A_69 : memref<1x128xi32, #tpu.memory_space<vmem>> -> memref<128xi32, #tpu.memory_space<vmem>>
      %dma_start3A_71 = arith.constant 0 : i32
      %dma_start3A_72 = arith.constant 0 : i32
      %dma_start3A_73 = tpu.memref_slice %arg2[%dma_start3A_71, %dma_start3A_72] : memref<50000x128xf32, #tpu.memory_space<hbm>> -> memref<50000x128xf32, #tpu.memory_space<hbm>>
      tpu.enqueue_indirect_dma source(%dma_start3A_73 : memref<50000x128xf32, #tpu.memory_space<hbm>>) target(%dma_start3A_67 : memref<128x128xf32, #tpu.memory_space<vmem>>) offsets(%dma_start3A_70 : memref<128xi32, #tpu.memory_space<vmem>>) semaphore(%arg12 : memref<!tpu.dma_semaphore, #tpu.memory_space<semaphore_mem>>)
      "tpu.region"() ({
        %run_scoped3A_95 = tpu.sem_alloc : memref<!tpu.dma_semaphore, #tpu.memory_space<semaphore_mem>>
        %dma_start3A_96 = arith.constant 0 : i32
        %dma_start3A_97 = arith.constant 0 : i32
        %dma_start3A_98 = tpu.memref_slice %arg9[%scan3A_15, %dma_start3A_96, %dma_start3A_97] : memref<2x128x128xf32, #tpu.memory_space<vmem>> -> memref<1x128x128xf32, #tpu.memory_space<vmem>>
        %dma_start3A_99 = tpu.memref_squeeze %dma_start3A_98 : memref<1x128x128xf32, #tpu.memory_space<vmem>> -> memref<128x128xf32, #tpu.memory_space<vmem>>
        %dma_start3A_100 = arith.constant 0 : i32
        %dma_start3A_101 = tpu.memref_slice %arg8[%mul3A_52, %dma_start3A_100] : memref<40x128xi32, #tpu.memory_space<vmem>> -> memref<1x128xi32, #tpu.memory_space<vmem>>
        %dma_start3A_102 = tpu.memref_squeeze %dma_start3A_101 : memref<1x128xi32, #tpu.memory_space<vmem>> -> memref<128xi32, #tpu.memory_space<vmem>>
        %dma_start3A_103 = arith.constant 0 : i32
        %dma_start3A_104 = arith.constant 0 : i32
        %dma_start3A_105 = tpu.memref_slice %arg10[%dma_start3A_103, %dma_start3A_104] : memref<10128x128xf32, #tpu.memory_space<vmem_shared>> -> memref<10128x128xf32, #tpu.memory_space<vmem_shared>>
        tpu.enqueue_indirect_dma source(%dma_start3A_99 : memref<128x128xf32, #tpu.memory_space<vmem>>) target(%dma_start3A_105 : memref<10128x128xf32, #tpu.memory_space<vmem_shared>>) offsets(%dma_start3A_102 : memref<128xi32, #tpu.memory_space<vmem>>) semaphore(%run_scoped3A_95 : memref<!tpu.dma_semaphore, #tpu.memory_space<semaphore_mem>>) {add = true}
        %dma_wait3A_106 = arith.constant 0 : i32
        %dma_wait3A_107 = arith.constant 0 : i32
        %dma_wait3A_108 = tpu.memref_slice %arg9[%scan3A_15, %dma_wait3A_106, %dma_wait3A_107] : memref<2x128x128xf32, #tpu.memory_space<vmem>> -> memref<1x128x128xf32, #tpu.memory_space<vmem>>
        %dma_wait3A_109 = tpu.memref_squeeze %dma_wait3A_108 : memref<1x128x128xf32, #tpu.memory_space<vmem>> -> memref<128x128xf32, #tpu.memory_space<vmem>>
        %dma_wait3A_110 = arith.constant 0 : i32
        %dma_wait3A_111 = tpu.memref_slice %arg8[%mul3A_52, %dma_wait3A_110] : memref<40x128xi32, #tpu.memory_space<vmem>> -> memref<1x128xi32, #tpu.memory_space<vmem>>
        %dma_wait3A_112 = tpu.memref_squeeze %dma_wait3A_111 : memref<1x128xi32, #tpu.memory_space<vmem>> -> memref<128xi32, #tpu.memory_space<vmem>>
        %dma_wait3A_113 = arith.constant 0 : i32
        %dma_wait3A_114 = arith.constant 0 : i32
        %dma_wait3A_115 = tpu.memref_slice %arg10[%dma_wait3A_113, %dma_wait3A_114] : memref<10128x128xf32, #tpu.memory_space<vmem_shared>> -> memref<10128x128xf32, #tpu.memory_space<vmem_shared>>
        tpu.wait_indirect_dma semaphore(%run_scoped3A_95 : memref<!tpu.dma_semaphore, #tpu.memory_space<semaphore_mem>>) src(%dma_wait3A_109 : memref<128x128xf32, #tpu.memory_space<vmem>>) dst(%dma_wait3A_115 : memref<10128x128xf32, #tpu.memory_space<vmem_shared>>)
        tpu.yield
      }) : () -> ()
      %add3A_74 = arith.constant 1 : i32
      %add3A_75 = arith.addi %mul3A_52, %add3A_74 : i32
      %dma_wait3A_76 = arith.constant 0 : i32
      %dma_wait3A_77 = arith.constant 0 : i32
      %dma_wait3A_78 = tpu.memref_slice %arg9[%scan3A_16, %dma_wait3A_76, %dma_wait3A_77] : memref<2x128x128xf32, #tpu.memory_space<vmem>> -> memref<1x128x128xf32, #tpu.memory_space<vmem>>
      %dma_wait3A_79 = tpu.memref_squeeze %dma_wait3A_78 : memref<1x128x128xf32, #tpu.memory_space<vmem>> -> memref<128x128xf32, #tpu.memory_space<vmem>>
      %dma_wait3A_80 = arith.constant 0 : i32
      %dma_wait3A_81 = tpu.memref_slice %arg7[%add3A_75, %dma_wait3A_80] : memref<40x128xi32, #tpu.memory_space<vmem>> -> memref<1x128xi32, #tpu.memory_space<vmem>>
      %dma_wait3A_82 = tpu.memref_squeeze %dma_wait3A_81 : memref<1x128xi32, #tpu.memory_space<vmem>> -> memref<128xi32, #tpu.memory_space<vmem>>
      %dma_wait3A_83 = arith.constant 0 : i32
      %dma_wait3A_84 = arith.constant 0 : i32
      %dma_wait3A_85 = tpu.memref_slice %arg2[%dma_wait3A_83, %dma_wait3A_84] : memref<50000x128xf32, #tpu.memory_space<hbm>> -> memref<50000x128xf32, #tpu.memory_space<hbm>>
      tpu.wait_indirect_dma semaphore(%arg12 : memref<!tpu.dma_semaphore, #tpu.memory_space<semaphore_mem>>) src(%dma_wait3A_85 : memref<50000x128xf32, #tpu.memory_space<hbm>>) dst(%dma_wait3A_79 : memref<128x128xf32, #tpu.memory_space<vmem>>)
      %add3A_86 = arith.constant 2 : i32
      %add3A_87 = arith.addi %mul3A_52, %add3A_86 : i32
      %lt3A_88 = arith.constant 40 : i32
      %lt3A_89 = arith.cmpi slt, %add3A_87, %lt3A_88 : i32
      %convert_element_type3A_90 = arith.extui %lt3A_89 : i1 to i32
      %cond3A_91 = arith.constant 0 : i32
      %cond3A_92 = arith.cmpi ne, %convert_element_type3A_90, %cond3A_91 : i32
      scf.if %cond3A_92 {
        %add3A_95 = arith.constant 2 : i32
        %add3A_96 = arith.addi %mul3A_52, %add3A_95 : i32
        %dma_start3A_97 = arith.constant 0 : i32
        %dma_start3A_98 = arith.constant 0 : i32
        %dma_start3A_99 = tpu.memref_slice %arg9[%scan3A_15, %dma_start3A_97, %dma_start3A_98] : memref<2x128x128xf32, #tpu.memory_space<vmem>> -> memref<1x128x128xf32, #tpu.memory_space<vmem>>
        %dma_start3A_100 = tpu.memref_squeeze %dma_start3A_99 : memref<1x128x128xf32, #tpu.memory_space<vmem>> -> memref<128x128xf32, #tpu.memory_space<vmem>>
        %dma_start3A_101 = arith.constant 0 : i32
        %dma_start3A_102 = tpu.memref_slice %arg7[%add3A_96, %dma_start3A_101] : memref<40x128xi32, #tpu.memory_space<vmem>> -> memref<1x128xi32, #tpu.memory_space<vmem>>
        %dma_start3A_103 = tpu.memref_squeeze %dma_start3A_102 : memref<1x128xi32, #tpu.memory_space<vmem>> -> memref<128xi32, #tpu.memory_space<vmem>>
        %dma_start3A_104 = arith.constant 0 : i32
        %dma_start3A_105 = arith.constant 0 : i32
        %dma_start3A_106 = tpu.memref_slice %arg2[%dma_start3A_104, %dma_start3A_105] : memref<50000x128xf32, #tpu.memory_space<hbm>> -> memref<50000x128xf32, #tpu.memory_space<hbm>>
        tpu.enqueue_indirect_dma source(%dma_start3A_106 : memref<50000x128xf32, #tpu.memory_space<hbm>>) target(%dma_start3A_100 : memref<128x128xf32, #tpu.memory_space<vmem>>) offsets(%dma_start3A_103 : memref<128xi32, #tpu.memory_space<vmem>>) semaphore(%arg11 : memref<!tpu.dma_semaphore, #tpu.memory_space<semaphore_mem>>)
      } else {
      }
      %add3A_93 = arith.constant 1 : i32
      %add3A_94 = arith.addi %mul3A_52, %add3A_93 : i32
      "tpu.region"() ({
        %run_scoped3A_95 = tpu.sem_alloc : memref<!tpu.dma_semaphore, #tpu.memory_space<semaphore_mem>>
        %dma_start3A_96 = arith.constant 0 : i32
        %dma_start3A_97 = arith.constant 0 : i32
        %dma_start3A_98 = tpu.memref_slice %arg9[%scan3A_16, %dma_start3A_96, %dma_start3A_97] : memref<2x128x128xf32, #tpu.memory_space<vmem>> -> memref<1x128x128xf32, #tpu.memory_space<vmem>>
        %dma_start3A_99 = tpu.memref_squeeze %dma_start3A_98 : memref<1x128x128xf32, #tpu.memory_space<vmem>> -> memref<128x128xf32, #tpu.memory_space<vmem>>
        %dma_start3A_100 = arith.constant 0 : i32
        %dma_start3A_101 = tpu.memref_slice %arg8[%add3A_94, %dma_start3A_100] : memref<40x128xi32, #tpu.memory_space<vmem>> -> memref<1x128xi32, #tpu.memory_space<vmem>>
        %dma_start3A_102 = tpu.memref_squeeze %dma_start3A_101 : memref<1x128xi32, #tpu.memory_space<vmem>> -> memref<128xi32, #tpu.memory_space<vmem>>
        %dma_start3A_103 = arith.constant 0 : i32
        %dma_start3A_104 = arith.constant 0 : i32
        %dma_start3A_105 = tpu.memref_slice %arg10[%dma_start3A_103, %dma_start3A_104] : memref<10128x128xf32, #tpu.memory_space<vmem_shared>> -> memref<10128x128xf32, #tpu.memory_space<vmem_shared>>
        tpu.enqueue_indirect_dma source(%dma_start3A_99 : memref<128x128xf32, #tpu.memory_space<vmem>>) target(%dma_start3A_105 : memref<10128x128xf32, #tpu.memory_space<vmem_shared>>) offsets(%dma_start3A_102 : memref<128xi32, #tpu.memory_space<vmem>>) semaphore(%run_scoped3A_95 : memref<!tpu.dma_semaphore, #tpu.memory_space<semaphore_mem>>) {add = true}
        %dma_wait3A_106 = arith.constant 0 : i32
        %dma_wait3A_107 = arith.constant 0 : i32
        %dma_wait3A_108 = tpu.memref_slice %arg9[%scan3A_16, %dma_wait3A_106, %dma_wait3A_107] : memref<2x128x128xf32, #tpu.memory_space<vmem>> -> memref<1x128x128xf32, #tpu.memory_space<vmem>>
        %dma_wait3A_109 = tpu.memref_squeeze %dma_wait3A_108 : memref<1x128x128xf32, #tpu.memory_space<vmem>> -> memref<128x128xf32, #tpu.memory_space<vmem>>
        %dma_wait3A_110 = arith.constant 0 : i32
        %dma_wait3A_111 = tpu.memref_slice %arg8[%add3A_94, %dma_wait3A_110] : memref<40x128xi32, #tpu.memory_space<vmem>> -> memref<1x128xi32, #tpu.memory_space<vmem>>
        %dma_wait3A_112 = tpu.memref_squeeze %dma_wait3A_111 : memref<1x128xi32, #tpu.memory_space<vmem>> -> memref<128xi32, #tpu.memory_space<vmem>>
        %dma_wait3A_113 = arith.constant 0 : i32
        %dma_wait3A_114 = arith.constant 0 : i32
        %dma_wait3A_115 = tpu.memref_slice %arg10[%dma_wait3A_113, %dma_wait3A_114] : memref<10128x128xf32, #tpu.memory_space<vmem_shared>> -> memref<10128x128xf32, #tpu.memory_space<vmem_shared>>
        tpu.wait_indirect_dma semaphore(%run_scoped3A_95 : memref<!tpu.dma_semaphore, #tpu.memory_space<semaphore_mem>>) src(%dma_wait3A_109 : memref<128x128xf32, #tpu.memory_space<vmem>>) dst(%dma_wait3A_115 : memref<10128x128xf32, #tpu.memory_space<vmem_shared>>)
        tpu.yield
      }) : () -> ()
    }
    %scan3A_21 = arith.constant 20 : i32
    %run_scoped3A_22 = arith.constant 1 : i32
    "tpu.region"() ({
      %run_scoped3A_50 = tpu.sem_alloc : memref<!tpu.dma_semaphore, #tpu.memory_space<semaphore_mem>>
      %dma_start3A_51 = arith.constant 0 : i32
      %dma_start3A_52 = arith.constant 0 : i32
      %dma_start3A_53 = tpu.memref_slice %arg3[%add3A, %run_scoped3A_22, %dma_start3A_51, %dma_start3A_52] : memref<32x2x40x128xi32, #tpu.memory_space<hbm>> -> memref<1x1x40x128xi32, #tpu.memory_space<hbm>>
      %dma_start3A_54 = tpu.memref_squeeze %dma_start3A_53 : memref<1x1x40x128xi32, #tpu.memory_space<hbm>> -> memref<40x128xi32, #tpu.memory_space<hbm>>
      %dma_start3A_55 = arith.constant 0 : i32
      %dma_start3A_56 = arith.constant 0 : i32
      %dma_start3A_57 = tpu.memref_slice %arg3[%add3A, %run_scoped3A_22, %dma_start3A_55, %dma_start3A_56] : memref<32x2x40x128xi32, #tpu.memory_space<hbm>> -> memref<1x1x40x128xi32, #tpu.memory_space<hbm>>
      %dma_start3A_58 = tpu.memref_squeeze %dma_start3A_57 : memref<1x1x40x128xi32, #tpu.memory_space<hbm>> -> memref<40x128xi32, #tpu.memory_space<hbm>>
      tpu.enqueue_dma source(%dma_start3A_58 : memref<40x128xi32, #tpu.memory_space<hbm>>) target(%arg7 : memref<40x128xi32, #tpu.memory_space<vmem>>) target_semaphore(%run_scoped3A_50 : memref<!tpu.dma_semaphore, #tpu.memory_space<semaphore_mem>>)
      %dma_wait3A = arith.constant 0 : i32
      %dma_wait3A_59 = arith.constant 0 : i32
      %dma_wait3A_60 = tpu.memref_slice %arg3[%add3A, %run_scoped3A_22, %dma_wait3A, %dma_wait3A_59] : memref<32x2x40x128xi32, #tpu.memory_space<hbm>> -> memref<1x1x40x128xi32, #tpu.memory_space<hbm>>
      %dma_wait3A_61 = tpu.memref_squeeze %dma_wait3A_60 : memref<1x1x40x128xi32, #tpu.memory_space<hbm>> -> memref<40x128xi32, #tpu.memory_space<hbm>>
      %dma_wait3A_62 = arith.constant 0 : i32
      %dma_wait3A_63 = arith.constant 0 : i32
      %dma_wait3A_64 = tpu.memref_slice %arg3[%add3A, %run_scoped3A_22, %dma_wait3A_62, %dma_wait3A_63] : memref<32x2x40x128xi32, #tpu.memory_space<hbm>> -> memref<1x1x40x128xi32, #tpu.memory_space<hbm>>
      %dma_wait3A_65 = tpu.memref_squeeze %dma_wait3A_64 : memref<1x1x40x128xi32, #tpu.memory_space<hbm>> -> memref<40x128xi32, #tpu.memory_space<hbm>>
      tpu.wait_dma2 semaphore(%run_scoped3A_50 : memref<!tpu.dma_semaphore, #tpu.memory_space<semaphore_mem>>) src(%dma_wait3A_65 : memref<40x128xi32, #tpu.memory_space<hbm>>) dst(%arg7 : memref<40x128xi32, #tpu.memory_space<vmem>>)
      tpu.yield
    }) : () -> ()
    %run_scoped3A_23 = arith.constant 1 : i32
    "tpu.region"() ({
      %run_scoped3A_50 = tpu.sem_alloc : memref<!tpu.dma_semaphore, #tpu.memory_space<semaphore_mem>>
      %dma_start3A_51 = arith.constant 0 : i32
      %dma_start3A_52 = arith.constant 0 : i32
      %dma_start3A_53 = tpu.memref_slice %arg4[%add3A, %run_scoped3A_23, %dma_start3A_51, %dma_start3A_52] : memref<32x2x40x128xi32, #tpu.memory_space<hbm>> -> memref<1x1x40x128xi32, #tpu.memory_space<hbm>>
      %dma_start3A_54 = tpu.memref_squeeze %dma_start3A_53 : memref<1x1x40x128xi32, #tpu.memory_space<hbm>> -> memref<40x128xi32, #tpu.memory_space<hbm>>
      %dma_start3A_55 = arith.constant 0 : i32
      %dma_start3A_56 = arith.constant 0 : i32
      %dma_start3A_57 = tpu.memref_slice %arg4[%add3A, %run_scoped3A_23, %dma_start3A_55, %dma_start3A_56] : memref<32x2x40x128xi32, #tpu.memory_space<hbm>> -> memref<1x1x40x128xi32, #tpu.memory_space<hbm>>
      %dma_start3A_58 = tpu.memref_squeeze %dma_start3A_57 : memref<1x1x40x128xi32, #tpu.memory_space<hbm>> -> memref<40x128xi32, #tpu.memory_space<hbm>>
      tpu.enqueue_dma source(%dma_start3A_58 : memref<40x128xi32, #tpu.memory_space<hbm>>) target(%arg8 : memref<40x128xi32, #tpu.memory_space<vmem>>) target_semaphore(%run_scoped3A_50 : memref<!tpu.dma_semaphore, #tpu.memory_space<semaphore_mem>>)
      %dma_wait3A = arith.constant 0 : i32
      %dma_wait3A_59 = arith.constant 0 : i32
      %dma_wait3A_60 = tpu.memref_slice %arg4[%add3A, %run_scoped3A_23, %dma_wait3A, %dma_wait3A_59] : memref<32x2x40x128xi32, #tpu.memory_space<hbm>> -> memref<1x1x40x128xi32, #tpu.memory_space<hbm>>
      %dma_wait3A_61 = tpu.memref_squeeze %dma_wait3A_60 : memref<1x1x40x128xi32, #tpu.memory_space<hbm>> -> memref<40x128xi32, #tpu.memory_space<hbm>>
      %dma_wait3A_62 = arith.constant 0 : i32
      %dma_wait3A_63 = arith.constant 0 : i32
      %dma_wait3A_64 = tpu.memref_slice %arg4[%add3A, %run_scoped3A_23, %dma_wait3A_62, %dma_wait3A_63] : memref<32x2x40x128xi32, #tpu.memory_space<hbm>> -> memref<1x1x40x128xi32, #tpu.memory_space<hbm>>
      %dma_wait3A_65 = tpu.memref_squeeze %dma_wait3A_64 : memref<1x1x40x128xi32, #tpu.memory_space<hbm>> -> memref<40x128xi32, #tpu.memory_space<hbm>>
      tpu.wait_dma2 semaphore(%run_scoped3A_50 : memref<!tpu.dma_semaphore, #tpu.memory_space<semaphore_mem>>) src(%dma_wait3A_65 : memref<40x128xi32, #tpu.memory_space<hbm>>) dst(%arg8 : memref<40x128xi32, #tpu.memory_space<vmem>>)
      tpu.yield
    }) : () -> ()
    %dma_start3A_24 = arith.constant 0 : i32
    %dma_start3A_25 = arith.constant 0 : i32
    %dma_start3A_26 = arith.constant 0 : i32
    %dma_start3A_27 = arith.constant 0 : i32
    %dma_start3A_28 = tpu.memref_slice %arg9[%dma_start3A_25, %dma_start3A_26, %dma_start3A_27] : memref<2x128x128xf32, #tpu.memory_space<vmem>> -> memref<1x128x128xf32, #tpu.memory_space<vmem>>
    %dma_start3A_29 = tpu.memref_squeeze %dma_start3A_28 : memref<1x128x128xf32, #tpu.memory_space<vmem>> -> memref<128x128xf32, #tpu.memory_space<vmem>>
    %dma_start3A_30 = arith.constant 0 : i32
    %dma_start3A_31 = tpu.memref_slice %arg7[%dma_start3A_24, %dma_start3A_30] : memref<40x128xi32, #tpu.memory_space<vmem>> -> memref<1x128xi32, #tpu.memory_space<vmem>>
    %dma_start3A_32 = tpu.memref_squeeze %dma_start3A_31 : memref<1x128xi32, #tpu.memory_space<vmem>> -> memref<128xi32, #tpu.memory_space<vmem>>
    %dma_start3A_33 = arith.constant 0 : i32
    %dma_start3A_34 = arith.constant 0 : i32
    %dma_start3A_35 = tpu.memref_slice %arg2[%dma_start3A_33, %dma_start3A_34] : memref<50000x128xf32, #tpu.memory_space<hbm>> -> memref<50000x128xf32, #tpu.memory_space<hbm>>
    tpu.enqueue_indirect_dma source(%dma_start3A_35 : memref<50000x128xf32, #tpu.memory_space<hbm>>) target(%dma_start3A_29 : memref<128x128xf32, #tpu.memory_space<vmem>>) offsets(%dma_start3A_32 : memref<128xi32, #tpu.memory_space<vmem>>) semaphore(%arg11 : memref<!tpu.dma_semaphore, #tpu.memory_space<semaphore_mem>>)
    %scan3A_36 = arith.constant 0 : i32
    %scan3A_37 = arith.constant 0 : i32
    %scan3A_38 = arith.constant 1 : i32
    %scan3A_39 = arith.constant 0 : i32
    %scan3A_40 = arith.constant 20 : i32
    %scan3A_41 = arith.addi %scan3A_39, %scan3A_40 : i32
    %scan3A_42 = arith.constant 1 : i32
    scf.for %scan3A_50 = %scan3A_39 to %scan3A_41 step %scan3A_42  : i32 {
      %mul3A_51 = arith.constant 2 : i32
      %mul3A_52 = arith.muli %mul3A_51, %scan3A_50 : i32
      %dma_wait3A = arith.constant 0 : i32
      %dma_wait3A_53 = arith.constant 0 : i32
      %dma_wait3A_54 = tpu.memref_slice %arg9[%scan3A_37, %dma_wait3A, %dma_wait3A_53] : memref<2x128x128xf32, #tpu.memory_space<vmem>> -> memref<1x128x128xf32, #tpu.memory_space<vmem>>
      %dma_wait3A_55 = tpu.memref_squeeze %dma_wait3A_54 : memref<1x128x128xf32, #tpu.memory_space<vmem>> -> memref<128x128xf32, #tpu.memory_space<vmem>>
      %dma_wait3A_56 = arith.constant 0 : i32
      %dma_wait3A_57 = tpu.memref_slice %arg7[%mul3A_52, %dma_wait3A_56] : memref<40x128xi32, #tpu.memory_space<vmem>> -> memref<1x128xi32, #tpu.memory_space<vmem>>
      %dma_wait3A_58 = tpu.memref_squeeze %dma_wait3A_57 : memref<1x128xi32, #tpu.memory_space<vmem>> -> memref<128xi32, #tpu.memory_space<vmem>>
      %dma_wait3A_59 = arith.constant 0 : i32
      %dma_wait3A_60 = arith.constant 0 : i32
      %dma_wait3A_61 = tpu.memref_slice %arg2[%dma_wait3A_59, %dma_wait3A_60] : memref<50000x128xf32, #tpu.memory_space<hbm>> -> memref<50000x128xf32, #tpu.memory_space<hbm>>
      tpu.wait_indirect_dma semaphore(%arg11 : memref<!tpu.dma_semaphore, #tpu.memory_space<semaphore_mem>>) src(%dma_wait3A_61 : memref<50000x128xf32, #tpu.memory_space<hbm>>) dst(%dma_wait3A_55 : memref<128x128xf32, #tpu.memory_space<vmem>>)
      %add3A_62 = arith.constant 1 : i32
      %add3A_63 = arith.addi %mul3A_52, %add3A_62 : i32
      %dma_start3A_64 = arith.constant 0 : i32
      %dma_start3A_65 = arith.constant 0 : i32
      %dma_start3A_66 = tpu.memref_slice %arg9[%scan3A_38, %dma_start3A_64, %dma_start3A_65] : memref<2x128x128xf32, #tpu.memory_space<vmem>> -> memref<1x128x128xf32, #tpu.memory_space<vmem>>
      %dma_start3A_67 = tpu.memref_squeeze %dma_start3A_66 : memref<1x128x128xf32, #tpu.memory_space<vmem>> -> memref<128x128xf32, #tpu.memory_space<vmem>>
      %dma_start3A_68 = arith.constant 0 : i32
      %dma_start3A_69 = tpu.memref_slice %arg7[%add3A_63, %dma_start3A_68] : memref<40x128xi32, #tpu.memory_space<vmem>> -> memref<1x128xi32, #tpu.memory_space<vmem>>
      %dma_start3A_70 = tpu.memref_squeeze %dma_start3A_69 : memref<1x128xi32, #tpu.memory_space<vmem>> -> memref<128xi32, #tpu.memory_space<vmem>>
      %dma_start3A_71 = arith.constant 0 : i32
      %dma_start3A_72 = arith.constant 0 : i32
      %dma_start3A_73 = tpu.memref_slice %arg2[%dma_start3A_71, %dma_start3A_72] : memref<50000x128xf32, #tpu.memory_space<hbm>> -> memref<50000x128xf32, #tpu.memory_space<hbm>>
      tpu.enqueue_indirect_dma source(%dma_start3A_73 : memref<50000x128xf32, #tpu.memory_space<hbm>>) target(%dma_start3A_67 : memref<128x128xf32, #tpu.memory_space<vmem>>) offsets(%dma_start3A_70 : memref<128xi32, #tpu.memory_space<vmem>>) semaphore(%arg12 : memref<!tpu.dma_semaphore, #tpu.memory_space<semaphore_mem>>)
      "tpu.region"() ({
        %run_scoped3A_95 = tpu.sem_alloc : memref<!tpu.dma_semaphore, #tpu.memory_space<semaphore_mem>>
        %dma_start3A_96 = arith.constant 0 : i32
        %dma_start3A_97 = arith.constant 0 : i32
        %dma_start3A_98 = tpu.memref_slice %arg9[%scan3A_37, %dma_start3A_96, %dma_start3A_97] : memref<2x128x128xf32, #tpu.memory_space<vmem>> -> memref<1x128x128xf32, #tpu.memory_space<vmem>>
        %dma_start3A_99 = tpu.memref_squeeze %dma_start3A_98 : memref<1x128x128xf32, #tpu.memory_space<vmem>> -> memref<128x128xf32, #tpu.memory_space<vmem>>
        %dma_start3A_100 = arith.constant 0 : i32
        %dma_start3A_101 = tpu.memref_slice %arg8[%mul3A_52, %dma_start3A_100] : memref<40x128xi32, #tpu.memory_space<vmem>> -> memref<1x128xi32, #tpu.memory_space<vmem>>
        %dma_start3A_102 = tpu.memref_squeeze %dma_start3A_101 : memref<1x128xi32, #tpu.memory_space<vmem>> -> memref<128xi32, #tpu.memory_space<vmem>>
        %dma_start3A_103 = arith.constant 0 : i32
        %dma_start3A_104 = arith.constant 0 : i32
        %dma_start3A_105 = tpu.memref_slice %arg10[%dma_start3A_103, %dma_start3A_104] : memref<10128x128xf32, #tpu.memory_space<vmem_shared>> -> memref<10128x128xf32, #tpu.memory_space<vmem_shared>>
        tpu.enqueue_indirect_dma source(%dma_start3A_99 : memref<128x128xf32, #tpu.memory_space<vmem>>) target(%dma_start3A_105 : memref<10128x128xf32, #tpu.memory_space<vmem_shared>>) offsets(%dma_start3A_102 : memref<128xi32, #tpu.memory_space<vmem>>) semaphore(%run_scoped3A_95 : memref<!tpu.dma_semaphore, #tpu.memory_space<semaphore_mem>>) {add = true}
        %dma_wait3A_106 = arith.constant 0 : i32
        %dma_wait3A_107 = arith.constant 0 : i32
        %dma_wait3A_108 = tpu.memref_slice %arg9[%scan3A_37, %dma_wait3A_106, %dma_wait3A_107] : memref<2x128x128xf32, #tpu.memory_space<vmem>> -> memref<1x128x128xf32, #tpu.memory_space<vmem>>
        %dma_wait3A_109 = tpu.memref_squeeze %dma_wait3A_108 : memref<1x128x128xf32, #tpu.memory_space<vmem>> -> memref<128x128xf32, #tpu.memory_space<vmem>>
        %dma_wait3A_110 = arith.constant 0 : i32
        %dma_wait3A_111 = tpu.memref_slice %arg8[%mul3A_52, %dma_wait3A_110] : memref<40x128xi32, #tpu.memory_space<vmem>> -> memref<1x128xi32, #tpu.memory_space<vmem>>
        %dma_wait3A_112 = tpu.memref_squeeze %dma_wait3A_111 : memref<1x128xi32, #tpu.memory_space<vmem>> -> memref<128xi32, #tpu.memory_space<vmem>>
        %dma_wait3A_113 = arith.constant 0 : i32
        %dma_wait3A_114 = arith.constant 0 : i32
        %dma_wait3A_115 = tpu.memref_slice %arg10[%dma_wait3A_113, %dma_wait3A_114] : memref<10128x128xf32, #tpu.memory_space<vmem_shared>> -> memref<10128x128xf32, #tpu.memory_space<vmem_shared>>
        tpu.wait_indirect_dma semaphore(%run_scoped3A_95 : memref<!tpu.dma_semaphore, #tpu.memory_space<semaphore_mem>>) src(%dma_wait3A_109 : memref<128x128xf32, #tpu.memory_space<vmem>>) dst(%dma_wait3A_115 : memref<10128x128xf32, #tpu.memory_space<vmem_shared>>)
        tpu.yield
      }) : () -> ()
      %add3A_74 = arith.constant 1 : i32
      %add3A_75 = arith.addi %mul3A_52, %add3A_74 : i32
      %dma_wait3A_76 = arith.constant 0 : i32
      %dma_wait3A_77 = arith.constant 0 : i32
      %dma_wait3A_78 = tpu.memref_slice %arg9[%scan3A_38, %dma_wait3A_76, %dma_wait3A_77] : memref<2x128x128xf32, #tpu.memory_space<vmem>> -> memref<1x128x128xf32, #tpu.memory_space<vmem>>
      %dma_wait3A_79 = tpu.memref_squeeze %dma_wait3A_78 : memref<1x128x128xf32, #tpu.memory_space<vmem>> -> memref<128x128xf32, #tpu.memory_space<vmem>>
      %dma_wait3A_80 = arith.constant 0 : i32
      %dma_wait3A_81 = tpu.memref_slice %arg7[%add3A_75, %dma_wait3A_80] : memref<40x128xi32, #tpu.memory_space<vmem>> -> memref<1x128xi32, #tpu.memory_space<vmem>>
      %dma_wait3A_82 = tpu.memref_squeeze %dma_wait3A_81 : memref<1x128xi32, #tpu.memory_space<vmem>> -> memref<128xi32, #tpu.memory_space<vmem>>
      %dma_wait3A_83 = arith.constant 0 : i32
      %dma_wait3A_84 = arith.constant 0 : i32
      %dma_wait3A_85 = tpu.memref_slice %arg2[%dma_wait3A_83, %dma_wait3A_84] : memref<50000x128xf32, #tpu.memory_space<hbm>> -> memref<50000x128xf32, #tpu.memory_space<hbm>>
      tpu.wait_indirect_dma semaphore(%arg12 : memref<!tpu.dma_semaphore, #tpu.memory_space<semaphore_mem>>) src(%dma_wait3A_85 : memref<50000x128xf32, #tpu.memory_space<hbm>>) dst(%dma_wait3A_79 : memref<128x128xf32, #tpu.memory_space<vmem>>)
      %add3A_86 = arith.constant 2 : i32
      %add3A_87 = arith.addi %mul3A_52, %add3A_86 : i32
      %lt3A_88 = arith.constant 40 : i32
      %lt3A_89 = arith.cmpi slt, %add3A_87, %lt3A_88 : i32
      %convert_element_type3A_90 = arith.extui %lt3A_89 : i1 to i32
      %cond3A_91 = arith.constant 0 : i32
      %cond3A_92 = arith.cmpi ne, %convert_element_type3A_90, %cond3A_91 : i32
      scf.if %cond3A_92 {
        %add3A_95 = arith.constant 2 : i32
        %add3A_96 = arith.addi %mul3A_52, %add3A_95 : i32
        %dma_start3A_97 = arith.constant 0 : i32
        %dma_start3A_98 = arith.constant 0 : i32
        %dma_start3A_99 = tpu.memref_slice %arg9[%scan3A_37, %dma_start3A_97, %dma_start3A_98] : memref<2x128x128xf32, #tpu.memory_space<vmem>> -> memref<1x128x128xf32, #tpu.memory_space<vmem>>
        %dma_start3A_100 = tpu.memref_squeeze %dma_start3A_99 : memref<1x128x128xf32, #tpu.memory_space<vmem>> -> memref<128x128xf32, #tpu.memory_space<vmem>>
        %dma_start3A_101 = arith.constant 0 : i32
        %dma_start3A_102 = tpu.memref_slice %arg7[%add3A_96, %dma_start3A_101] : memref<40x128xi32, #tpu.memory_space<vmem>> -> memref<1x128xi32, #tpu.memory_space<vmem>>
        %dma_start3A_103 = tpu.memref_squeeze %dma_start3A_102 : memref<1x128xi32, #tpu.memory_space<vmem>> -> memref<128xi32, #tpu.memory_space<vmem>>
        %dma_start3A_104 = arith.constant 0 : i32
        %dma_start3A_105 = arith.constant 0 : i32
        %dma_start3A_106 = tpu.memref_slice %arg2[%dma_start3A_104, %dma_start3A_105] : memref<50000x128xf32, #tpu.memory_space<hbm>> -> memref<50000x128xf32, #tpu.memory_space<hbm>>
        tpu.enqueue_indirect_dma source(%dma_start3A_106 : memref<50000x128xf32, #tpu.memory_space<hbm>>) target(%dma_start3A_100 : memref<128x128xf32, #tpu.memory_space<vmem>>) offsets(%dma_start3A_103 : memref<128xi32, #tpu.memory_space<vmem>>) semaphore(%arg11 : memref<!tpu.dma_semaphore, #tpu.memory_space<semaphore_mem>>)
      } else {
      }
      %add3A_93 = arith.constant 1 : i32
      %add3A_94 = arith.addi %mul3A_52, %add3A_93 : i32
      "tpu.region"() ({
        %run_scoped3A_95 = tpu.sem_alloc : memref<!tpu.dma_semaphore, #tpu.memory_space<semaphore_mem>>
        %dma_start3A_96 = arith.constant 0 : i32
        %dma_start3A_97 = arith.constant 0 : i32
        %dma_start3A_98 = tpu.memref_slice %arg9[%scan3A_38, %dma_start3A_96, %dma_start3A_97] : memref<2x128x128xf32, #tpu.memory_space<vmem>> -> memref<1x128x128xf32, #tpu.memory_space<vmem>>
        %dma_start3A_99 = tpu.memref_squeeze %dma_start3A_98 : memref<1x128x128xf32, #tpu.memory_space<vmem>> -> memref<128x128xf32, #tpu.memory_space<vmem>>
        %dma_start3A_100 = arith.constant 0 : i32
        %dma_start3A_101 = tpu.memref_slice %arg8[%add3A_94, %dma_start3A_100] : memref<40x128xi32, #tpu.memory_space<vmem>> -> memref<1x128xi32, #tpu.memory_space<vmem>>
        %dma_start3A_102 = tpu.memref_squeeze %dma_start3A_101 : memref<1x128xi32, #tpu.memory_space<vmem>> -> memref<128xi32, #tpu.memory_space<vmem>>
        %dma_start3A_103 = arith.constant 0 : i32
        %dma_start3A_104 = arith.constant 0 : i32
        %dma_start3A_105 = tpu.memref_slice %arg10[%dma_start3A_103, %dma_start3A_104] : memref<10128x128xf32, #tpu.memory_space<vmem_shared>> -> memref<10128x128xf32, #tpu.memory_space<vmem_shared>>
        tpu.enqueue_indirect_dma source(%dma_start3A_99 : memref<128x128xf32, #tpu.memory_space<vmem>>) target(%dma_start3A_105 : memref<10128x128xf32, #tpu.memory_space<vmem_shared>>) offsets(%dma_start3A_102 : memref<128xi32, #tpu.memory_space<vmem>>) semaphore(%run_scoped3A_95 : memref<!tpu.dma_semaphore, #tpu.memory_space<semaphore_mem>>) {add = true}
        %dma_wait3A_106 = arith.constant 0 : i32
        %dma_wait3A_107 = arith.constant 0 : i32
        %dma_wait3A_108 = tpu.memref_slice %arg9[%scan3A_38, %dma_wait3A_106, %dma_wait3A_107] : memref<2x128x128xf32, #tpu.memory_space<vmem>> -> memref<1x128x128xf32, #tpu.memory_space<vmem>>
        %dma_wait3A_109 = tpu.memref_squeeze %dma_wait3A_108 : memref<1x128x128xf32, #tpu.memory_space<vmem>> -> memref<128x128xf32, #tpu.memory_space<vmem>>
        %dma_wait3A_110 = arith.constant 0 : i32
        %dma_wait3A_111 = tpu.memref_slice %arg8[%add3A_94, %dma_wait3A_110] : memref<40x128xi32, #tpu.memory_space<vmem>> -> memref<1x128xi32, #tpu.memory_space<vmem>>
        %dma_wait3A_112 = tpu.memref_squeeze %dma_wait3A_111 : memref<1x128xi32, #tpu.memory_space<vmem>> -> memref<128xi32, #tpu.memory_space<vmem>>
        %dma_wait3A_113 = arith.constant 0 : i32
        %dma_wait3A_114 = arith.constant 0 : i32
        %dma_wait3A_115 = tpu.memref_slice %arg10[%dma_wait3A_113, %dma_wait3A_114] : memref<10128x128xf32, #tpu.memory_space<vmem_shared>> -> memref<10128x128xf32, #tpu.memory_space<vmem_shared>>
        tpu.wait_indirect_dma semaphore(%run_scoped3A_95 : memref<!tpu.dma_semaphore, #tpu.memory_space<semaphore_mem>>) src(%dma_wait3A_109 : memref<128x128xf32, #tpu.memory_space<vmem>>) dst(%dma_wait3A_115 : memref<10128x128xf32, #tpu.memory_space<vmem_shared>>)
        tpu.yield
      }) : () -> ()
    }
    %scan3A_43 = arith.constant 20 : i32
    %barrier3A_44 = arith.constant 0 : index
    tpu.barrier barrier_id(%barrier3A_44)
    %lt3A_45 = arith.constant 10 : i32
    %lt3A_46 = arith.cmpi slt, %arg1, %lt3A_45 : i32
    %convert_element_type3A_47 = arith.extui %lt3A_46 : i1 to i32
    %cond3A_48 = arith.constant 0 : i32
    %cond3A_49 = arith.cmpi ne, %convert_element_type3A_47, %cond3A_48 : i32
    scf.if %cond3A_49 {
      %mul3A_50 = arith.constant 1000 : i32
      %mul3A_51 = arith.muli %arg1, %mul3A_50 : i32
      %mul3A_52 = arith.constant 1000 : i32
      %mul3A_53 = arith.muli %arg1, %mul3A_52 : i32
      "tpu.region"() ({
        %run_scoped3A_54 = tpu.sem_alloc : memref<!tpu.dma_semaphore, #tpu.memory_space<semaphore_mem>>
        %dma_start3A_55 = arith.constant 0 : i32
        %dma_start3A_56 = tpu.memref_slice %arg6[%arg0, %mul3A_53, %dma_start3A_55] : memref<2x10000x128xf32, #tpu.memory_space<hbm>> -> memref<1x1000x128xf32, #tpu.memory_space<hbm>>
        %dma_start3A_57 = tpu.memref_squeeze %dma_start3A_56 : memref<1x1000x128xf32, #tpu.memory_space<hbm>> -> memref<1000x128xf32, #tpu.memory_space<hbm>>
        %dma_start3A_58 = arith.constant 0 : i32
        %dma_start3A_59 = tpu.memref_slice %arg10[%mul3A_51, %dma_start3A_58] : memref<10128x128xf32, #tpu.memory_space<vmem_shared>> -> memref<1000x128xf32, #tpu.memory_space<vmem_shared>>
        tpu.enqueue_dma source(%dma_start3A_59 : memref<1000x128xf32, #tpu.memory_space<vmem_shared>>) target(%dma_start3A_57 : memref<1000x128xf32, #tpu.memory_space<hbm>>) target_semaphore(%run_scoped3A_54 : memref<!tpu.dma_semaphore, #tpu.memory_space<semaphore_mem>>)
        %dma_wait3A = arith.constant 0 : i32
        %dma_wait3A_60 = tpu.memref_slice %arg6[%arg0, %mul3A_53, %dma_wait3A] : memref<2x10000x128xf32, #tpu.memory_space<hbm>> -> memref<1x1000x128xf32, #tpu.memory_space<hbm>>
        %dma_wait3A_61 = tpu.memref_squeeze %dma_wait3A_60 : memref<1x1000x128xf32, #tpu.memory_space<hbm>> -> memref<1000x128xf32, #tpu.memory_space<hbm>>
        %dma_wait3A_62 = arith.constant 0 : i32
        %dma_wait3A_63 = tpu.memref_slice %arg10[%mul3A_51, %dma_wait3A_62] : memref<10128x128xf32, #tpu.memory_space<vmem_shared>> -> memref<1000x128xf32, #tpu.memory_space<vmem_shared>>
        tpu.wait_dma2 semaphore(%run_scoped3A_54 : memref<!tpu.dma_semaphore, #tpu.memory_space<semaphore_mem>>) src(%dma_wait3A_63 : memref<1000x128xf32, #tpu.memory_space<vmem_shared>>) dst(%dma_wait3A_61 : memref<1000x128xf32, #tpu.memory_space<hbm>>)
        tpu.yield
      }) : () -> ()
    } else {
    }
    return
  }
}

module attributes {stable_mosaic.version = 14 : i64} {
  func.func @_idx_body(%arg0: memref<2500x128xi32, #tpu.memory_space<vmem>>, %arg1: memref<2500x128xi32, #tpu.memory_space<vmem>>, %arg2: memref<2500x128xi32, #tpu.memory_space<vmem>>) attributes {dimension_semantics = [], scalar_prefetch = 0 : i64, scratch_operands = 0 : i64, tpu.core_type = #tpu.core_type<tc>} {
    %get3A = arith.constant 0 : index
    %get3A_0 = arith.constant 0 : index
    %get3A_1 = vector.load %arg1[%get3A, %get3A_0] : memref<2500x128xi32, #tpu.memory_space<vmem>>, vector<2500x128xi32>
    %mul3A = arith.constant 10000 : i32
    %mul3A_2 = vector.broadcast %mul3A : i32 to vector<2500x128xi32>
    %mul3A_3 = arith.muli %get3A_1, %mul3A_2 : vector<2500x128xi32>
    %get3A_4 = arith.constant 0 : index
    %get3A_5 = arith.constant 0 : index
    %get3A_6 = vector.load %arg0[%get3A_4, %get3A_5] : memref<2500x128xi32, #tpu.memory_space<vmem>>, vector<2500x128xi32>
    %add3A = arith.addi %mul3A_3, %get3A_6 : vector<2500x128xi32>
    %swap3A = arith.constant 0 : index
    %swap3A_7 = arith.constant 0 : index
    %swap3A_8 = vector.load %arg2[%swap3A, %swap3A_7] : memref<2500x128xi32, #tpu.memory_space<vmem>>, vector<2500x128xi32>
    tpu.vector_store %arg2[%swap3A, %swap3A_7], %add3A {strides = array<i32>} : memref<2500x128xi32, #tpu.memory_space<vmem>>, vector<2500x128xi32>,
    return
  }
}

module attributes {stable_mosaic.version = 14 : i64} {
  func.func @_embed_body(%arg0: i32, %arg1: memref<1000x40xf32, #tpu.memory_space<vmem>>, %arg2: memref<40x128xf32, #tpu.memory_space<vmem>>, %arg3: memref<1x128xf32, #tpu.memory_space<vmem>>, %arg4: memref<5x128xf32, #tpu.memory_space<vmem>>, %arg5: memref<1000x128xf32, #tpu.memory_space<vmem>>, %arg6: memref<5x1000x128xf32, #tpu.memory_space<vmem>>) attributes {dimension_semantics = [#tpu.dimension_semantics<arbitrary>], iteration_bounds = array<i64: 10>, scalar_prefetch = 0 : i64, scratch_operands = 0 : i64, tpu.core_type = #tpu.core_type<tc>, window_params = [{transform_indices = @transform_0, window_bounds = array<i64: 1000, 40>}, {pipeline_mode = #tpu.pipeline_mode<synchronous>, transform_indices = @transform_1, window_bounds = array<i64: 40, 128>}, {pipeline_mode = #tpu.pipeline_mode<synchronous>, transform_indices = @transform_2, window_bounds = array<i64: 1, 128>}, {pipeline_mode = #tpu.pipeline_mode<synchronous>, transform_indices = @transform_3, window_bounds = array<i64: 5, 128>}, {transform_indices = @transform_4, window_bounds = array<i64: 1000, 128>}, {transform_indices = @transform_5, window_bounds = array<i64: 5, 1000, 128>}]} {
    %get3A = arith.constant 0 : index
    %get3A_0 = arith.constant 0 : index
    %get3A_1 = vector.load %arg1[%get3A, %get3A_0] : memref<1000x40xf32, #tpu.memory_space<vmem>>, vector<1000x40xf32>
    %get3A_2 = arith.constant 0 : index
    %get3A_3 = arith.constant 0 : index
    %get3A_4 = vector.load %arg2[%get3A_2, %get3A_3] : memref<40x128xf32, #tpu.memory_space<vmem>>, vector<40x128xf32>
    %convert_element_type3A = arith.truncf %get3A_1 : vector<1000x40xf32> to vector<1000x40xbf16>
    %convert_element_type3A_5 = arith.truncf %get3A_4 : vector<40x128xf32> to vector<40x128xbf16>
    %dot_general3A = arith.constant dense<0.000000e+00> : vector<1000x128xf32>
    %dot_general3A_6 = tpu.matmul %convert_element_type3A, %convert_element_type3A_5, %dot_general3A {dimension_numbers = #tpu.dot_dimension_numbers<[1], [0], [0], [1], [0, 0, 1, 1], [], []>, transpose_lhs_hint = false} : vector<1000x40xbf16>, vector<40x128xbf16>, vector<1000x128xf32> -> vector<1000x128xf32>
    %get3A_7 = arith.constant 0 : index
    %get3A_8 = arith.constant 0 : index
    %get3A_9 = vector.load %arg3[%get3A_7, %get3A_8] : memref<1x128xf32, #tpu.memory_space<vmem>>, vector<1x128xf32>
    %add3A = vector.broadcast %get3A_9 : vector<1x128xf32> to vector<1000x128xf32>
    %add3A_10 = arith.addf %dot_general3A_6, %add3A : vector<1000x128xf32>
    %swap3A = arith.constant 0 : index
    %swap3A_11 = arith.constant 0 : index
    %swap3A_12 = vector.load %arg5[%swap3A, %swap3A_11] : memref<1000x128xf32, #tpu.memory_space<vmem>>, vector<1000x128xf32>
    tpu.vector_store %arg5[%swap3A, %swap3A_11], %add3A_10 {strides = array<i32>} : memref<1000x128xf32, #tpu.memory_space<vmem>>, vector<1000x128xf32>,
    %get3A_13 = arith.constant 0 : index
    %get3A_14 = arith.constant 0 : index
    %get3A_15 = vector.load %arg4[%get3A_13, %get3A_14] : memref<5x128xf32, #tpu.memory_space<vmem>>, vector<1x128xf32>
    %get3A_16 = vector.shape_cast %get3A_15 : vector<1x128xf32> to vector<128xf32>
    %broadcast_in_dim3A = vector.shape_cast %get3A_16 : vector<128xf32> to vector<1x128xf32>
    %add3A_17 = vector.broadcast %broadcast_in_dim3A : vector<1x128xf32> to vector<1000x128xf32>
    %add3A_18 = arith.addf %add3A_10, %add3A_17 : vector<1000x128xf32>
    %max3A = arith.constant 0.000000e+00 : f32
    %max3A_19 = vector.broadcast %max3A : f32 to vector<1000x128xf32>
    %max3A_20 = arith.maximumf %add3A_18, %max3A_19 : vector<1000x128xf32>
    %swap3A_21 = arith.constant 0 : index
    %swap3A_22 = arith.constant 0 : index
    %swap3A_23 = arith.constant 0 : index
    %swap3A_24 = vector.load %arg6[%swap3A_21, %swap3A_22, %swap3A_23] : memref<5x1000x128xf32, #tpu.memory_space<vmem>>, vector<1x1000x128xf32>
    %swap3A_25 = vector.shape_cast %swap3A_24 : vector<1x1000x128xf32> to vector<1000x128xf32>
    %swap3A_26 = vector.shape_cast %max3A_20 : vector<1000x128xf32> to vector<1x1000x128xf32>
    tpu.vector_store %arg6[%swap3A_21, %swap3A_22, %swap3A_23], %swap3A_26 {strides = array<i32>} : memref<5x1000x128xf32, #tpu.memory_space<vmem>>, vector<1x1000x128xf32>,
    %get3A_27 = arith.constant 1 : index
    %get3A_28 = arith.constant 0 : index
    %get3A_29 = vector.load %arg4[%get3A_27, %get3A_28] : memref<5x128xf32, #tpu.memory_space<vmem>>, vector<1x128xf32>
    %get3A_30 = vector.shape_cast %get3A_29 : vector<1x128xf32> to vector<128xf32>
    %broadcast_in_dim3A_31 = vector.shape_cast %get3A_30 : vector<128xf32> to vector<1x128xf32>
    %add3A_32 = vector.broadcast %broadcast_in_dim3A_31 : vector<1x128xf32> to vector<1000x128xf32>
    %add3A_33 = arith.addf %add3A_10, %add3A_32 : vector<1000x128xf32>
    %max3A_34 = arith.constant 0.000000e+00 : f32
    %max3A_35 = vector.broadcast %max3A_34 : f32 to vector<1000x128xf32>
    %max3A_36 = arith.maximumf %add3A_33, %max3A_35 : vector<1000x128xf32>
    %swap3A_37 = arith.constant 1 : index
    %swap3A_38 = arith.constant 0 : index
    %swap3A_39 = arith.constant 0 : index
    %swap3A_40 = vector.load %arg6[%swap3A_37, %swap3A_38, %swap3A_39] : memref<5x1000x128xf32, #tpu.memory_space<vmem>>, vector<1x1000x128xf32>
    %swap3A_41 = vector.shape_cast %swap3A_40 : vector<1x1000x128xf32> to vector<1000x128xf32>
    %swap3A_42 = vector.shape_cast %max3A_36 : vector<1000x128xf32> to vector<1x1000x128xf32>
    tpu.vector_store %arg6[%swap3A_37, %swap3A_38, %swap3A_39], %swap3A_42 {strides = array<i32>} : memref<5x1000x128xf32, #tpu.memory_space<vmem>>, vector<1x1000x128xf32>,
    %get3A_43 = arith.constant 2 : index
    %get3A_44 = arith.constant 0 : index
    %get3A_45 = vector.load %arg4[%get3A_43, %get3A_44] : memref<5x128xf32, #tpu.memory_space<vmem>>, vector<1x128xf32>
    %get3A_46 = vector.shape_cast %get3A_45 : vector<1x128xf32> to vector<128xf32>
    %broadcast_in_dim3A_47 = vector.shape_cast %get3A_46 : vector<128xf32> to vector<1x128xf32>
    %add3A_48 = vector.broadcast %broadcast_in_dim3A_47 : vector<1x128xf32> to vector<1000x128xf32>
    %add3A_49 = arith.addf %add3A_10, %add3A_48 : vector<1000x128xf32>
    %max3A_50 = arith.constant 0.000000e+00 : f32
    %max3A_51 = vector.broadcast %max3A_50 : f32 to vector<1000x128xf32>
    %max3A_52 = arith.maximumf %add3A_49, %max3A_51 : vector<1000x128xf32>
    %swap3A_53 = arith.constant 2 : index
    %swap3A_54 = arith.constant 0 : index
    %swap3A_55 = arith.constant 0 : index
    %swap3A_56 = vector.load %arg6[%swap3A_53, %swap3A_54, %swap3A_55] : memref<5x1000x128xf32, #tpu.memory_space<vmem>>, vector<1x1000x128xf32>
    %swap3A_57 = vector.shape_cast %swap3A_56 : vector<1x1000x128xf32> to vector<1000x128xf32>
    %swap3A_58 = vector.shape_cast %max3A_52 : vector<1000x128xf32> to vector<1x1000x128xf32>
    tpu.vector_store %arg6[%swap3A_53, %swap3A_54, %swap3A_55], %swap3A_58 {strides = array<i32>} : memref<5x1000x128xf32, #tpu.memory_space<vmem>>, vector<1x1000x128xf32>,
    %get3A_59 = arith.constant 3 : index
    %get3A_60 = arith.constant 0 : index
    %get3A_61 = vector.load %arg4[%get3A_59, %get3A_60] : memref<5x128xf32, #tpu.memory_space<vmem>>, vector<1x128xf32>
    %get3A_62 = vector.shape_cast %get3A_61 : vector<1x128xf32> to vector<128xf32>
    %broadcast_in_dim3A_63 = vector.shape_cast %get3A_62 : vector<128xf32> to vector<1x128xf32>
    %add3A_64 = vector.broadcast %broadcast_in_dim3A_63 : vector<1x128xf32> to vector<1000x128xf32>
    %add3A_65 = arith.addf %add3A_10, %add3A_64 : vector<1000x128xf32>
    %max3A_66 = arith.constant 0.000000e+00 : f32
    %max3A_67 = vector.broadcast %max3A_66 : f32 to vector<1000x128xf32>
    %max3A_68 = arith.maximumf %add3A_65, %max3A_67 : vector<1000x128xf32>
    %swap3A_69 = arith.constant 3 : index
    %swap3A_70 = arith.constant 0 : index
    %swap3A_71 = arith.constant 0 : index
    %swap3A_72 = vector.load %arg6[%swap3A_69, %swap3A_70, %swap3A_71] : memref<5x1000x128xf32, #tpu.memory_space<vmem>>, vector<1x1000x128xf32>
    %swap3A_73 = vector.shape_cast %swap3A_72 : vector<1x1000x128xf32> to vector<1000x128xf32>
    %swap3A_74 = vector.shape_cast %max3A_68 : vector<1000x128xf32> to vector<1x1000x128xf32>
    tpu.vector_store %arg6[%swap3A_69, %swap3A_70, %swap3A_71], %swap3A_74 {strides = array<i32>} : memref<5x1000x128xf32, #tpu.memory_space<vmem>>, vector<1x1000x128xf32>,
    %get3A_75 = arith.constant 4 : index
    %get3A_76 = arith.constant 0 : index
    %get3A_77 = vector.load %arg4[%get3A_75, %get3A_76] : memref<5x128xf32, #tpu.memory_space<vmem>>, vector<1x128xf32>
    %get3A_78 = vector.shape_cast %get3A_77 : vector<1x128xf32> to vector<128xf32>
    %broadcast_in_dim3A_79 = vector.shape_cast %get3A_78 : vector<128xf32> to vector<1x128xf32>
    %add3A_80 = vector.broadcast %broadcast_in_dim3A_79 : vector<1x128xf32> to vector<1000x128xf32>
    %add3A_81 = arith.addf %add3A_10, %add3A_80 : vector<1000x128xf32>
    %max3A_82 = arith.constant 0.000000e+00 : f32
    %max3A_83 = vector.broadcast %max3A_82 : f32 to vector<1000x128xf32>
    %max3A_84 = arith.maximumf %add3A_81, %max3A_83 : vector<1000x128xf32>
    %swap3A_85 = arith.constant 4 : index
    %swap3A_86 = arith.constant 0 : index
    %swap3A_87 = arith.constant 0 : index
    %swap3A_88 = vector.load %arg6[%swap3A_85, %swap3A_86, %swap3A_87] : memref<5x1000x128xf32, #tpu.memory_space<vmem>>, vector<1x1000x128xf32>
    %swap3A_89 = vector.shape_cast %swap3A_88 : vector<1x1000x128xf32> to vector<1000x128xf32>
    %swap3A_90 = vector.shape_cast %max3A_84 : vector<1000x128xf32> to vector<1x1000x128xf32>
    tpu.vector_store %arg6[%swap3A_85, %swap3A_86, %swap3A_87], %swap3A_90 {strides = array<i32>} : memref<5x1000x128xf32, #tpu.memory_space<vmem>>, vector<1x1000x128xf32>,
    return
  }
  func.func @transform_0(%arg0: i32) -> (i32, i32) {
    %c0_i32 = arith.constant 0 : i32
    %c0_i32_0 = arith.constant 0 : i32
    return %arg0, %c0_i32 : i32, i32
  }
  func.func @transform_1(%arg0: i32) -> (i32, i32) {
    %c0_i32 = arith.constant 0 : i32
    %c0_i32_0 = arith.constant 0 : i32
    %c0_i32_1 = arith.constant 0 : i32
    return %c0_i32, %c0_i32_0 : i32, i32
  }
  func.func @transform_2(%arg0: i32) -> (i32, i32) {
    %c0_i32 = arith.constant 0 : i32
    %c0_i32_0 = arith.constant 0 : i32
    %c0_i32_1 = arith.constant 0 : i32
    return %c0_i32, %c0_i32_0 : i32, i32
  }
  func.func @transform_3(%arg0: i32) -> (i32, i32) {
    %c0_i32 = arith.constant 0 : i32
    %c0_i32_0 = arith.constant 0 : i32
    %c0_i32_1 = arith.constant 0 : i32
    return %c0_i32, %c0_i32_0 : i32, i32
  }
  func.func @transform_4(%arg0: i32) -> (i32, i32) {
    %c0_i32 = arith.constant 0 : i32
    %c0_i32_0 = arith.constant 0 : i32
    return %arg0, %c0_i32 : i32, i32
  }
  func.func @transform_5(%arg0: i32) -> (i32, i32, i32) {
    %c0_i32 = arith.constant 0 : i32
    %c0_i32_0 = arith.constant 0 : i32
    %c0_i32_1 = arith.constant 0 : i32
    return %c0_i32, %arg0, %c0_i32_0 : i32, i32, i32
  }
}

module attributes {stable_mosaic.version = 14 : i64} {
  func.func @_mlp_body(%arg0: i32, %arg1: memref<1000x128xf32, #tpu.memory_space<vmem>>, %arg2: memref<2x1000x128xf32, #tpu.memory_space<vmem>>, %arg3: memref<128x256xf32, #tpu.memory_space<vmem>>, %arg4: memref<1x256xf32, #tpu.memory_space<vmem>>, %arg5: memref<256x128xf32, #tpu.memory_space<vmem>>, %arg6: memref<1x128xf32, #tpu.memory_space<vmem>>, %arg7: memref<1000x128xf32, #tpu.memory_space<vmem>>, %arg8: memref<2x128xf32, #tpu.memory_space<vmem>>, %arg9: memref<2x128xf32, #tpu.memory_space<vmem>>) attributes {dimension_semantics = [#tpu.dimension_semantics<arbitrary>], iteration_bounds = array<i64: 10>, scalar_prefetch = 0 : i64, scratch_operands = 1 : i64, tpu.core_type = #tpu.core_type<tc>, window_params = [{transform_indices = @transform_0, window_bounds = array<i64: 1000, 128>}, {transform_indices = @transform_1, window_bounds = array<i64: 2, 1000, 128>}, {pipeline_mode = #tpu.pipeline_mode<synchronous>, transform_indices = @transform_2, window_bounds = array<i64: 128, 256>}, {pipeline_mode = #tpu.pipeline_mode<synchronous>, transform_indices = @transform_3, window_bounds = array<i64: 1, 256>}, {pipeline_mode = #tpu.pipeline_mode<synchronous>, transform_indices = @transform_4, window_bounds = array<i64: 256, 128>}, {pipeline_mode = #tpu.pipeline_mode<synchronous>, transform_indices = @transform_5, window_bounds = array<i64: 1, 128>}, {transform_indices = @transform_6, window_bounds = array<i64: 1000, 128>}, {pipeline_mode = #tpu.pipeline_mode<synchronous>, transform_indices = @transform_7, window_bounds = array<i64: 2, 128>}]} {
    %get3A = arith.constant 0 : index
    %get3A_0 = arith.constant 0 : index
    %get3A_1 = vector.load %arg1[%get3A, %get3A_0] : memref<1000x128xf32, #tpu.memory_space<vmem>>, vector<1000x128xf32>
    %get3A_2 = arith.constant 0 : index
    %get3A_3 = arith.constant 0 : index
    %get3A_4 = arith.constant 0 : index
    %get3A_5 = vector.load %arg2[%get3A_2, %get3A_3, %get3A_4] : memref<2x1000x128xf32, #tpu.memory_space<vmem>>, vector<1x1000x128xf32>
    %get3A_6 = vector.shape_cast %get3A_5 : vector<1x1000x128xf32> to vector<1000x128xf32>
    %add3A = arith.addf %get3A_1, %get3A_6 : vector<1000x128xf32>
    %get3A_7 = arith.constant 1 : index
    %get3A_8 = arith.constant 0 : index
    %get3A_9 = arith.constant 0 : index
    %get3A_10 = vector.load %arg2[%get3A_7, %get3A_8, %get3A_9] : memref<2x1000x128xf32, #tpu.memory_space<vmem>>, vector<1x1000x128xf32>
    %get3A_11 = vector.shape_cast %get3A_10 : vector<1x1000x128xf32> to vector<1000x128xf32>
    %add3A_12 = arith.addf %add3A, %get3A_11 : vector<1000x128xf32>
    %get3A_13 = arith.constant 0 : index
    %get3A_14 = arith.constant 0 : index
    %get3A_15 = vector.load %arg3[%get3A_13, %get3A_14] : memref<128x256xf32, #tpu.memory_space<vmem>>, vector<128x256xf32>
    %convert_element_type3A = arith.truncf %add3A_12 : vector<1000x128xf32> to vector<1000x128xbf16>
    %convert_element_type3A_16 = arith.truncf %get3A_15 : vector<128x256xf32> to vector<128x256xbf16>
    %dot_general3A = arith.constant dense<0.000000e+00> : vector<1000x256xf32>
    %dot_general3A_17 = tpu.matmul %convert_element_type3A, %convert_element_type3A_16, %dot_general3A {dimension_numbers = #tpu.dot_dimension_numbers<[1], [0], [0], [1], [0, 0, 1, 1], [], []>, transpose_lhs_hint = false} : vector<1000x128xbf16>, vector<128x256xbf16>, vector<1000x256xf32> -> vector<1000x256xf32>
    %get3A_18 = arith.constant 0 : index
    %get3A_19 = arith.constant 0 : index
    %get3A_20 = vector.load %arg4[%get3A_18, %get3A_19] : memref<1x256xf32, #tpu.memory_space<vmem>>, vector<1x256xf32>
    %add3A_21 = vector.broadcast %get3A_20 : vector<1x256xf32> to vector<1000x256xf32>
    %add3A_22 = arith.addf %dot_general3A_17, %add3A_21 : vector<1000x256xf32>
    %max3A = arith.constant 0.000000e+00 : f32
    %max3A_23 = vector.broadcast %max3A : f32 to vector<1000x256xf32>
    %max3A_24 = arith.maximumf %add3A_22, %max3A_23 : vector<1000x256xf32>
    %get3A_25 = arith.constant 0 : index
    %get3A_26 = arith.constant 0 : index
    %get3A_27 = vector.load %arg5[%get3A_25, %get3A_26] : memref<256x128xf32, #tpu.memory_space<vmem>>, vector<256x128xf32>
    %convert_element_type3A_28 = arith.truncf %max3A_24 : vector<1000x256xf32> to vector<1000x256xbf16>
    %convert_element_type3A_29 = arith.truncf %get3A_27 : vector<256x128xf32> to vector<256x128xbf16>
    %dot_general3A_30 = arith.constant dense<0.000000e+00> : vector<1000x128xf32>
    %dot_general3A_31 = tpu.matmul %convert_element_type3A_28, %convert_element_type3A_29, %dot_general3A_30 {dimension_numbers = #tpu.dot_dimension_numbers<[1], [0], [0], [1], [0, 0, 1, 1], [], []>, transpose_lhs_hint = false} : vector<1000x256xbf16>, vector<256x128xbf16>, vector<1000x128xf32> -> vector<1000x128xf32>
    %get3A_32 = arith.constant 0 : index
    %get3A_33 = arith.constant 0 : index
    %get3A_34 = vector.load %arg6[%get3A_32, %get3A_33] : memref<1x128xf32, #tpu.memory_space<vmem>>, vector<1x128xf32>
    %add3A_35 = vector.broadcast %get3A_34 : vector<1x128xf32> to vector<1000x128xf32>
    %add3A_36 = arith.addf %dot_general3A_31, %add3A_35 : vector<1000x128xf32>
    %swap3A = arith.constant 0 : index
    %swap3A_37 = arith.constant 0 : index
    %swap3A_38 = vector.load %arg7[%swap3A, %swap3A_37] : memref<1000x128xf32, #tpu.memory_space<vmem>>, vector<1000x128xf32>
    tpu.vector_store %arg7[%swap3A, %swap3A_37], %add3A_36 {strides = array<i32>} : memref<1000x128xf32, #tpu.memory_space<vmem>>, vector<1000x128xf32>,
    %eq3A = arith.constant 0 : i32
    %eq3A_39 = arith.cmpi eq, %arg0, %eq3A : i32
    %convert_element_type3A_40 = arith.extui %eq3A_39 : i1 to i32
    %cond3A = arith.constant 0 : i32
    %cond3A_41 = arith.cmpi ne, %convert_element_type3A_40, %cond3A : i32
    scf.if %cond3A_41 {
      %broadcast_in_dim3A_65 = arith.constant 0.000000e+00 : f32
      %broadcast_in_dim3A_66 = vector.broadcast %broadcast_in_dim3A_65 : f32 to vector<2x128xf32>
      %swap3A_67 = arith.constant 0 : index
      %swap3A_68 = arith.constant 0 : index
      %swap3A_69 = vector.load %arg9[%swap3A_67, %swap3A_68] : memref<2x128xf32, #tpu.memory_space<vmem>>, vector<2x128xf32>
      tpu.vector_store %arg9[%swap3A_67, %swap3A_68], %broadcast_in_dim3A_66 {strides = array<i32>} : memref<2x128xf32, #tpu.memory_space<vmem>>, vector<2x128xf32>,
    } else {
    }
    %get3A_42 = arith.constant 0 : index
    %get3A_43 = arith.constant 0 : index
    %get3A_44 = vector.load %arg9[%get3A_42, %get3A_43] : memref<2x128xf32, #tpu.memory_space<vmem>>, vector<1x128xf32>
    %reduce_sum3A = arith.constant dense<0.000000e+00> : vector<128xf32>
    %reduce_sum3A_45 = vector.multi_reduction <add>, %add3A_36, %reduce_sum3A [0] : vector<1000x128xf32> to vector<128xf32>
    %broadcast_in_dim3A = vector.shape_cast %reduce_sum3A_45 : vector<128xf32> to vector<1x128xf32>
    %add3A_46 = arith.addf %get3A_44, %broadcast_in_dim3A : vector<1x128xf32>
    %swap3A_47 = arith.constant 0 : index
    %swap3A_48 = arith.constant 0 : index
    %swap3A_49 = vector.load %arg9[%swap3A_47, %swap3A_48] : memref<2x128xf32, #tpu.memory_space<vmem>>, vector<1x128xf32>
    tpu.vector_store %arg9[%swap3A_47, %swap3A_48], %add3A_46 {strides = array<i32>} : memref<2x128xf32, #tpu.memory_space<vmem>>, vector<1x128xf32>,
    %get3A_50 = arith.constant 1 : index
    %get3A_51 = arith.constant 0 : index
    %get3A_52 = vector.load %arg9[%get3A_50, %get3A_51] : memref<2x128xf32, #tpu.memory_space<vmem>>, vector<1x128xf32>
    %mul3A = arith.mulf %add3A_36, %add3A_36 : vector<1000x128xf32>
    %reduce_sum3A_53 = arith.constant dense<0.000000e+00> : vector<128xf32>
    %reduce_sum3A_54 = vector.multi_reduction <add>, %mul3A, %reduce_sum3A_53 [0] : vector<1000x128xf32> to vector<128xf32>
    %broadcast_in_dim3A_55 = vector.shape_cast %reduce_sum3A_54 : vector<128xf32> to vector<1x128xf32>
    %add3A_56 = arith.addf %get3A_52, %broadcast_in_dim3A_55 : vector<1x128xf32>
    %swap3A_57 = arith.constant 1 : index
    %swap3A_58 = arith.constant 0 : index
    %swap3A_59 = vector.load %arg9[%swap3A_57, %swap3A_58] : memref<2x128xf32, #tpu.memory_space<vmem>>, vector<1x128xf32>
    tpu.vector_store %arg9[%swap3A_57, %swap3A_58], %add3A_56 {strides = array<i32>} : memref<2x128xf32, #tpu.memory_space<vmem>>, vector<1x128xf32>,
    %eq3A_60 = arith.constant 9 : i32
    %eq3A_61 = arith.cmpi eq, %arg0, %eq3A_60 : i32
    %convert_element_type3A_62 = arith.extui %eq3A_61 : i1 to i32
    %cond3A_63 = arith.constant 0 : i32
    %cond3A_64 = arith.cmpi ne, %convert_element_type3A_62, %cond3A_63 : i32
    scf.if %cond3A_64 {
      %get3A_65 = arith.constant 0 : index
      %get3A_66 = arith.constant 0 : index
      %get3A_67 = vector.load %arg9[%get3A_65, %get3A_66] : memref<2x128xf32, #tpu.memory_space<vmem>>, vector<2x128xf32>
      %swap3A_68 = arith.constant 0 : index
      %swap3A_69 = arith.constant 0 : index
      %swap3A_70 = vector.load %arg8[%swap3A_68, %swap3A_69] : memref<2x128xf32, #tpu.memory_space<vmem>>, vector<2x128xf32>
      tpu.vector_store %arg8[%swap3A_68, %swap3A_69], %get3A_67 {strides = array<i32>} : memref<2x128xf32, #tpu.memory_space<vmem>>, vector<2x128xf32>,
    } else {
    }
    return
  }
  func.func @transform_0(%arg0: i32) -> (i32, i32) {
    %c0_i32 = arith.constant 0 : i32
    %c0_i32_0 = arith.constant 0 : i32
    return %arg0, %c0_i32 : i32, i32
  }
  func.func @transform_1(%arg0: i32) -> (i32, i32, i32) {
    %c0_i32 = arith.constant 0 : i32
    %c0_i32_0 = arith.constant 0 : i32
    %c0_i32_1 = arith.constant 0 : i32
    return %c0_i32, %arg0, %c0_i32_0 : i32, i32, i32
  }
  func.func @transform_2(%arg0: i32) -> (i32, i32) {
    %c0_i32 = arith.constant 0 : i32
    %c0_i32_0 = arith.constant 0 : i32
    %c0_i32_1 = arith.constant 0 : i32
    return %c0_i32, %c0_i32_0 : i32, i32
  }
  func.func @transform_3(%arg0: i32) -> (i32, i32) {
    %c0_i32 = arith.constant 0 : i32
    %c0_i32_0 = arith.constant 0 : i32
    %c0_i32_1 = arith.constant 0 : i32
    return %c0_i32, %c0_i32_0 : i32, i32
  }
  func.func @transform_4(%arg0: i32) -> (i32, i32) {
    %c0_i32 = arith.constant 0 : i32
    %c0_i32_0 = arith.constant 0 : i32
    %c0_i32_1 = arith.constant 0 : i32
    return %c0_i32, %c0_i32_0 : i32, i32
  }
  func.func @transform_5(%arg0: i32) -> (i32, i32) {
    %c0_i32 = arith.constant 0 : i32
    %c0_i32_0 = arith.constant 0 : i32
    %c0_i32_1 = arith.constant 0 : i32
    return %c0_i32, %c0_i32_0 : i32, i32
  }
  func.func @transform_6(%arg0: i32) -> (i32, i32) {
    %c0_i32 = arith.constant 0 : i32
    %c0_i32_0 = arith.constant 0 : i32
    return %arg0, %c0_i32 : i32, i32
  }
  func.func @transform_7(%arg0: i32) -> (i32, i32) {
    %c0_i32 = arith.constant 0 : i32
    %c0_i32_0 = arith.constant 0 : i32
    %c0_i32_1 = arith.constant 0 : i32
    return %c0_i32, %c0_i32_0 : i32, i32
  }
}

module attributes {stable_mosaic.version = 14 : i64} {
  func.func @_normt_body(%arg0: i32, %arg1: memref<1000x128xf32, #tpu.memory_space<vmem>>, %arg2: memref<2x128xf32, #tpu.memory_space<vmem>>, %arg3: memref<1x128xf32, #tpu.memory_space<vmem>>, %arg4: memref<1x128xf32, #tpu.memory_space<vmem>>, %arg5: memref<5x128xf32, #tpu.memory_space<vmem>>, %arg6: memref<1000x128xf32, #tpu.memory_space<vmem>>, %arg7: memref<5x1000x128xf32, #tpu.memory_space<vmem>>) attributes {dimension_semantics = [#tpu.dimension_semantics<arbitrary>], iteration_bounds = array<i64: 10>, scalar_prefetch = 0 : i64, scratch_operands = 0 : i64, tpu.core_type = #tpu.core_type<tc>, window_params = [{transform_indices = @transform_0, window_bounds = array<i64: 1000, 128>}, {pipeline_mode = #tpu.pipeline_mode<synchronous>, transform_indices = @transform_1, window_bounds = array<i64: 2, 128>}, {pipeline_mode = #tpu.pipeline_mode<synchronous>, transform_indices = @transform_2, window_bounds = array<i64: 1, 128>}, {pipeline_mode = #tpu.pipeline_mode<synchronous>, transform_indices = @transform_3, window_bounds = array<i64: 1, 128>}, {pipeline_mode = #tpu.pipeline_mode<synchronous>, transform_indices = @transform_4, window_bounds = array<i64: 5, 128>}, {transform_indices = @transform_5, window_bounds = array<i64: 1000, 128>}, {transform_indices = @transform_6, window_bounds = array<i64: 5, 1000, 128>}]} {
    %get3A = arith.constant 0 : index
    %get3A_0 = arith.constant 0 : index
    %get3A_1 = vector.load %arg2[%get3A, %get3A_0] : memref<2x128xf32, #tpu.memory_space<vmem>>, vector<1x128xf32>
    %mul3A = arith.constant 9.99999974E-5 : f32
    %mul3A_2 = vector.broadcast %mul3A : f32 to vector<1x128xf32>
    %mul3A_3 = arith.mulf %get3A_1, %mul3A_2 : vector<1x128xf32>
    %get3A_4 = arith.constant 1 : index
    %get3A_5 = arith.constant 0 : index
    %get3A_6 = vector.load %arg2[%get3A_4, %get3A_5] : memref<2x128xf32, #tpu.memory_space<vmem>>, vector<1x128xf32>
    %mul3A_7 = arith.constant 9.99999974E-5 : f32
    %mul3A_8 = vector.broadcast %mul3A_7 : f32 to vector<1x128xf32>
    %mul3A_9 = arith.mulf %get3A_6, %mul3A_8 : vector<1x128xf32>
    %mul3A_10 = arith.mulf %mul3A_3, %mul3A_3 : vector<1x128xf32>
    %sub3A = arith.subf %mul3A_9, %mul3A_10 : vector<1x128xf32>
    %get3A_11 = arith.constant 0 : index
    %get3A_12 = arith.constant 0 : index
    %get3A_13 = vector.load %arg3[%get3A_11, %get3A_12] : memref<1x128xf32, #tpu.memory_space<vmem>>, vector<1x128xf32>
    %add3A = arith.constant 9.99999974E-6 : f32
    %add3A_14 = vector.broadcast %add3A : f32 to vector<1x128xf32>
    %add3A_15 = arith.addf %sub3A, %add3A_14 : vector<1x128xf32>
    %rsqrt3A = math.rsqrt %add3A_15 : vector<1x128xf32>
    %mul3A_16 = arith.mulf %get3A_13, %rsqrt3A : vector<1x128xf32>
    %get3A_17 = arith.constant 0 : index
    %get3A_18 = arith.constant 0 : index
    %get3A_19 = vector.load %arg4[%get3A_17, %get3A_18] : memref<1x128xf32, #tpu.memory_space<vmem>>, vector<1x128xf32>
    %mul3A_20 = arith.mulf %mul3A_3, %mul3A_16 : vector<1x128xf32>
    %sub3A_21 = arith.subf %get3A_19, %mul3A_20 : vector<1x128xf32>
    %get3A_22 = arith.constant 0 : index
    %get3A_23 = arith.constant 0 : index
    %get3A_24 = vector.load %arg1[%get3A_22, %get3A_23] : memref<1000x128xf32, #tpu.memory_space<vmem>>, vector<1000x128xf32>
    %mul3A_25 = vector.broadcast %mul3A_16 : vector<1x128xf32> to vector<1000x128xf32>
    %mul3A_26 = arith.mulf %get3A_24, %mul3A_25 : vector<1000x128xf32>
    %add3A_27 = vector.broadcast %sub3A_21 : vector<1x128xf32> to vector<1000x128xf32>
    %add3A_28 = arith.addf %mul3A_26, %add3A_27 : vector<1000x128xf32>
    %max3A = arith.constant 0.000000e+00 : f32
    %max3A_29 = vector.broadcast %max3A : f32 to vector<1000x128xf32>
    %max3A_30 = arith.maximumf %add3A_28, %max3A_29 : vector<1000x128xf32>
    %swap3A = arith.constant 0 : index
    %swap3A_31 = arith.constant 0 : index
    %swap3A_32 = vector.load %arg6[%swap3A, %swap3A_31] : memref<1000x128xf32, #tpu.memory_space<vmem>>, vector<1000x128xf32>
    tpu.vector_store %arg6[%swap3A, %swap3A_31], %max3A_30 {strides = array<i32>} : memref<1000x128xf32, #tpu.memory_space<vmem>>, vector<1000x128xf32>,
    %get3A_33 = arith.constant 0 : index
    %get3A_34 = arith.constant 0 : index
    %get3A_35 = vector.load %arg5[%get3A_33, %get3A_34] : memref<5x128xf32, #tpu.memory_space<vmem>>, vector<1x128xf32>
    %get3A_36 = vector.shape_cast %get3A_35 : vector<1x128xf32> to vector<128xf32>
    %broadcast_in_dim3A = vector.shape_cast %get3A_36 : vector<128xf32> to vector<1x128xf32>
    %add3A_37 = vector.broadcast %broadcast_in_dim3A : vector<1x128xf32> to vector<1000x128xf32>
    %add3A_38 = arith.addf %max3A_30, %add3A_37 : vector<1000x128xf32>
    %max3A_39 = arith.constant 0.000000e+00 : f32
    %max3A_40 = vector.broadcast %max3A_39 : f32 to vector<1000x128xf32>
    %max3A_41 = arith.maximumf %add3A_38, %max3A_40 : vector<1000x128xf32>
    %swap3A_42 = arith.constant 0 : index
    %swap3A_43 = arith.constant 0 : index
    %swap3A_44 = arith.constant 0 : index
    %swap3A_45 = vector.load %arg7[%swap3A_42, %swap3A_43, %swap3A_44] : memref<5x1000x128xf32, #tpu.memory_space<vmem>>, vector<1x1000x128xf32>
    %swap3A_46 = vector.shape_cast %swap3A_45 : vector<1x1000x128xf32> to vector<1000x128xf32>
    %swap3A_47 = vector.shape_cast %max3A_41 : vector<1000x128xf32> to vector<1x1000x128xf32>
    tpu.vector_store %arg7[%swap3A_42, %swap3A_43, %swap3A_44], %swap3A_47 {strides = array<i32>} : memref<5x1000x128xf32, #tpu.memory_space<vmem>>, vector<1x1000x128xf32>,
    %get3A_48 = arith.constant 1 : index
    %get3A_49 = arith.constant 0 : index
    %get3A_50 = vector.load %arg5[%get3A_48, %get3A_49] : memref<5x128xf32, #tpu.memory_space<vmem>>, vector<1x128xf32>
    %get3A_51 = vector.shape_cast %get3A_50 : vector<1x128xf32> to vector<128xf32>
    %broadcast_in_dim3A_52 = vector.shape_cast %get3A_51 : vector<128xf32> to vector<1x128xf32>
    %add3A_53 = vector.broadcast %broadcast_in_dim3A_52 : vector<1x128xf32> to vector<1000x128xf32>
    %add3A_54 = arith.addf %max3A_30, %add3A_53 : vector<1000x128xf32>
    %max3A_55 = arith.constant 0.000000e+00 : f32
    %max3A_56 = vector.broadcast %max3A_55 : f32 to vector<1000x128xf32>
    %max3A_57 = arith.maximumf %add3A_54, %max3A_56 : vector<1000x128xf32>
    %swap3A_58 = arith.constant 1 : index
    %swap3A_59 = arith.constant 0 : index
    %swap3A_60 = arith.constant 0 : index
    %swap3A_61 = vector.load %arg7[%swap3A_58, %swap3A_59, %swap3A_60] : memref<5x1000x128xf32, #tpu.memory_space<vmem>>, vector<1x1000x128xf32>
    %swap3A_62 = vector.shape_cast %swap3A_61 : vector<1x1000x128xf32> to vector<1000x128xf32>
    %swap3A_63 = vector.shape_cast %max3A_57 : vector<1000x128xf32> to vector<1x1000x128xf32>
    tpu.vector_store %arg7[%swap3A_58, %swap3A_59, %swap3A_60], %swap3A_63 {strides = array<i32>} : memref<5x1000x128xf32, #tpu.memory_space<vmem>>, vector<1x1000x128xf32>,
    %get3A_64 = arith.constant 2 : index
    %get3A_65 = arith.constant 0 : index
    %get3A_66 = vector.load %arg5[%get3A_64, %get3A_65] : memref<5x128xf32, #tpu.memory_space<vmem>>, vector<1x128xf32>
    %get3A_67 = vector.shape_cast %get3A_66 : vector<1x128xf32> to vector<128xf32>
    %broadcast_in_dim3A_68 = vector.shape_cast %get3A_67 : vector<128xf32> to vector<1x128xf32>
    %add3A_69 = vector.broadcast %broadcast_in_dim3A_68 : vector<1x128xf32> to vector<1000x128xf32>
    %add3A_70 = arith.addf %max3A_30, %add3A_69 : vector<1000x128xf32>
    %max3A_71 = arith.constant 0.000000e+00 : f32
    %max3A_72 = vector.broadcast %max3A_71 : f32 to vector<1000x128xf32>
    %max3A_73 = arith.maximumf %add3A_70, %max3A_72 : vector<1000x128xf32>
    %swap3A_74 = arith.constant 2 : index
    %swap3A_75 = arith.constant 0 : index
    %swap3A_76 = arith.constant 0 : index
    %swap3A_77 = vector.load %arg7[%swap3A_74, %swap3A_75, %swap3A_76] : memref<5x1000x128xf32, #tpu.memory_space<vmem>>, vector<1x1000x128xf32>
    %swap3A_78 = vector.shape_cast %swap3A_77 : vector<1x1000x128xf32> to vector<1000x128xf32>
    %swap3A_79 = vector.shape_cast %max3A_73 : vector<1000x128xf32> to vector<1x1000x128xf32>
    tpu.vector_store %arg7[%swap3A_74, %swap3A_75, %swap3A_76], %swap3A_79 {strides = array<i32>} : memref<5x1000x128xf32, #tpu.memory_space<vmem>>, vector<1x1000x128xf32>,
    %get3A_80 = arith.constant 3 : index
    %get3A_81 = arith.constant 0 : index
    %get3A_82 = vector.load %arg5[%get3A_80, %get3A_81] : memref<5x128xf32, #tpu.memory_space<vmem>>, vector<1x128xf32>
    %get3A_83 = vector.shape_cast %get3A_82 : vector<1x128xf32> to vector<128xf32>
    %broadcast_in_dim3A_84 = vector.shape_cast %get3A_83 : vector<128xf32> to vector<1x128xf32>
    %add3A_85 = vector.broadcast %broadcast_in_dim3A_84 : vector<1x128xf32> to vector<1000x128xf32>
    %add3A_86 = arith.addf %max3A_30, %add3A_85 : vector<1000x128xf32>
    %max3A_87 = arith.constant 0.000000e+00 : f32
    %max3A_88 = vector.broadcast %max3A_87 : f32 to vector<1000x128xf32>
    %max3A_89 = arith.maximumf %add3A_86, %max3A_88 : vector<1000x128xf32>
    %swap3A_90 = arith.constant 3 : index
    %swap3A_91 = arith.constant 0 : index
    %swap3A_92 = arith.constant 0 : index
    %swap3A_93 = vector.load %arg7[%swap3A_90, %swap3A_91, %swap3A_92] : memref<5x1000x128xf32, #tpu.memory_space<vmem>>, vector<1x1000x128xf32>
    %swap3A_94 = vector.shape_cast %swap3A_93 : vector<1x1000x128xf32> to vector<1000x128xf32>
    %swap3A_95 = vector.shape_cast %max3A_89 : vector<1000x128xf32> to vector<1x1000x128xf32>
    tpu.vector_store %arg7[%swap3A_90, %swap3A_91, %swap3A_92], %swap3A_95 {strides = array<i32>} : memref<5x1000x128xf32, #tpu.memory_space<vmem>>, vector<1x1000x128xf32>,
    %get3A_96 = arith.constant 4 : index
    %get3A_97 = arith.constant 0 : index
    %get3A_98 = vector.load %arg5[%get3A_96, %get3A_97] : memref<5x128xf32, #tpu.memory_space<vmem>>, vector<1x128xf32>
    %get3A_99 = vector.shape_cast %get3A_98 : vector<1x128xf32> to vector<128xf32>
    %broadcast_in_dim3A_100 = vector.shape_cast %get3A_99 : vector<128xf32> to vector<1x128xf32>
    %add3A_101 = vector.broadcast %broadcast_in_dim3A_100 : vector<1x128xf32> to vector<1000x128xf32>
    %add3A_102 = arith.addf %max3A_30, %add3A_101 : vector<1000x128xf32>
    %max3A_103 = arith.constant 0.000000e+00 : f32
    %max3A_104 = vector.broadcast %max3A_103 : f32 to vector<1000x128xf32>
    %max3A_105 = arith.maximumf %add3A_102, %max3A_104 : vector<1000x128xf32>
    %swap3A_106 = arith.constant 4 : index
    %swap3A_107 = arith.constant 0 : index
    %swap3A_108 = arith.constant 0 : index
    %swap3A_109 = vector.load %arg7[%swap3A_106, %swap3A_107, %swap3A_108] : memref<5x1000x128xf32, #tpu.memory_space<vmem>>, vector<1x1000x128xf32>
    %swap3A_110 = vector.shape_cast %swap3A_109 : vector<1x1000x128xf32> to vector<1000x128xf32>
    %swap3A_111 = vector.shape_cast %max3A_105 : vector<1000x128xf32> to vector<1x1000x128xf32>
    tpu.vector_store %arg7[%swap3A_106, %swap3A_107, %swap3A_108], %swap3A_111 {strides = array<i32>} : memref<5x1000x128xf32, #tpu.memory_space<vmem>>, vector<1x1000x128xf32>,
    return
  }
  func.func @transform_0(%arg0: i32) -> (i32, i32) {
    %c0_i32 = arith.constant 0 : i32
    %c0_i32_0 = arith.constant 0 : i32
    return %arg0, %c0_i32 : i32, i32
  }
  func.func @transform_1(%arg0: i32) -> (i32, i32) {
    %c0_i32 = arith.constant 0 : i32
    %c0_i32_0 = arith.constant 0 : i32
    %c0_i32_1 = arith.constant 0 : i32
    return %c0_i32, %c0_i32_0 : i32, i32
  }
  func.func @transform_2(%arg0: i32) -> (i32, i32) {
    %c0_i32 = arith.constant 0 : i32
    %c0_i32_0 = arith.constant 0 : i32
    %c0_i32_1 = arith.constant 0 : i32
    return %c0_i32, %c0_i32_0 : i32, i32
  }
  func.func @transform_3(%arg0: i32) -> (i32, i32) {
    %c0_i32 = arith.constant 0 : i32
    %c0_i32_0 = arith.constant 0 : i32
    %c0_i32_1 = arith.constant 0 : i32
    return %c0_i32, %c0_i32_0 : i32, i32
  }
  func.func @transform_4(%arg0: i32) -> (i32, i32) {
    %c0_i32 = arith.constant 0 : i32
    %c0_i32_0 = arith.constant 0 : i32
    %c0_i32_1 = arith.constant 0 : i32
    return %c0_i32, %c0_i32_0 : i32, i32
  }
  func.func @transform_5(%arg0: i32) -> (i32, i32) {
    %c0_i32 = arith.constant 0 : i32
    %c0_i32_0 = arith.constant 0 : i32
    return %arg0, %c0_i32 : i32, i32
  }
  func.func @transform_6(%arg0: i32) -> (i32, i32, i32) {
    %c0_i32 = arith.constant 0 : i32
    %c0_i32_0 = arith.constant 0 : i32
    %c0_i32_1 = arith.constant 0 : i32
    return %c0_i32, %arg0, %c0_i32_0 : i32, i32, i32
  }
}

module attributes {stable_mosaic.version = 14 : i64} {
  func.func @_normf_body(%arg0: i32, %arg1: memref<1000x128xf32, #tpu.memory_space<vmem>>, %arg2: memref<2x128xf32, #tpu.memory_space<vmem>>, %arg3: memref<1x128xf32, #tpu.memory_space<vmem>>, %arg4: memref<1x128xf32, #tpu.memory_space<vmem>>, %arg5: memref<1000x128xf32, #tpu.memory_space<vmem>>) attributes {dimension_semantics = [#tpu.dimension_semantics<arbitrary>], iteration_bounds = array<i64: 10>, scalar_prefetch = 0 : i64, scratch_operands = 0 : i64, tpu.core_type = #tpu.core_type<tc>, window_params = [{transform_indices = @transform_0, window_bounds = array<i64: 1000, 128>}, {pipeline_mode = #tpu.pipeline_mode<synchronous>, transform_indices = @transform_1, window_bounds = array<i64: 2, 128>}, {pipeline_mode = #tpu.pipeline_mode<synchronous>, transform_indices = @transform_2, window_bounds = array<i64: 1, 128>}, {pipeline_mode = #tpu.pipeline_mode<synchronous>, transform_indices = @transform_3, window_bounds = array<i64: 1, 128>}, {transform_indices = @transform_4, window_bounds = array<i64: 1000, 128>}]} {
    %get3A = arith.constant 0 : index
    %get3A_0 = arith.constant 0 : index
    %get3A_1 = vector.load %arg2[%get3A, %get3A_0] : memref<2x128xf32, #tpu.memory_space<vmem>>, vector<1x128xf32>
    %mul3A = arith.constant 9.99999974E-5 : f32
    %mul3A_2 = vector.broadcast %mul3A : f32 to vector<1x128xf32>
    %mul3A_3 = arith.mulf %get3A_1, %mul3A_2 : vector<1x128xf32>
    %get3A_4 = arith.constant 1 : index
    %get3A_5 = arith.constant 0 : index
    %get3A_6 = vector.load %arg2[%get3A_4, %get3A_5] : memref<2x128xf32, #tpu.memory_space<vmem>>, vector<1x128xf32>
    %mul3A_7 = arith.constant 9.99999974E-5 : f32
    %mul3A_8 = vector.broadcast %mul3A_7 : f32 to vector<1x128xf32>
    %mul3A_9 = arith.mulf %get3A_6, %mul3A_8 : vector<1x128xf32>
    %mul3A_10 = arith.mulf %mul3A_3, %mul3A_3 : vector<1x128xf32>
    %sub3A = arith.subf %mul3A_9, %mul3A_10 : vector<1x128xf32>
    %get3A_11 = arith.constant 0 : index
    %get3A_12 = arith.constant 0 : index
    %get3A_13 = vector.load %arg3[%get3A_11, %get3A_12] : memref<1x128xf32, #tpu.memory_space<vmem>>, vector<1x128xf32>
    %add3A = arith.constant 9.99999974E-6 : f32
    %add3A_14 = vector.broadcast %add3A : f32 to vector<1x128xf32>
    %add3A_15 = arith.addf %sub3A, %add3A_14 : vector<1x128xf32>
    %rsqrt3A = math.rsqrt %add3A_15 : vector<1x128xf32>
    %mul3A_16 = arith.mulf %get3A_13, %rsqrt3A : vector<1x128xf32>
    %get3A_17 = arith.constant 0 : index
    %get3A_18 = arith.constant 0 : index
    %get3A_19 = vector.load %arg4[%get3A_17, %get3A_18] : memref<1x128xf32, #tpu.memory_space<vmem>>, vector<1x128xf32>
    %mul3A_20 = arith.mulf %mul3A_3, %mul3A_16 : vector<1x128xf32>
    %sub3A_21 = arith.subf %get3A_19, %mul3A_20 : vector<1x128xf32>
    %get3A_22 = arith.constant 0 : index
    %get3A_23 = arith.constant 0 : index
    %get3A_24 = vector.load %arg1[%get3A_22, %get3A_23] : memref<1000x128xf32, #tpu.memory_space<vmem>>, vector<1000x128xf32>
    %mul3A_25 = vector.broadcast %mul3A_16 : vector<1x128xf32> to vector<1000x128xf32>
    %mul3A_26 = arith.mulf %get3A_24, %mul3A_25 : vector<1000x128xf32>
    %add3A_27 = vector.broadcast %sub3A_21 : vector<1x128xf32> to vector<1000x128xf32>
    %add3A_28 = arith.addf %mul3A_26, %add3A_27 : vector<1000x128xf32>
    %swap3A = arith.constant 0 : index
    %swap3A_29 = arith.constant 0 : index
    %swap3A_30 = vector.load %arg5[%swap3A, %swap3A_29] : memref<1000x128xf32, #tpu.memory_space<vmem>>, vector<1000x128xf32>
    tpu.vector_store %arg5[%swap3A, %swap3A_29], %add3A_28 {strides = array<i32>} : memref<1000x128xf32, #tpu.memory_space<vmem>>, vector<1000x128xf32>,
    return
  }
  func.func @transform_0(%arg0: i32) -> (i32, i32) {
    %c0_i32 = arith.constant 0 : i32
    %c0_i32_0 = arith.constant 0 : i32
    return %arg0, %c0_i32 : i32, i32
  }
  func.func @transform_1(%arg0: i32) -> (i32, i32) {
    %c0_i32 = arith.constant 0 : i32
    %c0_i32_0 = arith.constant 0 : i32
    %c0_i32_1 = arith.constant 0 : i32
    return %c0_i32, %c0_i32_0 : i32, i32
  }
  func.func @transform_2(%arg0: i32) -> (i32, i32) {
    %c0_i32 = arith.constant 0 : i32
    %c0_i32_0 = arith.constant 0 : i32
    %c0_i32_1 = arith.constant 0 : i32
    return %c0_i32, %c0_i32_0 : i32, i32
  }
  func.func @transform_3(%arg0: i32) -> (i32, i32) {
    %c0_i32 = arith.constant 0 : i32
    %c0_i32_0 = arith.constant 0 : i32
    %c0_i32_1 = arith.constant 0 : i32
    return %c0_i32, %c0_i32_0 : i32, i32
  }
  func.func @transform_4(%arg0: i32) -> (i32, i32) {
    %c0_i32 = arith.constant 0 : i32
    %c0_i32_0 = arith.constant 0 : i32
    return %arg0, %c0_i32 : i32, i32
  }
}

</mosaic_0001>

<sc_bundles>
// kernel: kernel.13.cloned.1.call-start
scs
__scs_entry_jumppad:
0x0: {  	(pc) =	sbr.rel $0x88, $3  }
0x1: {  	(tag) =	ssettag $0x0;
	lr =	simm.s32 $0x1  }
0x2: {  	[smem:$0x3F92] =	sst lr;
	_ =	strace $0xD0000000  }
0x3: {  	_ = 	snop  }
0x4: {  	_ = 	snop  }
0x5: {  	_ = 	snop  }
0x6: {  	_ = 	snop  }
0x7: {  	_ = 	snop  }
__scs_overlays_trampoline_lowered:
0x8: {  	[smem:$0x3FA1] =	sst s0  }
0x9: {  	[smem:$0x3FA2] =	sst s1  }
0xa: {  	[smem:$0x3FA3] =	sst s2  }
0xb: {  	[smem:$0x3FA4] =	sst s3  }
0xc: {  	[smem:$0x3FA5] =	sst s4  }
0xd: {  	[smem:$0x3FA6] =	sst s5  }
0xe: {  	[smem:$0x3FA7] =	sst s6  }
0xf: {  	[smem:$0x3FA8] =	sst s7  }
0x10: {  	[smem:$0x3FA9] =	sst s8  }
0x11: {  	[smem:$0x3FAA] =	sst s9;
	s0 =	simm.s32 @!p0 $0x0  }
0x12: {  	s1 =	sld [smem:$0x3F90];
	s0 =	simm.s32 @p0 $0x1  }
0x13: {  	[smem:$0x3FAB] =	sst s0;
	s0 =	simm.s32 @!p1 $0x0  }
0x14: {  	s2 =	sld [smem:$0x3F8F];
	s0 =	simm.s32 @p1 $0x1  }
0x15: {  	[smem:$0x3FAC] =	sst s0;
	s0 =	simm.s32 @!p2 $0x0  }
0x16: {  	s3 =	sld [smem:$0x3FDB];
	s0 =	simm.s32 @p2 $0x1  }
0x17: {  	s4 =	simm.s32 $0x1BF5;
	[smem:$0x3FAE] =	sst s0  }
0x18: {  	s0 =	sld [smem:$0x3F91];
	_ =	swait.ge [sflag:s4], $0x0  }
0x19: {  	s7 =	sld [smem:$0x3F92]  }
0x1a: {  	s8 =	sadd.s32 $0xFFFFE003, lr  }
0x1b: {  	s9 =	sadd.s32 $0xFFFFFEF7, lr;
	s5 =	simm.s32 $0xFFFFFFFF;
	p2 =	slt.u32 s8, $0xFFFFF086  }
0x1c: {  	p1 =	slt.u32 s9, $0xF7A;
	s5 =	simm.s32 @!p2 $0x0  }
0x1d: {  	s5 =	simm.s32 @p1 $0x1;
	p0 =	seq.s32 s7, s2  }
0x1e: {  	s7 =	smul.u32 @!p0 $0xF7A, s2;
	p2 =	seq.s32 @!p0 s5, $0x0  }
0x1f: {  	s9 =	smul.u32 $0xF7A, s1;
	s8 =	simm.s32 @!p0 $0x1BF5;
	p2 =	por !p2, p0  }
0x20: {  	[sflag:s8] =	ssyncset.s32 @!p0 $0xFFFFF086;
	s6 =	sadd.s32 @!p0 s3, s7;
	s7 =	simm.s32 @!p0 $0x108  }
0x21: {  	s3 =	sadd.s32 s3, s9;
	s6 =	sadd.s32 @!p0 $0x88, s6;
	s7 =	simm.s32 @p2 $0x1082  }
0x22: {  	[simem:s7], [sflag:s8] =	dma.local @!p0 [hbm:s6], $0xF7A  }
0x23: {  	s9 =	sor.u32 $0xD0000000, s2;
	s6 =	simm.s32 $0x108;
	_ =	swait.ge @!p0 [sflag:s8], $0x0  }
0x24: {  	s3 =	sadd.s32 $0x88, s3;
	s6 =	simm.s32 @!p1 $0x1082;
	[sflag:s4] =	ssyncset.s32 $0xFFFFF086  }
0x25: {  	[simem:s6], [sflag:s4] =	dma.local [hbm:s3], $0xF7A  }
0x26: {  	[smem:$0x3F92] =	sst s1;
	(tag) =	ssettag s2;
	_ =	strace s9  }
0x27: {  	s1 =	sld [smem:$0x3FA2]  }
0x28: {  	s2 =	sld [smem:$0x3FA3]  }
0x29: {  	s4 =	sld [smem:$0x3FA5]  }
0x2a: {  	p0 =	seq.s32 s5, $0x0;
	s5 =	sld [smem:$0x3FA6]  }
0x2b: {  	s6 =	sld [smem:$0x3FA7]  }
0x2c: {  	s7 =	sld [smem:$0x3FA8]  }
0x2d: {  	s3 =	simm.s32 $0x108;
	s8 =	sld [smem:$0x3FA9]  }
0x2e: {  	s3 =	simm.s32 @!p0 $0x1082;
	s9 =	sld [smem:$0x3FAA]  }
0x2f: {  	lr =	sadd.s32 s0, s3;
	s0 =	sld [smem:$0x3FA1]  }
0x30: {  	s3 =	sld [smem:$0x3FA4]  }
0x31: {  	[smem:$0x3FAD] =	sst s10  }
0x32: {  	s10 =	sld [smem:$0x3FAB];
	_ =	sdelay $0x3  }
0x33: {  	p0 =	seq.s32 s10, $0x1;
	s10 =	sld [smem:$0x3FAD];
	_ =	sdelay $0x3  }
0x34: {  	[smem:$0x3FAD] =	sst s10  }
0x35: {  	s10 =	sld [smem:$0x3FAC];
	_ =	sdelay $0x3  }
0x36: {  	p1 =	seq.s32 s10, $0x1;
	s10 =	sld [smem:$0x3FAD];
	_ =	sdelay $0x3  }
0x37: {  	[smem:$0x3FAD] =	sst s10  }
0x38: {  	s10 =	sld [smem:$0x3FAE]  }
0x39: {  	_ = 	snop;
	(pc) =	sbr.ind lr, $3  }
0x3a: {  	_ = 	snop  }
0x3b: {  	_ = 	snop  }
0x3c: {  	p2 =	seq.s32 s10, $0x1;
	s10 =	sld [smem:$0x3FAD]  }
0x3d: {  	_ =	shalt  }
0x3e: {  	_ =	shalt  }
0x3f: {  	_ =	shalt  }
0x40: {  	_ =	shalt  }
0x41: {  	_ =	shalt  }
0x42: {  	_ =	shalt  }
0x43: {  	_ =	shalt  }
0x44: {  	_ =	shalt  }
0x45: {  	_ =	shalt  }
0x46: {  	_ =	shalt  }
0x47: {  	_ =	shalt  }
0x48: {  	_ =	shalt  }
0x49: {  	_ =	shalt  }
0x4a: {  	_ =	shalt  }
0x4b: {  	_ =	shalt  }
0x4c: {  	_ =	shalt  }
0x4d: {  	_ =	shalt  }
0x4e: {  	_ =	shalt  }
0x4f: {  	_ =	shalt  }
0x50: {  	_ =	shalt  }
0x51: {  	_ =	shalt  }
0x52: {  	_ =	shalt  }
0x53: {  	_ =	shalt  }
0x54: {  	_ =	shalt  }
0x55: {  	_ =	shalt  }
0x56: {  	_ =	shalt  }
0x57: {  	_ =	shalt  }
0x58: {  	_ =	shalt  }
0x59: {  	_ =	shalt  }
0x5a: {  	_ =	shalt  }
0x5b: {  	_ =	shalt  }
0x5c: {  	_ =	shalt  }
0x5d: {  	_ =	shalt  }
0x5e: {  	_ =	shalt  }
0x5f: {  	_ =	shalt  }
0x60: {  	_ =	shalt  }
0x61: {  	_ =	shalt  }
0x62: {  	_ =	shalt  }
0x63: {  	_ =	shalt  }
0x64: {  	_ =	shalt  }
0x65: {  	_ =	shalt  }
0x66: {  	_ =	shalt  }
0x67: {  	_ =	shalt  }
0x68: {  	_ =	shalt  }
0x69: {  	_ =	shalt  }
0x6a: {  	_ =	shalt  }
0x6b: {  	_ =	shalt  }
0x6c: {  	_ =	shalt  }
0x6d: {  	_ =	shalt  }
0x6e: {  	_ =	shalt  }
0x6f: {  	_ =	shalt  }
0x70: {  	_ =	shalt  }
0x71: {  	_ =	shalt  }
0x72: {  	_ =	shalt  }
0x73: {  	_ =	shalt  }
0x74: {  	_ =	shalt  }
0x75: {  	_ =	shalt  }
0x76: {  	_ =	shalt  }
0x77: {  	_ =	shalt  }
0x78: {  	_ =	shalt  }
0x79: {  	_ =	shalt  }
0x7a: {  	_ =	shalt  }
0x7b: {  	_ =	shalt  }
0x7c: {  	_ =	shalt  }
0x7d: {  	_ =	shalt  }
0x7e: {  	_ =	shalt  }
0x7f: {  	_ =	shalt  }
0x80: {  	_ =	shalt  }
0x81: {  	_ =	shalt  }
0x82: {  	_ =	shalt  }
0x83: {  	_ =	shalt  }
0x84: {  	_ =	shalt  }
0x85: {  	_ =	shalt  }
0x86: {  	_ =	shalt  }
0x87: {  	_ =	shalt  }
.Lfunc_end0:
.L_simem_size_0:
called_computation_lowered:
.L_overlay_start_0:
0x88: {  	s2 =	sld [smem:$0x3FD9]  }
0x89: {  	s3 =	sld [smem:$0x3FFE];
	_ =	sdelay $0x1  }
0x8a: {  	s1 =	srdreg.scid  }
0x8b: {  	s0 =	sand.u32 $0x1, s1  }
0x8c: {  	s17 =	sshll.u32 s0, $0xA;
	s2 =	sadd.s32 s3, s2  }
0x8d: {  	s2 =	sadd.s32 s2, s17  }
0x8e: {  	[smem:$0x3FB9] =	sst s2  }
0x8f: {  	_ = 	snop  }
0x90: {  	s2 =	sld [smem:$0x3FD0];
	(tm) =	ssettm $0x1  }
0x91: {  	s18 =	sld [smem:$0x3FFB];
	_ =	sdelay $0x3  }
0x92: {  	_ =	strace s18  }
0x93: {  	s3 =	sld [smem:$0x3FFC];
	_ =	sdelay $0x3  }
0x94: {  	_ =	strace s3  }
0x95: {  	s3 =	sld [smem:$0x3FFD];
	_ =	sdelay $0x3  }
0x96: {  	_ =	strace s3  }
0x97: {  	_ =	strace $0x8FFFFFFF  }
0x98: {  	s19 =	sld [smem:$0x3FDB];
	_ =	sdelay $0x1  }
0x99: {  	s4 =	simm.s32 $_scs_section_size  }
0x9a: {  	s5 =	simm.s32 $_size__tile_overlayer_lowered;
	s6 =	simm.s32 $_tile_overlayer_lowered  }
0x9b: {  	s22 =	simm.s32 $0x1BFF;
	s21 =	sshll.u32 s6, $0x1;
	s3 =	sadd.s32 s4, s19  }
0x9c: {  	s7 =	simm.s32 $0x0;
	s20 =	sshll.u32 s5, $0x1;
	s5 =	sadd.s32 s21, s3  }
0x9d: {  	[timem:s7], [sflag:s22] =	dma.local [hbm:s5], s20  }
0x9e: {  	_ =	swait.ge [sflag:s22], s20  }
0x9f: {  	s4 =	ssub.s32 $0x0, s20;
	[sflag:s22] =	ssyncset.done $0x0  }
0xa0: {  	[sflag:s22] =	ssyncadd.s32 s4;
	_ =	sdelay $0x1  }
0xa1: {  	s23 =	simm.s32 $0x1B8B  }
0xa2: {  	_ =	swait.ge [sflag:s23], $0x1  }
0xa3: {  	[sflag:s23] =	ssyncset.done $0x0  }
0xa4: {  	s25 =	simm.s32 $0x1B8E;
	s24 =	sld [smem:$0x3FFE];
	[sflag:s23] =	ssyncadd.s32 $0xFFFFFFFF  }
0xa5: {  	s26 =	simm.s32 $execute0_lowered;
	[smem:$0x3FD2] =	sst s25  }
0xa6: {  	s5 =	sshll.u32 s26, $0x1;
	_ =	strace $0x80000046;
	[dreg:$0x1] =	wrdreg $0xFFFFFFFF  }
0xa7: {  	s28 =	simm.s32 $_size_execute0_lowered;
	s3 =	sadd.s32 s3, s5;
	[dreg:$0x0] =	wrdreg $0x0  }
0xa8: {  	s5 =	sshll.u32 s28, $0x1;
	[dreg:$0x2] =	wrdreg s3  }
0xa9: {  	[dreg:$0x3] =	wrdreg s5  }
0xaa: {  	[dreg:$0x4] =	wrdreg $0xC0  }
0xab: {  	_ =	task [dreg:s7], $0x5FFFF  }
0xac: {  	[dreg:$0x1] =	wrdreg $0xFFFFFFFF  }
0xad: {  	[dreg:$0x0] =	wrdreg $0x60  }
0xae: {  	[dreg:$0x2] =	wrdreg s24  }
0xaf: {  	[dreg:$0x3] =	wrdreg s2  }
0xb0: {  	[dreg:$0x4] =	wrdreg $0xA8000  }
0xb1: {  	[dreg:$0x5] =	wrdreg $0x9  }
0xb2: {  	_ =	task.clear_ibuf [dreg:s7], $0x6FFFF;
	_ =	strace $0x90000046  }
0xb3: {  	s29 =	simm.s32 $0x9;
	_ =	strace $0x80000048  }
0xb4: {  	_ =	swait.ge [sflag:s29], $0x1  }
0xb5: {  	[sflag:s29] =	ssyncadd.s32 $0xFFFFFFFF  }
0xb6: {  	_ =	strace $0x90000048  }
0xb7: {  	_ =	sfence  }
0xb8: {  	s30 =	sld [smem:$0x0];
	_ =	sdelay $0x2  }
0xb9: {  	s31 =	sshll.u32 s1, $0xD;
	s1 =	sshrl.u32 s1, $0x2  }
0xba: {  	s3 =	sand.u32 $0x4000, s31;
	s1 =	sadd.s32 s1, s30  }
0xbb: {  	s0 =	sor.u32 s3, s0;
	s1 =	sshll.u32 s1, $0x11  }
0xbc: {  	s0 =	sor.u32 s1, s0  }
0xbd: {  	s0 =	sadd.s32 $0x8F2B, s0  }
0xbe: {  	[sflag:s0] =	ssyncadd.remote.s32 $0x1  }
0xbf: {  	_ =	sfence.sel $0xFFFF  }
0xc0: {  	[dreg:$0x0] =	wrdreg $0xFFFFFFFF;
	(pc) =	sbr.abs _section_cstart, $3  }
0xc1: {  	[dreg:$0x1] =	wrdreg $0xFFFFFFFF  }
0xc2: {  	_ =	task.clear_ibuf [dreg:s7], $0x2FFFF;
	_ =	strace $0x9FFFFFFF  }
0xc3: {  	(tm) =	ssettm $0x7FFFFFFF  }
tec
execute0_lowered:
.L_overlay_start_1:
0x0: {  	(tag) =	ssettag $0x1  }
0x1: {  	s6 =	rddreg [dreg:$0x0]  }
0x2: {  	s8 =	rddreg [dreg:$0x1]  }
0x3: {  	s1 =	rddreg [dreg:$0x2]  }
0x4: {  	s2 =	srdreg.scid;
	s0 =	rddreg [dreg:$0x3]  }
0x5: {  	s3 =	simm.s32 $0x0;
	s16 =	simm.s32 $0x80;
	s17 =	simm.s32 $0x2800  }
0x6: {  	s18 =	simm.s32 $0x1;
	s19 =	simm.s32 $0x6800;
	s20 =	simm.s32 $0x2  }
0x7: {  	s21 =	simm.s32 $0x1380;
	s22 =	simm.s32 $0x2700;
	s23 =	simm.s32 $0x2780  }
0x8: {  	s24 =	simm.s32 $0x0;
	s7 =	sand.u32 $0x1, s2;
	s2 =	stileid.u32  }
0x9: {  	[smem:$0x7FF] =	sst s3;
	s4 =	sadd.s32 $0xDE00, s6;
	s5 =	smul.u32 $0x138800, s7  }
0xa: {  	s11 =	sadd.s32 $0x3E00, s6;
	s9 =	smul.u32 $0x1F400, s2;
	_ =	strace $0x80000047  }
0xb: {  	s10 =	sshll.u32 s7, $0x4;
	s30 =	smul.u32 $0x7D000, s2;
	s31 =	ssub.s32 $0x2, s7  }
0xc: {  	p0 =	sgt.u32 s2, $0x9;
	s29 =	sor.u32 s2, s10;
	s7 =	sshrl.u32 s31, $0x1  }
0xd: {  	s15 =	sshll.u32 @!p0 s2, $0x6;
	s5 =	sadd.s32 s9, s5;
	s9 =	smul.u32 $0x2800, s29  }
0xe: {  	s10 =	sshrl.u32 s30, $0x2;
	s13 =	ssub.s32 s31, s7;
	s12 =	sshrl.u32 s5, $0x3  }
0xf: {  	s5 =	sadd.s32 $0xD1400, s6;
	s14 =	sadd.s32 s10, s1;
	s9 =	sshrl.u32 s9, $0x3  }
0x10: {  	s12 =	sadd.s32 s12, s6;
	s6 =	sadd.s32 s8, s9;
	s7 =	sadd.s32 s11, s9  }
0x11: {  	s9 =	sadd.s32 $0x280, s9;
	s10 =	sadd.s32 $0xD5400, s12;
	s12 =	sor.u32 @!p0 $0x1C03, s15  }
0x12: {  	s15 =	simm.s32 $0x1400;
	s8 =	sadd.s32 s8, s9;
	s9 =	sadd.s32 s11, s9  }
0x13: {  	s11 =	smax.u32 s13, $0x1;
	s13 =	sshrl.u32 @!p0 s14, $0x3;
	s14 =	simm.s32 $0x3  }
.LBB2_1:
0x14: {  	[spmem:s13], [sflag:s12] =	dma.local @!p0 [hbm:s5], $0x3E80  }
0x15: {  	s25 =	simm.s32 @!p0 $0x3  }
0x16: {  	_ =	swait.ge @!p0 [sflag:s25], $0x3E80  }
0x17: {  	[sflag:s25] =	ssyncset.done @!p0 $0x0  }
0x18: {  	[sflag:s25] =	ssyncadd.s32 @!p0 $0xFFFFC180  }
0x19: {  	[bflag:$0x0] =	sbarrier.arrive $0xFFFF  }
0x1a: {  	[tilespmem:s3], [sflag:$0x3] =	stream.linear.gather [hbm4b:s6+s3], $0x1400, $0x38;
	[tilespmem:$0x1E480] =	vst v63  }
0x1b: {  	_ =	swait.ge [sflag:s14], $0x1400  }
0x1c: {  	[sflag:s14] =	ssyncset.done $0x0  }
0x1d: {  	[sflag:s14] =	ssyncadd.s32 $0xFFFFEC00  }
0x1e: {  	[tilespmem:s15], [sflag:$0x3] =	stream.linear.gather [hbm4b:s7+s3], $0x1400, $0x38;
	[tilespmem:$0x1E480] =	vst v63  }
0x1f: {  	_ =	swait.ge [sflag:s14], $0x1400  }
0x20: {  	[sflag:s14] =	ssyncset.done $0x0  }
0x21: {  	[sflag:s14] =	ssyncadd.s32 $0xFFFFEC00  }
0x22: {  	[tilespmem:s17], [sflag:$0x1] =	stream.indirect.gather [hbm4b:s4+s16], $0x80, s3, s16, $0xb8;
	[tilespmem:$0x1E480] =	vst v63  }
0x23: {  	_ =	swait.ge [sflag:s18], $0x4000  }
0x24: {  	[sflag:s18] =	ssyncset.done $0x0  }
0x25: {  	s28 =	simm.s32 $0x80;
	[sflag:s18] =	ssyncadd.s32 $0xFFFFC000  }
0x26: {  	[tilespmem:s19], [sflag:$0x2] =	stream.indirect.gather [hbm4b:s4+s16], $0x80, s28, s16, $0xb8;
	[tilespmem:$0x1E480] =	vst v63  }
0x27: {  	s29 =	simm.s32 $0x1400  }
0x28: {  	[spmem:s1] =	stream.indirect.scatter.add.f32 [tilespmem:s17], [sflag:$0x3], $0x80, s29, s16, $0xb8;
	[tilespmem:$0x1E480] =	vst v63  }
0x29: {  	_ =	swait.ge [sflag:s14], $0x4000  }
0x2a: {  	[sflag:s14] =	ssyncset.done $0x0  }
0x2b: {  	[sflag:s14] =	ssyncadd.s32 $0xFFFFC000  }
0x2c: {  	_ =	swait.ge [sflag:s20], $0x4000  }
0x2d: {  	[sflag:s20] =	ssyncset.done $0x0  }
0x2e: {  	s30 =	simm.s32 $0x100;
	[sflag:s20] =	ssyncadd.s32 $0xFFFFC000  }
0x2f: {  	[tilespmem:s17], [sflag:$0x1] =	stream.indirect.gather [hbm4b:s4+s16], $0x80, s30, s16, $0xb8;
	[tilespmem:$0x1E480] =	vst v63  }
0x30: {  	s31 =	simm.s32 $0x1480  }
0x31: {  	[spmem:s1] =	stream.indirect.scatter.add.f32 [tilespmem:s19], [sflag:$0x3], $0x80, s31, s16, $0xb8;
	[tilespmem:$0x1E480] =	vst v63  }
0x32: {  	_ =	swait.ge [sflag:s14], $0x4000  }
0x33: {  	s25 =	simm.s32 $0x400;
	[sflag:s14] =	ssyncset.done $0x0  }
.LBB2_2:
0x34: {  	p1 =	sne.s32 s25, $0x4800  }
0x35: {  	[sflag:s14] =	ssyncadd.s32 $0xFFFFC000;
	s26 =	smov.u32 s25;
	s25 =	sadd.s32 $0x400, s25  }
0x36: {  	_ = 	snop  }
0x37: {  	_ =	swait.ge [sflag:s18], $0x4000  }
0x38: {  	s26 =	sshra.s32 s26, $0x2;
	[sflag:s18] =	ssyncset.done $0x0  }
0x39: {  	s28 =	sadd.s32 $0x80, s26;
	[sflag:s18] =	ssyncadd.s32 $0xFFFFC000  }
0x3a: {  	[tilespmem:s19], [sflag:$0x2] =	stream.indirect.gather [hbm4b:s4+s16], $0x80, s28, s16, $0xb8;
	[tilespmem:$0x1E480] =	vst v63  }
0x3b: {  	s28 =	sadd.s32 $0x1400, s26  }
0x3c: {  	[spmem:s1] =	stream.indirect.scatter.add.f32 [tilespmem:s17], [sflag:$0x3], $0x80, s28, s16, $0xb8;
	[tilespmem:$0x1E480] =	vst v63  }
0x3d: {  	_ =	swait.ge [sflag:s14], $0x4000  }
0x3e: {  	[sflag:s14] =	ssyncset.done $0x0  }
0x3f: {  	[sflag:s14] =	ssyncadd.s32 $0xFFFFC000  }
0x40: {  	_ =	swait.ge [sflag:s20], $0x4000  }
0x41: {  	[sflag:s20] =	ssyncset.done $0x0  }
0x42: {  	s28 =	sadd.s32 $0x100, s26;
	[sflag:s20] =	ssyncadd.s32 $0xFFFFC000  }
0x43: {  	[tilespmem:s17], [sflag:$0x1] =	stream.indirect.gather [hbm4b:s4+s16], $0x80, s28, s16, $0xb8;
	[tilespmem:$0x1E480] =	vst v63  }
.Ltmp0:
0x44: {  	_ = 	snop;
	(pc) =	sbr.rel @p1 .LBB2_2-.Ltmp0, $4  }
0x45: {  	s26 =	sadd.s32 $0x1480, s26  }
0x46: {  	[spmem:s1] =	stream.indirect.scatter.add.f32 [tilespmem:s19], [sflag:$0x3], $0x80, s26, s16, $0xb8;
	[tilespmem:$0x1E480] =	vst v63  }
0x47: {  	_ =	swait.ge [sflag:s14], $0x4000  }
0x48: {  	[sflag:s14] =	ssyncset.done $0x0  }
0x49: {  	[sflag:s14] =	ssyncadd.s32 $0xFFFFC000  }
0x4a: {  	_ =	swait.ge [sflag:s18], $0x4000  }
0x4b: {  	[sflag:s18] =	ssyncset.done $0x0  }
0x4c: {  	[sflag:s18] =	ssyncadd.s32 $0xFFFFC000  }
0x4d: {  	[tilespmem:s19], [sflag:$0x2] =	stream.indirect.gather [hbm4b:s4+s16], $0x80, s21, s16, $0xb8;
	[tilespmem:$0x1E480] =	vst v63  }
0x4e: {  	_ = 	snop  }
0x4f: {  	[spmem:s1] =	stream.indirect.scatter.add.f32 [tilespmem:s17], [sflag:$0x3], $0x80, s22, s16, $0xb8;
	[tilespmem:$0x1E480] =	vst v63  }
0x50: {  	_ =	swait.ge [sflag:s14], $0x4000  }
0x51: {  	[sflag:s14] =	ssyncset.done $0x0  }
0x52: {  	[sflag:s14] =	ssyncadd.s32 $0xFFFFC000  }
0x53: {  	_ =	swait.ge [sflag:s20], $0x4000  }
0x54: {  	[sflag:s20] =	ssyncset.done $0x0  }
0x55: {  	[sflag:s20] =	ssyncadd.s32 $0xFFFFC000  }
0x56: {  	[spmem:s1] =	stream.indirect.scatter.add.f32 [tilespmem:s19], [sflag:$0x3], $0x80, s23, s16, $0xb8;
	[tilespmem:$0x1E480] =	vst v63  }
0x57: {  	_ =	swait.ge [sflag:s14], $0x4000  }
0x58: {  	[sflag:s14] =	ssyncset.done $0x0  }
0x59: {  	s25 =	simm.s32 $0x0;
	[sflag:s14] =	ssyncadd.s32 $0xFFFFC000  }
0x5a: {  	[tilespmem:s25], [sflag:$0x3] =	stream.linear.gather [hbm4b:s8+s25], $0x1400, $0x38;
	[tilespmem:$0x1E480] =	vst v63  }
0x5b: {  	_ =	swait.ge [sflag:s14], $0x1400  }
0x5c: {  	[sflag:s14] =	ssyncset.done $0x0  }
0x5d: {  	[sflag:s14] =	ssyncadd.s32 $0xFFFFEC00  }
0x5e: {  	[tilespmem:s15], [sflag:$0x3] =	stream.linear.gather [hbm4b:s9+s25], $0x1400, $0x38;
	[tilespmem:$0x1E480] =	vst v63  }
0x5f: {  	_ =	swait.ge [sflag:s14], $0x1400  }
0x60: {  	[sflag:s14] =	ssyncset.done $0x0  }
0x61: {  	[sflag:s14] =	ssyncadd.s32 $0xFFFFEC00  }
0x62: {  	[tilespmem:s17], [sflag:$0x1] =	stream.indirect.gather [hbm4b:s4+s16], $0x80, s25, s16, $0xb8;
	[tilespmem:$0x1E480] =	vst v63  }
0x63: {  	_ =	swait.ge [sflag:s18], $0x4000  }
0x64: {  	[sflag:s18] =	ssyncset.done $0x0  }
0x65: {  	s28 =	simm.s32 $0x80;
	[sflag:s18] =	ssyncadd.s32 $0xFFFFC000  }
0x66: {  	[tilespmem:s19], [sflag:$0x2] =	stream.indirect.gather [hbm4b:s4+s16], $0x80, s28, s16, $0xb8;
	[tilespmem:$0x1E480] =	vst v63  }
0x67: {  	s29 =	simm.s32 $0x1400  }
0x68: {  	[spmem:s1] =	stream.indirect.scatter.add.f32 [tilespmem:s17], [sflag:$0x3], $0x80, s29, s16, $0xb8;
	[tilespmem:$0x1E480] =	vst v63  }
0x69: {  	_ =	swait.ge [sflag:s14], $0x4000  }
0x6a: {  	[sflag:s14] =	ssyncset.done $0x0  }
0x6b: {  	[sflag:s14] =	ssyncadd.s32 $0xFFFFC000  }
0x6c: {  	_ =	swait.ge [sflag:s20], $0x4000  }
0x6d: {  	[sflag:s20] =	ssyncset.done $0x0  }
0x6e: {  	s30 =	simm.s32 $0x100;
	[sflag:s20] =	ssyncadd.s32 $0xFFFFC000  }
0x6f: {  	[tilespmem:s17], [sflag:$0x1] =	stream.indirect.gather [hbm4b:s4+s16], $0x80, s30, s16, $0xb8;
	[tilespmem:$0x1E480] =	vst v63  }
0x70: {  	s31 =	simm.s32 $0x1480  }
0x71: {  	[spmem:s1] =	stream.indirect.scatter.add.f32 [tilespmem:s19], [sflag:$0x3], $0x80, s31, s16, $0xb8;
	[tilespmem:$0x1E480] =	vst v63  }
0x72: {  	_ =	swait.ge [sflag:s14], $0x4000  }
0x73: {  	s25 =	simm.s32 $0x400;
	[sflag:s14] =	ssyncset.done $0x0  }
.LBB2_4:
0x74: {  	p1 =	sne.s32 s25, $0x4800  }
0x75: {  	[sflag:s14] =	ssyncadd.s32 $0xFFFFC000;
	s26 =	smov.u32 s25;
	s25 =	sadd.s32 $0x400, s25  }
0x76: {  	_ = 	snop  }
0x77: {  	_ =	swait.ge [sflag:s18], $0x4000  }
0x78: {  	s26 =	sshra.s32 s26, $0x2;
	[sflag:s18] =	ssyncset.done $0x0  }
0x79: {  	s28 =	sadd.s32 $0x80, s26;
	[sflag:s18] =	ssyncadd.s32 $0xFFFFC000  }
0x7a: {  	[tilespmem:s19], [sflag:$0x2] =	stream.indirect.gather [hbm4b:s4+s16], $0x80, s28, s16, $0xb8;
	[tilespmem:$0x1E480] =	vst v63  }
0x7b: {  	s28 =	sadd.s32 $0x1400, s26  }
0x7c: {  	[spmem:s1] =	stream.indirect.scatter.add.f32 [tilespmem:s17], [sflag:$0x3], $0x80, s28, s16, $0xb8;
	[tilespmem:$0x1E480] =	vst v63  }
0x7d: {  	_ =	swait.ge [sflag:s14], $0x4000  }
0x7e: {  	[sflag:s14] =	ssyncset.done $0x0  }
0x7f: {  	[sflag:s14] =	ssyncadd.s32 $0xFFFFC000  }
0x80: {  	_ =	swait.ge [sflag:s20], $0x4000  }
0x81: {  	[sflag:s20] =	ssyncset.done $0x0  }
0x82: {  	s28 =	sadd.s32 $0x100, s26;
	[sflag:s20] =	ssyncadd.s32 $0xFFFFC000  }
0x83: {  	[tilespmem:s17], [sflag:$0x1] =	stream.indirect.gather [hbm4b:s4+s16], $0x80, s28, s16, $0xb8;
	[tilespmem:$0x1E480] =	vst v63  }
.Ltmp1:
0x84: {  	_ = 	snop;
	(pc) =	sbr.rel @p1 .LBB2_4-.Ltmp1, $4  }
0x85: {  	s26 =	sadd.s32 $0x1480, s26  }
0x86: {  	[spmem:s1] =	stream.indirect.scatter.add.f32 [tilespmem:s19], [sflag:$0x3], $0x80, s26, s16, $0xb8;
	[tilespmem:$0x1E480] =	vst v63  }
0x87: {  	_ =	swait.ge [sflag:s14], $0x4000  }
0x88: {  	[sflag:s14] =	ssyncset.done $0x0  }
0x89: {  	[sflag:s14] =	ssyncadd.s32 $0xFFFFC000  }
0x8a: {  	_ =	swait.ge [sflag:s18], $0x4000  }
0x8b: {  	[sflag:s18] =	ssyncset.done $0x0  }
0x8c: {  	[sflag:s18] =	ssyncadd.s32 $0xFFFFC000  }
0x8d: {  	[tilespmem:s19], [sflag:$0x2] =	stream.indirect.gather [hbm4b:s4+s16], $0x80, s21, s16, $0xb8;
	[tilespmem:$0x1E480] =	vst v63  }
0x8e: {  	_ = 	snop  }
0x8f: {  	[spmem:s1] =	stream.indirect.scatter.add.f32 [tilespmem:s17], [sflag:$0x3], $0x80, s22, s16, $0xb8;
	[tilespmem:$0x1E480] =	vst v63  }
0x90: {  	_ =	swait.ge [sflag:s14], $0x4000  }
0x91: {  	[sflag:s14] =	ssyncset.done $0x0  }
0x92: {  	[sflag:s14] =	ssyncadd.s32 $0xFFFFC000  }
0x93: {  	_ =	swait.ge [sflag:s20], $0x4000  }
0x94: {  	[sflag:s20] =	ssyncset.done $0x0  }
0x95: {  	[sflag:s20] =	ssyncadd.s32 $0xFFFFC000  }
0x96: {  	[spmem:s1] =	stream.indirect.scatter.add.f32 [tilespmem:s19], [sflag:$0x3], $0x80, s23, s16, $0xb8;
	[tilespmem:$0x1E480] =	vst v63  }
0x97: {  	_ =	swait.ge [sflag:s14], $0x4000  }
0x98: {  	s24 =	sadd.s32 $0x1, s24;
	[sflag:s14] =	ssyncset.done $0x0  }
0x99: {  	p1 =	sne.s32 s24, s11;
	[sflag:s14] =	ssyncadd.s32 $0xFFFFC000  }
.Ltmp2:
0x9a: {  	s25 =	simm.s32 @!p0 $0x3;
	[bflag:$0x0] =	sbarrier.arrive $0xFFFF;
	(pc) =	sbr.rel @p1 .LBB2_1-.Ltmp2, $4  }
0x9b: {  	[hbm:s10], [sflag:s12] =	dma.local @!p0 [spmem:s13], $0x3E80  }
0x9c: {  	_ =	swait.ge @!p0 [sflag:s25], $0x3E80  }
0x9d: {  	[sflag:s25] =	ssyncset.done @!p0 $0x0  }
0x9e: {  	[sflag:s25] =	ssyncadd.s32 @!p0 $0xFFFFC180  }
0x9f: {  	_ =	sfence.sel $0x180000  }
0xa0: {  	[bflag:$0x0] =	sbarrier.arrive $0xFFFF  }
0xa1: {  	p0 =	sne.s32 s2, $0x0;
	_ =	strace $0x90000047  }
0xa2: {  	s0 =	sadd.s32 @!p0 $0x100000, s0;
	[bflag:$0x2] =	sbarrier.arrive $0xFFFF  }
0xa3: {  	[sflag:s0] =	ssyncadd.tile.s32 @!p0 $0x1;
	_ =	shalt  }
.Lfunc_end2:
_tile_overlayer_lowered:
.L_overlay_start_2:
0xa4: {  	(tag) =	ssettag $0x2  }
0xa5: {  	s0 =	rddreg [dreg:$0x0];
	s2 =	stileid.u32  }
0xa6: {  	s1 =	rddreg [dreg:$0x1];
	p0 =	sne.s32 s2, $0x0  }
0xa7: {  	s3 =	rddreg [dreg:$0x2];
	[bflag:$0x3] =	sbarrier.arrive $0xFFFF;
	s2 =	simm.s32 @!p0 $0x1C03  }
0xa8: {  	[timem:s3], [sflag:s2] =	dma.local @!p0 [hbm:s0], s1  }
0xa9: {  	s0 =	simm.s32 @!p0 $0x3  }
0xaa: {  	_ =	swait.ge @!p0 [sflag:s0], s1  }
0xab: {  	s1 =	ssub.s32 @!p0 $0x0, s1;
	[sflag:s0] =	ssyncset.done @!p0 $0x0  }
0xac: {  	[sflag:s0] =	ssyncadd.s32 @!p0 s1  }
0xad: {  	[bflag:$0x3] =	sbarrier.arrive $0xFFFF  }
0xae: {  	_ =	shalt  }

// kernel: kernel.16.cloned.1.call-start
scs
__scs_entry_jumppad:
0x0: {  	(pc) =	sbr.rel $0x88, $3  }
0x1: {  	(tag) =	ssettag $0x0;
	lr =	simm.s32 $0x1  }
0x2: {  	[smem:$0x3F92] =	sst lr;
	_ =	strace $0xD0000000  }
0x3: {  	_ = 	snop  }
0x4: {  	_ = 	snop  }
0x5: {  	_ = 	snop  }
0x6: {  	_ = 	snop  }
0x7: {  	_ = 	snop  }
__scs_overlays_trampoline_lowered:
0x8: {  	[smem:$0x3FA1] =	sst s0  }
0x9: {  	[smem:$0x3FA2] =	sst s1  }
0xa: {  	[smem:$0x3FA3] =	sst s2  }
0xb: {  	[smem:$0x3FA4] =	sst s3  }
0xc: {  	[smem:$0x3FA5] =	sst s4  }
0xd: {  	[smem:$0x3FA6] =	sst s5  }
0xe: {  	[smem:$0x3FA7] =	sst s6  }
0xf: {  	[smem:$0x3FA8] =	sst s7  }
0x10: {  	[smem:$0x3FA9] =	sst s8  }
0x11: {  	[smem:$0x3FAA] =	sst s9;
	s0 =	simm.s32 @!p0 $0x0  }
0x12: {  	s1 =	sld [smem:$0x3F90];
	s0 =	simm.s32 @p0 $0x1  }
0x13: {  	[smem:$0x3FAB] =	sst s0;
	s0 =	simm.s32 @!p1 $0x0  }
0x14: {  	s2 =	sld [smem:$0x3F8F];
	s0 =	simm.s32 @p1 $0x1  }
0x15: {  	[smem:$0x3FAC] =	sst s0;
	s0 =	simm.s32 @!p2 $0x0  }
0x16: {  	s3 =	sld [smem:$0x3FDB];
	s0 =	simm.s32 @p2 $0x1  }
0x17: {  	s4 =	simm.s32 $0x1BF5;
	[smem:$0x3FAE] =	sst s0  }
0x18: {  	s0 =	sld [smem:$0x3F91];
	_ =	swait.ge [sflag:s4], $0x0  }
0x19: {  	s7 =	sld [smem:$0x3F92]  }
0x1a: {  	s8 =	sadd.s32 $0xFFFFE003, lr  }
0x1b: {  	s9 =	sadd.s32 $0xFFFFFEF7, lr;
	s5 =	simm.s32 $0xFFFFFFFF;
	p2 =	slt.u32 s8, $0xFFFFF086  }
0x1c: {  	p1 =	slt.u32 s9, $0xF7A;
	s5 =	simm.s32 @!p2 $0x0  }
0x1d: {  	s5 =	simm.s32 @p1 $0x1;
	p0 =	seq.s32 s7, s2  }
0x1e: {  	s7 =	smul.u32 @!p0 $0xF7A, s2;
	p2 =	seq.s32 @!p0 s5, $0x0  }
0x1f: {  	s9 =	smul.u32 $0xF7A, s1;
	s8 =	simm.s32 @!p0 $0x1BF5;
	p2 =	por !p2, p0  }
0x20: {  	[sflag:s8] =	ssyncset.s32 @!p0 $0xFFFFF086;
	s6 =	sadd.s32 @!p0 s3, s7;
	s7 =	simm.s32 @!p0 $0x108  }
0x21: {  	s3 =	sadd.s32 s3, s9;
	s6 =	sadd.s32 @!p0 $0x88, s6;
	s7 =	simm.s32 @p2 $0x1082  }
0x22: {  	[simem:s7], [sflag:s8] =	dma.local @!p0 [hbm:s6], $0xF7A  }
0x23: {  	s9 =	sor.u32 $0xD0000000, s2;
	s6 =	simm.s32 $0x108;
	_ =	swait.ge @!p0 [sflag:s8], $0x0  }
0x24: {  	s3 =	sadd.s32 $0x88, s3;
	s6 =	simm.s32 @!p1 $0x1082;
	[sflag:s4] =	ssyncset.s32 $0xFFFFF086  }
0x25: {  	[simem:s6], [sflag:s4] =	dma.local [hbm:s3], $0xF7A  }
0x26: {  	[smem:$0x3F92] =	sst s1;
	(tag) =	ssettag s2;
	_ =	strace s9  }
0x27: {  	s1 =	sld [smem:$0x3FA2]  }
0x28: {  	s2 =	sld [smem:$0x3FA3]  }
0x29: {  	s4 =	sld [smem:$0x3FA5]  }
0x2a: {  	p0 =	seq.s32 s5, $0x0;
	s5 =	sld [smem:$0x3FA6]  }
0x2b: {  	s6 =	sld [smem:$0x3FA7]  }
0x2c: {  	s7 =	sld [smem:$0x3FA8]  }
0x2d: {  	s3 =	simm.s32 $0x108;
	s8 =	sld [smem:$0x3FA9]  }
0x2e: {  	s3 =	simm.s32 @!p0 $0x1082;
	s9 =	sld [smem:$0x3FAA]  }
0x2f: {  	lr =	sadd.s32 s0, s3;
	s0 =	sld [smem:$0x3FA1]  }
0x30: {  	s3 =	sld [smem:$0x3FA4]  }
0x31: {  	[smem:$0x3FAD] =	sst s10  }
0x32: {  	s10 =	sld [smem:$0x3FAB];
	_ =	sdelay $0x3  }
0x33: {  	p0 =	seq.s32 s10, $0x1;
	s10 =	sld [smem:$0x3FAD];
	_ =	sdelay $0x3  }
0x34: {  	[smem:$0x3FAD] =	sst s10  }
0x35: {  	s10 =	sld [smem:$0x3FAC];
	_ =	sdelay $0x3  }
0x36: {  	p1 =	seq.s32 s10, $0x1;
	s10 =	sld [smem:$0x3FAD];
	_ =	sdelay $0x3  }
0x37: {  	[smem:$0x3FAD] =	sst s10  }
0x38: {  	s10 =	sld [smem:$0x3FAE]  }
0x39: {  	_ = 	snop;
	(pc) =	sbr.ind lr, $3  }
0x3a: {  	_ = 	snop  }
0x3b: {  	_ = 	snop  }
0x3c: {  	p2 =	seq.s32 s10, $0x1;
	s10 =	sld [smem:$0x3FAD]  }
0x3d: {  	_ =	shalt  }
0x3e: {  	_ =	shalt  }
0x3f: {  	_ =	shalt  }
0x40: {  	_ =	shalt  }
0x41: {  	_ =	shalt  }
0x42: {  	_ =	shalt  }
0x43: {  	_ =	shalt  }
0x44: {  	_ =	shalt  }
0x45: {  	_ =	shalt  }
0x46: {  	_ =	shalt  }
0x47: {  	_ =	shalt  }
0x48: {  	_ =	shalt  }
0x49: {  	_ =	shalt  }
0x4a: {  	_ =	shalt  }
0x4b: {  	_ =	shalt  }
0x4c: {  	_ =	shalt  }
0x4d: {  	_ =	shalt  }
0x4e: {  	_ =	shalt  }
0x4f: {  	_ =	shalt  }
0x50: {  	_ =	shalt  }
0x51: {  	_ =	shalt  }
0x52: {  	_ =	shalt  }
0x53: {  	_ =	shalt  }
0x54: {  	_ =	shalt  }
0x55: {  	_ =	shalt  }
0x56: {  	_ =	shalt  }
0x57: {  	_ =	shalt  }
0x58: {  	_ =	shalt  }
0x59: {  	_ =	shalt  }
0x5a: {  	_ =	shalt  }
0x5b: {  	_ =	shalt  }
0x5c: {  	_ =	shalt  }
0x5d: {  	_ =	shalt  }
0x5e: {  	_ =	shalt  }
0x5f: {  	_ =	shalt  }
0x60: {  	_ =	shalt  }
0x61: {  	_ =	shalt  }
0x62: {  	_ =	shalt  }
0x63: {  	_ =	shalt  }
0x64: {  	_ =	shalt  }
0x65: {  	_ =	shalt  }
0x66: {  	_ =	shalt  }
0x67: {  	_ =	shalt  }
0x68: {  	_ =	shalt  }
0x69: {  	_ =	shalt  }
0x6a: {  	_ =	shalt  }
0x6b: {  	_ =	shalt  }
0x6c: {  	_ =	shalt  }
0x6d: {  	_ =	shalt  }
0x6e: {  	_ =	shalt  }
0x6f: {  	_ =	shalt  }
0x70: {  	_ =	shalt  }
0x71: {  	_ =	shalt  }
0x72: {  	_ =	shalt  }
0x73: {  	_ =	shalt  }
0x74: {  	_ =	shalt  }
0x75: {  	_ =	shalt  }
0x76: {  	_ =	shalt  }
0x77: {  	_ =	shalt  }
0x78: {  	_ =	shalt  }
0x79: {  	_ =	shalt  }
0x7a: {  	_ =	shalt  }
0x7b: {  	_ =	shalt  }
0x7c: {  	_ =	shalt  }
0x7d: {  	_ =	shalt  }
0x7e: {  	_ =	shalt  }
0x7f: {  	_ =	shalt  }
0x80: {  	_ =	shalt  }
0x81: {  	_ =	shalt  }
0x82: {  	_ =	shalt  }
0x83: {  	_ =	shalt  }
0x84: {  	_ =	shalt  }
0x85: {  	_ =	shalt  }
0x86: {  	_ =	shalt  }
0x87: {  	_ =	shalt  }
.Lfunc_end0:
.L_simem_size_0:
called_computation.1_lowered:
.L_overlay_start_0:
0x88: {  	s2 =	sld [smem:$0x3FD9]  }
0x89: {  	s3 =	sld [smem:$0x3FFE];
	_ =	sdelay $0x1  }
0x8a: {  	s1 =	srdreg.scid  }
0x8b: {  	s0 =	sand.u32 $0x1, s1  }
0x8c: {  	s17 =	sshll.u32 s0, $0xA;
	s2 =	sadd.s32 s3, s2  }
0x8d: {  	s2 =	sadd.s32 s2, s17  }
0x8e: {  	[smem:$0x3FB9] =	sst s2  }
0x8f: {  	_ = 	snop  }
0x90: {  	s2 =	sld [smem:$0x3FD0];
	(tm) =	ssettm $0x1  }
0x91: {  	s18 =	sld [smem:$0x3FFB];
	_ =	sdelay $0x3  }
0x92: {  	_ =	strace s18  }
0x93: {  	s3 =	sld [smem:$0x3FFC];
	_ =	sdelay $0x3  }
0x94: {  	_ =	strace s3  }
0x95: {  	s3 =	sld [smem:$0x3FFD];
	_ =	sdelay $0x3  }
0x96: {  	_ =	strace s3  }
0x97: {  	_ =	strace $0x8FFFFFFF  }
0x98: {  	s19 =	sld [smem:$0x3FDB];
	_ =	sdelay $0x1  }
0x99: {  	s4 =	simm.s32 $_scs_section_size  }
0x9a: {  	s5 =	simm.s32 $_size__tile_overlayer_lowered;
	s6 =	simm.s32 $_tile_overlayer_lowered  }
0x9b: {  	s22 =	simm.s32 $0x1BFF;
	s21 =	sshll.u32 s6, $0x1;
	s3 =	sadd.s32 s4, s19  }
0x9c: {  	s7 =	simm.s32 $0x0;
	s20 =	sshll.u32 s5, $0x1;
	s5 =	sadd.s32 s21, s3  }
0x9d: {  	[timem:s7], [sflag:s22] =	dma.local [hbm:s5], s20  }
0x9e: {  	_ =	swait.ge [sflag:s22], s20  }
0x9f: {  	s4 =	ssub.s32 $0x0, s20;
	[sflag:s22] =	ssyncset.done $0x0  }
0xa0: {  	[sflag:s22] =	ssyncadd.s32 s4;
	_ =	sdelay $0x1  }
0xa1: {  	s23 =	simm.s32 $0x1B8B  }
0xa2: {  	_ =	swait.ge [sflag:s23], $0x1  }
0xa3: {  	[sflag:s23] =	ssyncset.done $0x0  }
0xa4: {  	s25 =	simm.s32 $0x1B8E;
	s24 =	sld [smem:$0x3FFE];
	[sflag:s23] =	ssyncadd.s32 $0xFFFFFFFF  }
0xa5: {  	s26 =	simm.s32 $execute0_lowered;
	[smem:$0x3FD2] =	sst s25  }
0xa6: {  	s5 =	sshll.u32 s26, $0x1;
	_ =	strace $0x80000049;
	[dreg:$0x1] =	wrdreg $0xFFFFFFFF  }
0xa7: {  	s28 =	simm.s32 $_size_execute0_lowered;
	s3 =	sadd.s32 s3, s5;
	[dreg:$0x0] =	wrdreg $0x0  }
0xa8: {  	s5 =	sshll.u32 s28, $0x1;
	[dreg:$0x2] =	wrdreg s3  }
0xa9: {  	[dreg:$0x3] =	wrdreg s5  }
0xaa: {  	[dreg:$0x4] =	wrdreg $0xC0  }
0xab: {  	_ =	task [dreg:s7], $0x5FFFF  }
0xac: {  	[dreg:$0x1] =	wrdreg $0xFFFFFFFF  }
0xad: {  	[dreg:$0x0] =	wrdreg $0x60  }
0xae: {  	[dreg:$0x2] =	wrdreg s24  }
0xaf: {  	[dreg:$0x3] =	wrdreg s2  }
0xb0: {  	[dreg:$0x4] =	wrdreg $0xA8000  }
0xb1: {  	[dreg:$0x5] =	wrdreg $0x9  }
0xb2: {  	_ =	task.clear_ibuf [dreg:s7], $0x6FFFF;
	_ =	strace $0x90000049  }
0xb3: {  	s29 =	simm.s32 $0x9;
	_ =	strace $0x8000004B  }
0xb4: {  	_ =	swait.ge [sflag:s29], $0x1  }
0xb5: {  	[sflag:s29] =	ssyncadd.s32 $0xFFFFFFFF  }
0xb6: {  	_ =	strace $0x9000004B  }
0xb7: {  	_ =	sfence  }
0xb8: {  	s30 =	sld [smem:$0x0];
	_ =	sdelay $0x2  }
0xb9: {  	s31 =	sshll.u32 s1, $0xD;
	s1 =	sshrl.u32 s1, $0x2  }
0xba: {  	s3 =	sand.u32 $0x4000, s31;
	s1 =	sadd.s32 s1, s30  }
0xbb: {  	s0 =	sor.u32 s3, s0;
	s1 =	sshll.u32 s1, $0x11  }
0xbc: {  	s0 =	sor.u32 s1, s0  }
0xbd: {  	s0 =	sadd.s32 $0x8F2B, s0  }
0xbe: {  	[sflag:s0] =	ssyncadd.remote.s32 $0x1  }
0xbf: {  	_ =	sfence.sel $0xFFFF  }
0xc0: {  	[dreg:$0x0] =	wrdreg $0xFFFFFFFF;
	(pc) =	sbr.abs _section_cstart, $3  }
0xc1: {  	[dreg:$0x1] =	wrdreg $0xFFFFFFFF  }
0xc2: {  	_ =	task.clear_ibuf [dreg:s7], $0x2FFFF;
	_ =	strace $0x9FFFFFFF  }
0xc3: {  	(tm) =	ssettm $0x7FFFFFFF  }
tec
execute0_lowered:
.L_overlay_start_1:
0x0: {  	(tag) =	ssettag $0x1  }
0x1: {  	s6 =	rddreg [dreg:$0x0]  }
0x2: {  	s8 =	rddreg [dreg:$0x1]  }
0x3: {  	s1 =	rddreg [dreg:$0x2]  }
0x4: {  	s2 =	srdreg.scid;
	s0 =	rddreg [dreg:$0x3]  }
0x5: {  	s3 =	simm.s32 $0x0;
	s16 =	simm.s32 $0x80;
	s17 =	simm.s32 $0x2800  }
0x6: {  	s18 =	simm.s32 $0x1;
	s19 =	simm.s32 $0x6800;
	s20 =	simm.s32 $0x2  }
0x7: {  	s21 =	simm.s32 $0x1380;
	s22 =	simm.s32 $0x2700;
	s23 =	simm.s32 $0x2780  }
0x8: {  	s24 =	simm.s32 $0x0;
	s7 =	sand.u32 $0x1, s2;
	s2 =	stileid.u32  }
0x9: {  	[smem:$0x7FF] =	sst s3;
	s4 =	sadd.s32 $0xDE00, s6;
	s5 =	smul.u32 $0x138800, s7  }
0xa: {  	s11 =	sadd.s32 $0x3E00, s6;
	s9 =	smul.u32 $0x1F400, s2;
	_ =	strace $0x8000004A  }
0xb: {  	s10 =	sshll.u32 s7, $0x4;
	s30 =	smul.u32 $0x7D000, s2;
	s31 =	ssub.s32 $0x2, s7  }
0xc: {  	p0 =	sgt.u32 s2, $0x9;
	s29 =	sor.u32 s2, s10;
	s7 =	sshrl.u32 s31, $0x1  }
0xd: {  	s15 =	sshll.u32 @!p0 s2, $0x6;
	s5 =	sadd.s32 s9, s5;
	s9 =	smul.u32 $0x2800, s29  }
0xe: {  	s10 =	sshrl.u32 s30, $0x2;
	s13 =	ssub.s32 s31, s7;
	s12 =	sshrl.u32 s5, $0x3  }
0xf: {  	s5 =	sadd.s32 $0xD1400, s6;
	s14 =	sadd.s32 s10, s1;
	s9 =	sshrl.u32 s9, $0x3  }
0x10: {  	s12 =	sadd.s32 s12, s6;
	s6 =	sadd.s32 s8, s9;
	s7 =	sadd.s32 s11, s9  }
0x11: {  	s9 =	sadd.s32 $0x280, s9;
	s10 =	sadd.s32 $0xD5400, s12;
	s12 =	sor.u32 @!p0 $0x1C03, s15  }
0x12: {  	s15 =	simm.s32 $0x1400;
	s8 =	sadd.s32 s8, s9;
	s9 =	sadd.s32 s11, s9  }
0x13: {  	s11 =	smax.u32 s13, $0x1;
	s13 =	sshrl.u32 @!p0 s14, $0x3;
	s14 =	simm.s32 $0x3  }
.LBB2_1:
0x14: {  	[spmem:s13], [sflag:s12] =	dma.local @!p0 [hbm:s5], $0x3E80  }
0x15: {  	s25 =	simm.s32 @!p0 $0x3  }
0x16: {  	_ =	swait.ge @!p0 [sflag:s25], $0x3E80  }
0x17: {  	[sflag:s25] =	ssyncset.done @!p0 $0x0  }
0x18: {  	[sflag:s25] =	ssyncadd.s32 @!p0 $0xFFFFC180  }
0x19: {  	[bflag:$0x0] =	sbarrier.arrive $0xFFFF  }
0x1a: {  	[tilespmem:s3], [sflag:$0x3] =	stream.linear.gather [hbm4b:s6+s3], $0x1400, $0x38;
	[tilespmem:$0x1E480] =	vst v63  }
0x1b: {  	_ =	swait.ge [sflag:s14], $0x1400  }
0x1c: {  	[sflag:s14] =	ssyncset.done $0x0  }
0x1d: {  	[sflag:s14] =	ssyncadd.s32 $0xFFFFEC00  }
0x1e: {  	[tilespmem:s15], [sflag:$0x3] =	stream.linear.gather [hbm4b:s7+s3], $0x1400, $0x38;
	[tilespmem:$0x1E480] =	vst v63  }
0x1f: {  	_ =	swait.ge [sflag:s14], $0x1400  }
0x20: {  	[sflag:s14] =	ssyncset.done $0x0  }
0x21: {  	[sflag:s14] =	ssyncadd.s32 $0xFFFFEC00  }
0x22: {  	[tilespmem:s17], [sflag:$0x1] =	stream.indirect.gather [hbm4b:s4+s16], $0x80, s3, s16, $0xb8;
	[tilespmem:$0x1E480] =	vst v63  }
0x23: {  	_ =	swait.ge [sflag:s18], $0x4000  }
0x24: {  	[sflag:s18] =	ssyncset.done $0x0  }
0x25: {  	s28 =	simm.s32 $0x80;
	[sflag:s18] =	ssyncadd.s32 $0xFFFFC000  }
0x26: {  	[tilespmem:s19], [sflag:$0x2] =	stream.indirect.gather [hbm4b:s4+s16], $0x80, s28, s16, $0xb8;
	[tilespmem:$0x1E480] =	vst v63  }
0x27: {  	s29 =	simm.s32 $0x1400  }
0x28: {  	[spmem:s1] =	stream.indirect.scatter.add.f32 [tilespmem:s17], [sflag:$0x3], $0x80, s29, s16, $0xb8;
	[tilespmem:$0x1E480] =	vst v63  }
0x29: {  	_ =	swait.ge [sflag:s14], $0x4000  }
0x2a: {  	[sflag:s14] =	ssyncset.done $0x0  }
0x2b: {  	[sflag:s14] =	ssyncadd.s32 $0xFFFFC000  }
0x2c: {  	_ =	swait.ge [sflag:s20], $0x4000  }
0x2d: {  	[sflag:s20] =	ssyncset.done $0x0  }
0x2e: {  	s30 =	simm.s32 $0x100;
	[sflag:s20] =	ssyncadd.s32 $0xFFFFC000  }
0x2f: {  	[tilespmem:s17], [sflag:$0x1] =	stream.indirect.gather [hbm4b:s4+s16], $0x80, s30, s16, $0xb8;
	[tilespmem:$0x1E480] =	vst v63  }
0x30: {  	s31 =	simm.s32 $0x1480  }
0x31: {  	[spmem:s1] =	stream.indirect.scatter.add.f32 [tilespmem:s19], [sflag:$0x3], $0x80, s31, s16, $0xb8;
	[tilespmem:$0x1E480] =	vst v63  }
0x32: {  	_ =	swait.ge [sflag:s14], $0x4000  }
0x33: {  	s25 =	simm.s32 $0x400;
	[sflag:s14] =	ssyncset.done $0x0  }
.LBB2_2:
0x34: {  	p1 =	sne.s32 s25, $0x4800  }
0x35: {  	[sflag:s14] =	ssyncadd.s32 $0xFFFFC000;
	s26 =	smov.u32 s25;
	s25 =	sadd.s32 $0x400, s25  }
0x36: {  	_ = 	snop  }
0x37: {  	_ =	swait.ge [sflag:s18], $0x4000  }
0x38: {  	s26 =	sshra.s32 s26, $0x2;
	[sflag:s18] =	ssyncset.done $0x0  }
0x39: {  	s28 =	sadd.s32 $0x80, s26;
	[sflag:s18] =	ssyncadd.s32 $0xFFFFC000  }
0x3a: {  	[tilespmem:s19], [sflag:$0x2] =	stream.indirect.gather [hbm4b:s4+s16], $0x80, s28, s16, $0xb8;
	[tilespmem:$0x1E480] =	vst v63  }
0x3b: {  	s28 =	sadd.s32 $0x1400, s26  }
0x3c: {  	[spmem:s1] =	stream.indirect.scatter.add.f32 [tilespmem:s17], [sflag:$0x3], $0x80, s28, s16, $0xb8;
	[tilespmem:$0x1E480] =	vst v63  }
0x3d: {  	_ =	swait.ge [sflag:s14], $0x4000  }
0x3e: {  	[sflag:s14] =	ssyncset.done $0x0  }
0x3f: {  	[sflag:s14] =	ssyncadd.s32 $0xFFFFC000  }
0x40: {  	_ =	swait.ge [sflag:s20], $0x4000  }
0x41: {  	[sflag:s20] =	ssyncset.done $0x0  }
0x42: {  	s28 =	sadd.s32 $0x100, s26;
	[sflag:s20] =	ssyncadd.s32 $0xFFFFC000  }
0x43: {  	[tilespmem:s17], [sflag:$0x1] =	stream.indirect.gather [hbm4b:s4+s16], $0x80, s28, s16, $0xb8;
	[tilespmem:$0x1E480] =	vst v63  }
.Ltmp0:
0x44: {  	_ = 	snop;
	(pc) =	sbr.rel @p1 .LBB2_2-.Ltmp0, $4  }
0x45: {  	s26 =	sadd.s32 $0x1480, s26  }
0x46: {  	[spmem:s1] =	stream.indirect.scatter.add.f32 [tilespmem:s19], [sflag:$0x3], $0x80, s26, s16, $0xb8;
	[tilespmem:$0x1E480] =	vst v63  }
0x47: {  	_ =	swait.ge [sflag:s14], $0x4000  }
0x48: {  	[sflag:s14] =	ssyncset.done $0x0  }
0x49: {  	[sflag:s14] =	ssyncadd.s32 $0xFFFFC000  }
0x4a: {  	_ =	swait.ge [sflag:s18], $0x4000  }
0x4b: {  	[sflag:s18] =	ssyncset.done $0x0  }
0x4c: {  	[sflag:s18] =	ssyncadd.s32 $0xFFFFC000  }
0x4d: {  	[tilespmem:s19], [sflag:$0x2] =	stream.indirect.gather [hbm4b:s4+s16], $0x80, s21, s16, $0xb8;
	[tilespmem:$0x1E480] =	vst v63  }
0x4e: {  	_ = 	snop  }
0x4f: {  	[spmem:s1] =	stream.indirect.scatter.add.f32 [tilespmem:s17], [sflag:$0x3], $0x80, s22, s16, $0xb8;
	[tilespmem:$0x1E480] =	vst v63  }
0x50: {  	_ =	swait.ge [sflag:s14], $0x4000  }
0x51: {  	[sflag:s14] =	ssyncset.done $0x0  }
0x52: {  	[sflag:s14] =	ssyncadd.s32 $0xFFFFC000  }
0x53: {  	_ =	swait.ge [sflag:s20], $0x4000  }
0x54: {  	[sflag:s20] =	ssyncset.done $0x0  }
0x55: {  	[sflag:s20] =	ssyncadd.s32 $0xFFFFC000  }
0x56: {  	[spmem:s1] =	stream.indirect.scatter.add.f32 [tilespmem:s19], [sflag:$0x3], $0x80, s23, s16, $0xb8;
	[tilespmem:$0x1E480] =	vst v63  }
0x57: {  	_ =	swait.ge [sflag:s14], $0x4000  }
0x58: {  	[sflag:s14] =	ssyncset.done $0x0  }
0x59: {  	s25 =	simm.s32 $0x0;
	[sflag:s14] =	ssyncadd.s32 $0xFFFFC000  }
0x5a: {  	[tilespmem:s25], [sflag:$0x3] =	stream.linear.gather [hbm4b:s8+s25], $0x1400, $0x38;
	[tilespmem:$0x1E480] =	vst v63  }
0x5b: {  	_ =	swait.ge [sflag:s14], $0x1400  }
0x5c: {  	[sflag:s14] =	ssyncset.done $0x0  }
0x5d: {  	[sflag:s14] =	ssyncadd.s32 $0xFFFFEC00  }
0x5e: {  	[tilespmem:s15], [sflag:$0x3] =	stream.linear.gather [hbm4b:s9+s25], $0x1400, $0x38;
	[tilespmem:$0x1E480] =	vst v63  }
0x5f: {  	_ =	swait.ge [sflag:s14], $0x1400  }
0x60: {  	[sflag:s14] =	ssyncset.done $0x0  }
0x61: {  	[sflag:s14] =	ssyncadd.s32 $0xFFFFEC00  }
0x62: {  	[tilespmem:s17], [sflag:$0x1] =	stream.indirect.gather [hbm4b:s4+s16], $0x80, s25, s16, $0xb8;
	[tilespmem:$0x1E480] =	vst v63  }
0x63: {  	_ =	swait.ge [sflag:s18], $0x4000  }
0x64: {  	[sflag:s18] =	ssyncset.done $0x0  }
0x65: {  	s28 =	simm.s32 $0x80;
	[sflag:s18] =	ssyncadd.s32 $0xFFFFC000  }
0x66: {  	[tilespmem:s19], [sflag:$0x2] =	stream.indirect.gather [hbm4b:s4+s16], $0x80, s28, s16, $0xb8;
	[tilespmem:$0x1E480] =	vst v63  }
0x67: {  	s29 =	simm.s32 $0x1400  }
0x68: {  	[spmem:s1] =	stream.indirect.scatter.add.f32 [tilespmem:s17], [sflag:$0x3], $0x80, s29, s16, $0xb8;
	[tilespmem:$0x1E480] =	vst v63  }
0x69: {  	_ =	swait.ge [sflag:s14], $0x4000  }
0x6a: {  	[sflag:s14] =	ssyncset.done $0x0  }
0x6b: {  	[sflag:s14] =	ssyncadd.s32 $0xFFFFC000  }
0x6c: {  	_ =	swait.ge [sflag:s20], $0x4000  }
0x6d: {  	[sflag:s20] =	ssyncset.done $0x0  }
0x6e: {  	s30 =	simm.s32 $0x100;
	[sflag:s20] =	ssyncadd.s32 $0xFFFFC000  }
0x6f: {  	[tilespmem:s17], [sflag:$0x1] =	stream.indirect.gather [hbm4b:s4+s16], $0x80, s30, s16, $0xb8;
	[tilespmem:$0x1E480] =	vst v63  }
0x70: {  	s31 =	simm.s32 $0x1480  }
0x71: {  	[spmem:s1] =	stream.indirect.scatter.add.f32 [tilespmem:s19], [sflag:$0x3], $0x80, s31, s16, $0xb8;
	[tilespmem:$0x1E480] =	vst v63  }
0x72: {  	_ =	swait.ge [sflag:s14], $0x4000  }
0x73: {  	s25 =	simm.s32 $0x400;
	[sflag:s14] =	ssyncset.done $0x0  }
.LBB2_4:
0x74: {  	p1 =	sne.s32 s25, $0x4800  }
0x75: {  	[sflag:s14] =	ssyncadd.s32 $0xFFFFC000;
	s26 =	smov.u32 s25;
	s25 =	sadd.s32 $0x400, s25  }
0x76: {  	_ = 	snop  }
0x77: {  	_ =	swait.ge [sflag:s18], $0x4000  }
0x78: {  	s26 =	sshra.s32 s26, $0x2;
	[sflag:s18] =	ssyncset.done $0x0  }
0x79: {  	s28 =	sadd.s32 $0x80, s26;
	[sflag:s18] =	ssyncadd.s32 $0xFFFFC000  }
0x7a: {  	[tilespmem:s19], [sflag:$0x2] =	stream.indirect.gather [hbm4b:s4+s16], $0x80, s28, s16, $0xb8;
	[tilespmem:$0x1E480] =	vst v63  }
0x7b: {  	s28 =	sadd.s32 $0x1400, s26  }
0x7c: {  	[spmem:s1] =	stream.indirect.scatter.add.f32 [tilespmem:s17], [sflag:$0x3], $0x80, s28, s16, $0xb8;
	[tilespmem:$0x1E480] =	vst v63  }
0x7d: {  	_ =	swait.ge [sflag:s14], $0x4000  }
0x7e: {  	[sflag:s14] =	ssyncset.done $0x0  }
0x7f: {  	[sflag:s14] =	ssyncadd.s32 $0xFFFFC000  }
0x80: {  	_ =	swait.ge [sflag:s20], $0x4000  }
0x81: {  	[sflag:s20] =	ssyncset.done $0x0  }
0x82: {  	s28 =	sadd.s32 $0x100, s26;
	[sflag:s20] =	ssyncadd.s32 $0xFFFFC000  }
0x83: {  	[tilespmem:s17], [sflag:$0x1] =	stream.indirect.gather [hbm4b:s4+s16], $0x80, s28, s16, $0xb8;
	[tilespmem:$0x1E480] =	vst v63  }
.Ltmp1:
0x84: {  	_ = 	snop;
	(pc) =	sbr.rel @p1 .LBB2_4-.Ltmp1, $4  }
0x85: {  	s26 =	sadd.s32 $0x1480, s26  }
0x86: {  	[spmem:s1] =	stream.indirect.scatter.add.f32 [tilespmem:s19], [sflag:$0x3], $0x80, s26, s16, $0xb8;
	[tilespmem:$0x1E480] =	vst v63  }
0x87: {  	_ =	swait.ge [sflag:s14], $0x4000  }
0x88: {  	[sflag:s14] =	ssyncset.done $0x0  }
0x89: {  	[sflag:s14] =	ssyncadd.s32 $0xFFFFC000  }
0x8a: {  	_ =	swait.ge [sflag:s18], $0x4000  }
0x8b: {  	[sflag:s18] =	ssyncset.done $0x0  }
0x8c: {  	[sflag:s18] =	ssyncadd.s32 $0xFFFFC000  }
0x8d: {  	[tilespmem:s19], [sflag:$0x2] =	stream.indirect.gather [hbm4b:s4+s16], $0x80, s21, s16, $0xb8;
	[tilespmem:$0x1E480] =	vst v63  }
0x8e: {  	_ = 	snop  }
0x8f: {  	[spmem:s1] =	stream.indirect.scatter.add.f32 [tilespmem:s17], [sflag:$0x3], $0x80, s22, s16, $0xb8;
	[tilespmem:$0x1E480] =	vst v63  }
0x90: {  	_ =	swait.ge [sflag:s14], $0x4000  }
0x91: {  	[sflag:s14] =	ssyncset.done $0x0  }
0x92: {  	[sflag:s14] =	ssyncadd.s32 $0xFFFFC000  }
0x93: {  	_ =	swait.ge [sflag:s20], $0x4000  }
0x94: {  	[sflag:s20] =	ssyncset.done $0x0  }
0x95: {  	[sflag:s20] =	ssyncadd.s32 $0xFFFFC000  }
0x96: {  	[spmem:s1] =	stream.indirect.scatter.add.f32 [tilespmem:s19], [sflag:$0x3], $0x80, s23, s16, $0xb8;
	[tilespmem:$0x1E480] =	vst v63  }
0x97: {  	_ =	swait.ge [sflag:s14], $0x4000  }
0x98: {  	s24 =	sadd.s32 $0x1, s24;
	[sflag:s14] =	ssyncset.done $0x0  }
0x99: {  	p1 =	sne.s32 s24, s11;
	[sflag:s14] =	ssyncadd.s32 $0xFFFFC000  }
.Ltmp2:
0x9a: {  	s25 =	simm.s32 @!p0 $0x3;
	[bflag:$0x0] =	sbarrier.arrive $0xFFFF;
	(pc) =	sbr.rel @p1 .LBB2_1-.Ltmp2, $4  }
0x9b: {  	[hbm:s10], [sflag:s12] =	dma.local @!p0 [spmem:s13], $0x3E80  }
0x9c: {  	_ =	swait.ge @!p0 [sflag:s25], $0x3E80  }
0x9d: {  	[sflag:s25] =	ssyncset.done @!p0 $0x0  }
0x9e: {  	[sflag:s25] =	ssyncadd.s32 @!p0 $0xFFFFC180  }
0x9f: {  	_ =	sfence.sel $0x180000  }
0xa0: {  	[bflag:$0x0] =	sbarrier.arrive $0xFFFF  }
0xa1: {  	p0 =	sne.s32 s2, $0x0;
	_ =	strace $0x9000004A  }
0xa2: {  	s0 =	sadd.s32 @!p0 $0x100000, s0;
	[bflag:$0x2] =	sbarrier.arrive $0xFFFF  }
0xa3: {  	[sflag:s0] =	ssyncadd.tile.s32 @!p0 $0x1;
	_ =	shalt  }
.Lfunc_end2:
_tile_overlayer_lowered:
.L_overlay_start_2:
0xa4: {  	(tag) =	ssettag $0x2  }
0xa5: {  	s0 =	rddreg [dreg:$0x0];
	s2 =	stileid.u32  }
0xa6: {  	s1 =	rddreg [dreg:$0x1];
	p0 =	sne.s32 s2, $0x0  }
0xa7: {  	s3 =	rddreg [dreg:$0x2];
	[bflag:$0x3] =	sbarrier.arrive $0xFFFF;
	s2 =	simm.s32 @!p0 $0x1C03  }
0xa8: {  	[timem:s3], [sflag:s2] =	dma.local @!p0 [hbm:s0], s1  }
0xa9: {  	s0 =	simm.s32 @!p0 $0x3  }
0xaa: {  	_ =	swait.ge @!p0 [sflag:s0], s1  }
0xab: {  	s1 =	ssub.s32 @!p0 $0x0, s1;
	[sflag:s0] =	ssyncset.done @!p0 $0x0  }
0xac: {  	[sflag:s0] =	ssyncadd.s32 @!p0 s1  }
0xad: {  	[bflag:$0x3] =	sbarrier.arrive $0xFFFF  }
0xae: {  	_ =	shalt  }

// kernel: kernel.19.cloned.1.call-start
scs
__scs_entry_jumppad:
0x0: {  	(pc) =	sbr.rel $0x88, $3  }
0x1: {  	(tag) =	ssettag $0x0;
	lr =	simm.s32 $0x1  }
0x2: {  	[smem:$0x3F92] =	sst lr;
	_ =	strace $0xD0000000  }
0x3: {  	_ = 	snop  }
0x4: {  	_ = 	snop  }
0x5: {  	_ = 	snop  }
0x6: {  	_ = 	snop  }
0x7: {  	_ = 	snop  }
__scs_overlays_trampoline_lowered:
0x8: {  	[smem:$0x3FA1] =	sst s0  }
0x9: {  	[smem:$0x3FA2] =	sst s1  }
0xa: {  	[smem:$0x3FA3] =	sst s2  }
0xb: {  	[smem:$0x3FA4] =	sst s3  }
0xc: {  	[smem:$0x3FA5] =	sst s4  }
0xd: {  	[smem:$0x3FA6] =	sst s5  }
0xe: {  	[smem:$0x3FA7] =	sst s6  }
0xf: {  	[smem:$0x3FA8] =	sst s7  }
0x10: {  	[smem:$0x3FA9] =	sst s8  }
0x11: {  	[smem:$0x3FAA] =	sst s9;
	s0 =	simm.s32 @!p0 $0x0  }
0x12: {  	s1 =	sld [smem:$0x3F90];
	s0 =	simm.s32 @p0 $0x1  }
0x13: {  	[smem:$0x3FAB] =	sst s0;
	s0 =	simm.s32 @!p1 $0x0  }
0x14: {  	s2 =	sld [smem:$0x3F8F];
	s0 =	simm.s32 @p1 $0x1  }
0x15: {  	[smem:$0x3FAC] =	sst s0;
	s0 =	simm.s32 @!p2 $0x0  }
0x16: {  	s3 =	sld [smem:$0x3FDB];
	s0 =	simm.s32 @p2 $0x1  }
0x17: {  	s4 =	simm.s32 $0x1BF5;
	[smem:$0x3FAE] =	sst s0  }
0x18: {  	s0 =	sld [smem:$0x3F91];
	_ =	swait.ge [sflag:s4], $0x0  }
0x19: {  	s7 =	sld [smem:$0x3F92]  }
0x1a: {  	s8 =	sadd.s32 $0xFFFFE003, lr  }
0x1b: {  	s9 =	sadd.s32 $0xFFFFFEF7, lr;
	s5 =	simm.s32 $0xFFFFFFFF;
	p2 =	slt.u32 s8, $0xFFFFF086  }
0x1c: {  	p1 =	slt.u32 s9, $0xF7A;
	s5 =	simm.s32 @!p2 $0x0  }
0x1d: {  	s5 =	simm.s32 @p1 $0x1;
	p0 =	seq.s32 s7, s2  }
0x1e: {  	s7 =	smul.u32 @!p0 $0xF7A, s2;
	p2 =	seq.s32 @!p0 s5, $0x0  }
0x1f: {  	s9 =	smul.u32 $0xF7A, s1;
	s8 =	simm.s32 @!p0 $0x1BF5;
	p2 =	por !p2, p0  }
0x20: {  	[sflag:s8] =	ssyncset.s32 @!p0 $0xFFFFF086;
	s6 =	sadd.s32 @!p0 s3, s7;
	s7 =	simm.s32 @!p0 $0x108  }
0x21: {  	s3 =	sadd.s32 s3, s9;
	s6 =	sadd.s32 @!p0 $0x88, s6;
	s7 =	simm.s32 @p2 $0x1082  }
0x22: {  	[simem:s7], [sflag:s8] =	dma.local @!p0 [hbm:s6], $0xF7A  }
0x23: {  	s9 =	sor.u32 $0xD0000000, s2;
	s6 =	simm.s32 $0x108;
	_ =	swait.ge @!p0 [sflag:s8], $0x0  }
0x24: {  	s3 =	sadd.s32 $0x88, s3;
	s6 =	simm.s32 @!p1 $0x1082;
	[sflag:s4] =	ssyncset.s32 $0xFFFFF086  }
0x25: {  	[simem:s6], [sflag:s4] =	dma.local [hbm:s3], $0xF7A  }
0x26: {  	[smem:$0x3F92] =	sst s1;
	(tag) =	ssettag s2;
	_ =	strace s9  }
0x27: {  	s1 =	sld [smem:$0x3FA2]  }
0x28: {  	s2 =	sld [smem:$0x3FA3]  }
0x29: {  	s4 =	sld [smem:$0x3FA5]  }
0x2a: {  	p0 =	seq.s32 s5, $0x0;
	s5 =	sld [smem:$0x3FA6]  }
0x2b: {  	s6 =	sld [smem:$0x3FA7]  }
0x2c: {  	s7 =	sld [smem:$0x3FA8]  }
0x2d: {  	s3 =	simm.s32 $0x108;
	s8 =	sld [smem:$0x3FA9]  }
0x2e: {  	s3 =	simm.s32 @!p0 $0x1082;
	s9 =	sld [smem:$0x3FAA]  }
0x2f: {  	lr =	sadd.s32 s0, s3;
	s0 =	sld [smem:$0x3FA1]  }
0x30: {  	s3 =	sld [smem:$0x3FA4]  }
0x31: {  	[smem:$0x3FAD] =	sst s10  }
0x32: {  	s10 =	sld [smem:$0x3FAB];
	_ =	sdelay $0x3  }
0x33: {  	p0 =	seq.s32 s10, $0x1;
	s10 =	sld [smem:$0x3FAD];
	_ =	sdelay $0x3  }
0x34: {  	[smem:$0x3FAD] =	sst s10  }
0x35: {  	s10 =	sld [smem:$0x3FAC];
	_ =	sdelay $0x3  }
0x36: {  	p1 =	seq.s32 s10, $0x1;
	s10 =	sld [smem:$0x3FAD];
	_ =	sdelay $0x3  }
0x37: {  	[smem:$0x3FAD] =	sst s10  }
0x38: {  	s10 =	sld [smem:$0x3FAE]  }
0x39: {  	_ = 	snop;
	(pc) =	sbr.ind lr, $3  }
0x3a: {  	_ = 	snop  }
0x3b: {  	_ = 	snop  }
0x3c: {  	p2 =	seq.s32 s10, $0x1;
	s10 =	sld [smem:$0x3FAD]  }
0x3d: {  	_ =	shalt  }
0x3e: {  	_ =	shalt  }
0x3f: {  	_ =	shalt  }
0x40: {  	_ =	shalt  }
0x41: {  	_ =	shalt  }
0x42: {  	_ =	shalt  }
0x43: {  	_ =	shalt  }
0x44: {  	_ =	shalt  }
0x45: {  	_ =	shalt  }
0x46: {  	_ =	shalt  }
0x47: {  	_ =	shalt  }
0x48: {  	_ =	shalt  }
0x49: {  	_ =	shalt  }
0x4a: {  	_ =	shalt  }
0x4b: {  	_ =	shalt  }
0x4c: {  	_ =	shalt  }
0x4d: {  	_ =	shalt  }
0x4e: {  	_ =	shalt  }
0x4f: {  	_ =	shalt  }
0x50: {  	_ =	shalt  }
0x51: {  	_ =	shalt  }
0x52: {  	_ =	shalt  }
0x53: {  	_ =	shalt  }
0x54: {  	_ =	shalt  }
0x55: {  	_ =	shalt  }
0x56: {  	_ =	shalt  }
0x57: {  	_ =	shalt  }
0x58: {  	_ =	shalt  }
0x59: {  	_ =	shalt  }
0x5a: {  	_ =	shalt  }
0x5b: {  	_ =	shalt  }
0x5c: {  	_ =	shalt  }
0x5d: {  	_ =	shalt  }
0x5e: {  	_ =	shalt  }
0x5f: {  	_ =	shalt  }
0x60: {  	_ =	shalt  }
0x61: {  	_ =	shalt  }
0x62: {  	_ =	shalt  }
0x63: {  	_ =	shalt  }
0x64: {  	_ =	shalt  }
0x65: {  	_ =	shalt  }
0x66: {  	_ =	shalt  }
0x67: {  	_ =	shalt  }
0x68: {  	_ =	shalt  }
0x69: {  	_ =	shalt  }
0x6a: {  	_ =	shalt  }
0x6b: {  	_ =	shalt  }
0x6c: {  	_ =	shalt  }
0x6d: {  	_ =	shalt  }
0x6e: {  	_ =	shalt  }
0x6f: {  	_ =	shalt  }
0x70: {  	_ =	shalt  }
0x71: {  	_ =	shalt  }
0x72: {  	_ =	shalt  }
0x73: {  	_ =	shalt  }
0x74: {  	_ =	shalt  }
0x75: {  	_ =	shalt  }
0x76: {  	_ =	shalt  }
0x77: {  	_ =	shalt  }
0x78: {  	_ =	shalt  }
0x79: {  	_ =	shalt  }
0x7a: {  	_ =	shalt  }
0x7b: {  	_ =	shalt  }
0x7c: {  	_ =	shalt  }
0x7d: {  	_ =	shalt  }
0x7e: {  	_ =	shalt  }
0x7f: {  	_ =	shalt  }
0x80: {  	_ =	shalt  }
0x81: {  	_ =	shalt  }
0x82: {  	_ =	shalt  }
0x83: {  	_ =	shalt  }
0x84: {  	_ =	shalt  }
0x85: {  	_ =	shalt  }
0x86: {  	_ =	shalt  }
0x87: {  	_ =	shalt  }
.Lfunc_end0:
.L_simem_size_0:
called_computation.2_lowered:
.L_overlay_start_0:
0x88: {  	s2 =	sld [smem:$0x3FD9]  }
0x89: {  	s3 =	sld [smem:$0x3FFE];
	_ =	sdelay $0x1  }
0x8a: {  	s1 =	srdreg.scid  }
0x8b: {  	s0 =	sand.u32 $0x1, s1  }
0x8c: {  	s17 =	sshll.u32 s0, $0xA;
	s2 =	sadd.s32 s3, s2  }
0x8d: {  	s2 =	sadd.s32 s2, s17  }
0x8e: {  	[smem:$0x3FB9] =	sst s2  }
0x8f: {  	_ = 	snop  }
0x90: {  	s2 =	sld [smem:$0x3FD0];
	(tm) =	ssettm $0x1  }
0x91: {  	s18 =	sld [smem:$0x3FFB];
	_ =	sdelay $0x3  }
0x92: {  	_ =	strace s18  }
0x93: {  	s3 =	sld [smem:$0x3FFC];
	_ =	sdelay $0x3  }
0x94: {  	_ =	strace s3  }
0x95: {  	s3 =	sld [smem:$0x3FFD];
	_ =	sdelay $0x3  }
0x96: {  	_ =	strace s3  }
0x97: {  	_ =	strace $0x8FFFFFFF  }
0x98: {  	s19 =	sld [smem:$0x3FDB];
	_ =	sdelay $0x1  }
0x99: {  	s4 =	simm.s32 $_scs_section_size  }
0x9a: {  	s5 =	simm.s32 $_size__tile_overlayer_lowered;
	s6 =	simm.s32 $_tile_overlayer_lowered  }
0x9b: {  	s22 =	simm.s32 $0x1BFF;
	s21 =	sshll.u32 s6, $0x1;
	s3 =	sadd.s32 s4, s19  }
0x9c: {  	s7 =	simm.s32 $0x0;
	s20 =	sshll.u32 s5, $0x1;
	s5 =	sadd.s32 s21, s3  }
0x9d: {  	[timem:s7], [sflag:s22] =	dma.local [hbm:s5], s20  }
0x9e: {  	_ =	swait.ge [sflag:s22], s20  }
0x9f: {  	s4 =	ssub.s32 $0x0, s20;
	[sflag:s22] =	ssyncset.done $0x0  }
0xa0: {  	[sflag:s22] =	ssyncadd.s32 s4;
	_ =	sdelay $0x1  }
0xa1: {  	s23 =	simm.s32 $0x1B8B  }
0xa2: {  	_ =	swait.ge [sflag:s23], $0x1  }
0xa3: {  	[sflag:s23] =	ssyncset.done $0x0  }
0xa4: {  	s25 =	simm.s32 $0x1B8E;
	s24 =	sld [smem:$0x3FFE];
	[sflag:s23] =	ssyncadd.s32 $0xFFFFFFFF  }
0xa5: {  	s26 =	simm.s32 $execute0_lowered;
	[smem:$0x3FD2] =	sst s25  }
0xa6: {  	s5 =	sshll.u32 s26, $0x1;
	_ =	strace $0x8000004C;
	[dreg:$0x1] =	wrdreg $0xFFFFFFFF  }
0xa7: {  	s28 =	simm.s32 $_size_execute0_lowered;
	s3 =	sadd.s32 s3, s5;
	[dreg:$0x0] =	wrdreg $0x0  }
0xa8: {  	s5 =	sshll.u32 s28, $0x1;
	[dreg:$0x2] =	wrdreg s3  }
0xa9: {  	[dreg:$0x3] =	wrdreg s5  }
0xaa: {  	[dreg:$0x4] =	wrdreg $0xC0  }
0xab: {  	_ =	task [dreg:s7], $0x5FFFF  }
0xac: {  	[dreg:$0x1] =	wrdreg $0xFFFFFFFF  }
0xad: {  	[dreg:$0x0] =	wrdreg $0x60  }
0xae: {  	[dreg:$0x2] =	wrdreg s24  }
0xaf: {  	[dreg:$0x3] =	wrdreg s2  }
0xb0: {  	[dreg:$0x4] =	wrdreg $0xA8000  }
0xb1: {  	[dreg:$0x5] =	wrdreg $0x9  }
0xb2: {  	_ =	task.clear_ibuf [dreg:s7], $0x6FFFF;
	_ =	strace $0x9000004C  }
0xb3: {  	s29 =	simm.s32 $0x9;
	_ =	strace $0x8000004E  }
0xb4: {  	_ =	swait.ge [sflag:s29], $0x1  }
0xb5: {  	[sflag:s29] =	ssyncadd.s32 $0xFFFFFFFF  }
0xb6: {  	_ =	strace $0x9000004E  }
0xb7: {  	_ =	sfence  }
0xb8: {  	s30 =	sld [smem:$0x0];
	_ =	sdelay $0x2  }
0xb9: {  	s31 =	sshll.u32 s1, $0xD;
	s1 =	sshrl.u32 s1, $0x2  }
0xba: {  	s3 =	sand.u32 $0x4000, s31;
	s1 =	sadd.s32 s1, s30  }
0xbb: {  	s0 =	sor.u32 s3, s0;
	s1 =	sshll.u32 s1, $0x11  }
0xbc: {  	s0 =	sor.u32 s1, s0  }
0xbd: {  	s0 =	sadd.s32 $0x8F2B, s0  }
0xbe: {  	[sflag:s0] =	ssyncadd.remote.s32 $0x1  }
0xbf: {  	_ =	sfence.sel $0xFFFF  }
0xc0: {  	[dreg:$0x0] =	wrdreg $0xFFFFFFFF;
	(pc) =	sbr.abs _section_cstart, $3  }
0xc1: {  	[dreg:$0x1] =	wrdreg $0xFFFFFFFF  }
0xc2: {  	_ =	task.clear_ibuf [dreg:s7], $0x2FFFF;
	_ =	strace $0x9FFFFFFF  }
0xc3: {  	(tm) =	ssettm $0x7FFFFFFF  }
tec
execute0_lowered:
.L_overlay_start_1:
0x0: {  	(tag) =	ssettag $0x1  }
0x1: {  	s6 =	rddreg [dreg:$0x0]  }
0x2: {  	s8 =	rddreg [dreg:$0x1]  }
0x3: {  	s1 =	rddreg [dreg:$0x2]  }
0x4: {  	s2 =	srdreg.scid;
	s0 =	rddreg [dreg:$0x3]  }
0x5: {  	s3 =	simm.s32 $0x0;
	s16 =	simm.s32 $0x80;
	s17 =	simm.s32 $0x2800  }
0x6: {  	s18 =	simm.s32 $0x1;
	s19 =	simm.s32 $0x6800;
	s20 =	simm.s32 $0x2  }
0x7: {  	s21 =	simm.s32 $0x1380;
	s22 =	simm.s32 $0x2700;
	s23 =	simm.s32 $0x2780  }
0x8: {  	s24 =	simm.s32 $0x0;
	s7 =	sand.u32 $0x1, s2;
	s2 =	stileid.u32  }
0x9: {  	[smem:$0x7FF] =	sst s3;
	s4 =	sadd.s32 $0xDE00, s6;
	s5 =	smul.u32 $0x138800, s7  }
0xa: {  	s11 =	sadd.s32 $0x3E00, s6;
	s9 =	smul.u32 $0x1F400, s2;
	_ =	strace $0x8000004D  }
0xb: {  	s10 =	sshll.u32 s7, $0x4;
	s30 =	smul.u32 $0x7D000, s2;
	s31 =	ssub.s32 $0x2, s7  }
0xc: {  	p0 =	sgt.u32 s2, $0x9;
	s29 =	sor.u32 s2, s10;
	s7 =	sshrl.u32 s31, $0x1  }
0xd: {  	s15 =	sshll.u32 @!p0 s2, $0x6;
	s5 =	sadd.s32 s9, s5;
	s9 =	smul.u32 $0x2800, s29  }
0xe: {  	s10 =	sshrl.u32 s30, $0x2;
	s13 =	ssub.s32 s31, s7;
	s12 =	sshrl.u32 s5, $0x3  }
0xf: {  	s5 =	sadd.s32 $0xD1400, s6;
	s14 =	sadd.s32 s10, s1;
	s9 =	sshrl.u32 s9, $0x3  }
0x10: {  	s12 =	sadd.s32 s12, s6;
	s6 =	sadd.s32 s8, s9;
	s7 =	sadd.s32 s11, s9  }
0x11: {  	s9 =	sadd.s32 $0x280, s9;
	s10 =	sadd.s32 $0xD5400, s12;
	s12 =	sor.u32 @!p0 $0x1C03, s15  }
0x12: {  	s15 =	simm.s32 $0x1400;
	s8 =	sadd.s32 s8, s9;
	s9 =	sadd.s32 s11, s9  }
0x13: {  	s11 =	smax.u32 s13, $0x1;
	s13 =	sshrl.u32 @!p0 s14, $0x3;
	s14 =	simm.s32 $0x3  }
.LBB2_1:
0x14: {  	[spmem:s13], [sflag:s12] =	dma.local @!p0 [hbm:s5], $0x3E80  }
0x15: {  	s25 =	simm.s32 @!p0 $0x3  }
0x16: {  	_ =	swait.ge @!p0 [sflag:s25], $0x3E80  }
0x17: {  	[sflag:s25] =	ssyncset.done @!p0 $0x0  }
0x18: {  	[sflag:s25] =	ssyncadd.s32 @!p0 $0xFFFFC180  }
0x19: {  	[bflag:$0x0] =	sbarrier.arrive $0xFFFF  }
0x1a: {  	[tilespmem:s3], [sflag:$0x3] =	stream.linear.gather [hbm4b:s6+s3], $0x1400, $0x38;
	[tilespmem:$0x1E480] =	vst v63  }
0x1b: {  	_ =	swait.ge [sflag:s14], $0x1400  }
0x1c: {  	[sflag:s14] =	ssyncset.done $0x0  }
0x1d: {  	[sflag:s14] =	ssyncadd.s32 $0xFFFFEC00  }
0x1e: {  	[tilespmem:s15], [sflag:$0x3] =	stream.linear.gather [hbm4b:s7+s3], $0x1400, $0x38;
	[tilespmem:$0x1E480] =	vst v63  }
0x1f: {  	_ =	swait.ge [sflag:s14], $0x1400  }
0x20: {  	[sflag:s14] =	ssyncset.done $0x0  }
0x21: {  	[sflag:s14] =	ssyncadd.s32 $0xFFFFEC00  }
0x22: {  	[tilespmem:s17], [sflag:$0x1] =	stream.indirect.gather [hbm4b:s4+s16], $0x80, s3, s16, $0xb8;
	[tilespmem:$0x1E480] =	vst v63  }
0x23: {  	_ =	swait.ge [sflag:s18], $0x4000  }
0x24: {  	[sflag:s18] =	ssyncset.done $0x0  }
0x25: {  	s28 =	simm.s32 $0x80;
	[sflag:s18] =	ssyncadd.s32 $0xFFFFC000  }
0x26: {  	[tilespmem:s19], [sflag:$0x2] =	stream.indirect.gather [hbm4b:s4+s16], $0x80, s28, s16, $0xb8;
	[tilespmem:$0x1E480] =	vst v63  }
0x27: {  	s29 =	simm.s32 $0x1400  }
0x28: {  	[spmem:s1] =	stream.indirect.scatter.add.f32 [tilespmem:s17], [sflag:$0x3], $0x80, s29, s16, $0xb8;
	[tilespmem:$0x1E480] =	vst v63  }
0x29: {  	_ =	swait.ge [sflag:s14], $0x4000  }
0x2a: {  	[sflag:s14] =	ssyncset.done $0x0  }
0x2b: {  	[sflag:s14] =	ssyncadd.s32 $0xFFFFC000  }
0x2c: {  	_ =	swait.ge [sflag:s20], $0x4000  }
0x2d: {  	[sflag:s20] =	ssyncset.done $0x0  }
0x2e: {  	s30 =	simm.s32 $0x100;
	[sflag:s20] =	ssyncadd.s32 $0xFFFFC000  }
0x2f: {  	[tilespmem:s17], [sflag:$0x1] =	stream.indirect.gather [hbm4b:s4+s16], $0x80, s30, s16, $0xb8;
	[tilespmem:$0x1E480] =	vst v63  }
0x30: {  	s31 =	simm.s32 $0x1480  }
0x31: {  	[spmem:s1] =	stream.indirect.scatter.add.f32 [tilespmem:s19], [sflag:$0x3], $0x80, s31, s16, $0xb8;
	[tilespmem:$0x1E480] =	vst v63  }
0x32: {  	_ =	swait.ge [sflag:s14], $0x4000  }
0x33: {  	s25 =	simm.s32 $0x400;
	[sflag:s14] =	ssyncset.done $0x0  }
.LBB2_2:
0x34: {  	p1 =	sne.s32 s25, $0x4800  }
0x35: {  	[sflag:s14] =	ssyncadd.s32 $0xFFFFC000;
	s26 =	smov.u32 s25;
	s25 =	sadd.s32 $0x400, s25  }
0x36: {  	_ = 	snop  }
0x37: {  	_ =	swait.ge [sflag:s18], $0x4000  }
0x38: {  	s26 =	sshra.s32 s26, $0x2;
	[sflag:s18] =	ssyncset.done $0x0  }
0x39: {  	s28 =	sadd.s32 $0x80, s26;
	[sflag:s18] =	ssyncadd.s32 $0xFFFFC000  }
0x3a: {  	[tilespmem:s19], [sflag:$0x2] =	stream.indirect.gather [hbm4b:s4+s16], $0x80, s28, s16, $0xb8;
	[tilespmem:$0x1E480] =	vst v63  }
0x3b: {  	s28 =	sadd.s32 $0x1400, s26  }
0x3c: {  	[spmem:s1] =	stream.indirect.scatter.add.f32 [tilespmem:s17], [sflag:$0x3], $0x80, s28, s16, $0xb8;
	[tilespmem:$0x1E480] =	vst v63  }
0x3d: {  	_ =	swait.ge [sflag:s14], $0x4000  }
0x3e: {  	[sflag:s14] =	ssyncset.done $0x0  }
0x3f: {  	[sflag:s14] =	ssyncadd.s32 $0xFFFFC000  }
0x40: {  	_ =	swait.ge [sflag:s20], $0x4000  }
0x41: {  	[sflag:s20] =	ssyncset.done $0x0  }
0x42: {  	s28 =	sadd.s32 $0x100, s26;
	[sflag:s20] =	ssyncadd.s32 $0xFFFFC000  }
0x43: {  	[tilespmem:s17], [sflag:$0x1] =	stream.indirect.gather [hbm4b:s4+s16], $0x80, s28, s16, $0xb8;
	[tilespmem:$0x1E480] =	vst v63  }
.Ltmp0:
0x44: {  	_ = 	snop;
	(pc) =	sbr.rel @p1 .LBB2_2-.Ltmp0, $4  }
0x45: {  	s26 =	sadd.s32 $0x1480, s26  }
0x46: {  	[spmem:s1] =	stream.indirect.scatter.add.f32 [tilespmem:s19], [sflag:$0x3], $0x80, s26, s16, $0xb8;
	[tilespmem:$0x1E480] =	vst v63  }
0x47: {  	_ =	swait.ge [sflag:s14], $0x4000  }
0x48: {  	[sflag:s14] =	ssyncset.done $0x0  }
0x49: {  	[sflag:s14] =	ssyncadd.s32 $0xFFFFC000  }
0x4a: {  	_ =	swait.ge [sflag:s18], $0x4000  }
0x4b: {  	[sflag:s18] =	ssyncset.done $0x0  }
0x4c: {  	[sflag:s18] =	ssyncadd.s32 $0xFFFFC000  }
0x4d: {  	[tilespmem:s19], [sflag:$0x2] =	stream.indirect.gather [hbm4b:s4+s16], $0x80, s21, s16, $0xb8;
	[tilespmem:$0x1E480] =	vst v63  }
0x4e: {  	_ = 	snop  }
0x4f: {  	[spmem:s1] =	stream.indirect.scatter.add.f32 [tilespmem:s17], [sflag:$0x3], $0x80, s22, s16, $0xb8;
	[tilespmem:$0x1E480] =	vst v63  }
0x50: {  	_ =	swait.ge [sflag:s14], $0x4000  }
0x51: {  	[sflag:s14] =	ssyncset.done $0x0  }
0x52: {  	[sflag:s14] =	ssyncadd.s32 $0xFFFFC000  }
0x53: {  	_ =	swait.ge [sflag:s20], $0x4000  }
0x54: {  	[sflag:s20] =	ssyncset.done $0x0  }
0x55: {  	[sflag:s20] =	ssyncadd.s32 $0xFFFFC000  }
0x56: {  	[spmem:s1] =	stream.indirect.scatter.add.f32 [tilespmem:s19], [sflag:$0x3], $0x80, s23, s16, $0xb8;
	[tilespmem:$0x1E480] =	vst v63  }
0x57: {  	_ =	swait.ge [sflag:s14], $0x4000  }
0x58: {  	[sflag:s14] =	ssyncset.done $0x0  }
0x59: {  	s25 =	simm.s32 $0x0;
	[sflag:s14] =	ssyncadd.s32 $0xFFFFC000  }
0x5a: {  	[tilespmem:s25], [sflag:$0x3] =	stream.linear.gather [hbm4b:s8+s25], $0x1400, $0x38;
	[tilespmem:$0x1E480] =	vst v63  }
0x5b: {  	_ =	swait.ge [sflag:s14], $0x1400  }
0x5c: {  	[sflag:s14] =	ssyncset.done $0x0  }
0x5d: {  	[sflag:s14] =	ssyncadd.s32 $0xFFFFEC00  }
0x5e: {  	[tilespmem:s15], [sflag:$0x3] =	stream.linear.gather [hbm4b:s9+s25], $0x1400, $0x38;
	[tilespmem:$0x1E480] =	vst v63  }
0x5f: {  	_ =	swait.ge [sflag:s14], $0x1400  }
0x60: {  	[sflag:s14] =	ssyncset.done $0x0  }
0x61: {  	[sflag:s14] =	ssyncadd.s32 $0xFFFFEC00  }
0x62: {  	[tilespmem:s17], [sflag:$0x1] =	stream.indirect.gather [hbm4b:s4+s16], $0x80, s25, s16, $0xb8;
	[tilespmem:$0x1E480] =	vst v63  }
0x63: {  	_ =	swait.ge [sflag:s18], $0x4000  }
0x64: {  	[sflag:s18] =	ssyncset.done $0x0  }
0x65: {  	s28 =	simm.s32 $0x80;
	[sflag:s18] =	ssyncadd.s32 $0xFFFFC000  }
0x66: {  	[tilespmem:s19], [sflag:$0x2] =	stream.indirect.gather [hbm4b:s4+s16], $0x80, s28, s16, $0xb8;
	[tilespmem:$0x1E480] =	vst v63  }
0x67: {  	s29 =	simm.s32 $0x1400  }
0x68: {  	[spmem:s1] =	stream.indirect.scatter.add.f32 [tilespmem:s17], [sflag:$0x3], $0x80, s29, s16, $0xb8;
	[tilespmem:$0x1E480] =	vst v63  }
0x69: {  	_ =	swait.ge [sflag:s14], $0x4000  }
0x6a: {  	[sflag:s14] =	ssyncset.done $0x0  }
0x6b: {  	[sflag:s14] =	ssyncadd.s32 $0xFFFFC000  }
0x6c: {  	_ =	swait.ge [sflag:s20], $0x4000  }
0x6d: {  	[sflag:s20] =	ssyncset.done $0x0  }
0x6e: {  	s30 =	simm.s32 $0x100;
	[sflag:s20] =	ssyncadd.s32 $0xFFFFC000  }
0x6f: {  	[tilespmem:s17], [sflag:$0x1] =	stream.indirect.gather [hbm4b:s4+s16], $0x80, s30, s16, $0xb8;
	[tilespmem:$0x1E480] =	vst v63  }
0x70: {  	s31 =	simm.s32 $0x1480  }
0x71: {  	[spmem:s1] =	stream.indirect.scatter.add.f32 [tilespmem:s19], [sflag:$0x3], $0x80, s31, s16, $0xb8;
	[tilespmem:$0x1E480] =	vst v63  }
0x72: {  	_ =	swait.ge [sflag:s14], $0x4000  }
0x73: {  	s25 =	simm.s32 $0x400;
	[sflag:s14] =	ssyncset.done $0x0  }
.LBB2_4:
0x74: {  	p1 =	sne.s32 s25, $0x4800  }
0x75: {  	[sflag:s14] =	ssyncadd.s32 $0xFFFFC000;
	s26 =	smov.u32 s25;
	s25 =	sadd.s32 $0x400, s25  }
0x76: {  	_ = 	snop  }
0x77: {  	_ =	swait.ge [sflag:s18], $0x4000  }
0x78: {  	s26 =	sshra.s32 s26, $0x2;
	[sflag:s18] =	ssyncset.done $0x0  }
0x79: {  	s28 =	sadd.s32 $0x80, s26;
	[sflag:s18] =	ssyncadd.s32 $0xFFFFC000  }
0x7a: {  	[tilespmem:s19], [sflag:$0x2] =	stream.indirect.gather [hbm4b:s4+s16], $0x80, s28, s16, $0xb8;
	[tilespmem:$0x1E480] =	vst v63  }
0x7b: {  	s28 =	sadd.s32 $0x1400, s26  }
0x7c: {  	[spmem:s1] =	stream.indirect.scatter.add.f32 [tilespmem:s17], [sflag:$0x3], $0x80, s28, s16, $0xb8;
	[tilespmem:$0x1E480] =	vst v63  }
0x7d: {  	_ =	swait.ge [sflag:s14], $0x4000  }
0x7e: {  	[sflag:s14] =	ssyncset.done $0x0  }
0x7f: {  	[sflag:s14] =	ssyncadd.s32 $0xFFFFC000  }
0x80: {  	_ =	swait.ge [sflag:s20], $0x4000  }
0x81: {  	[sflag:s20] =	ssyncset.done $0x0  }
0x82: {  	s28 =	sadd.s32 $0x100, s26;
	[sflag:s20] =	ssyncadd.s32 $0xFFFFC000  }
0x83: {  	[tilespmem:s17], [sflag:$0x1] =	stream.indirect.gather [hbm4b:s4+s16], $0x80, s28, s16, $0xb8;
	[tilespmem:$0x1E480] =	vst v63  }
.Ltmp1:
0x84: {  	_ = 	snop;
	(pc) =	sbr.rel @p1 .LBB2_4-.Ltmp1, $4  }
0x85: {  	s26 =	sadd.s32 $0x1480, s26  }
0x86: {  	[spmem:s1] =	stream.indirect.scatter.add.f32 [tilespmem:s19], [sflag:$0x3], $0x80, s26, s16, $0xb8;
	[tilespmem:$0x1E480] =	vst v63  }
0x87: {  	_ =	swait.ge [sflag:s14], $0x4000  }
0x88: {  	[sflag:s14] =	ssyncset.done $0x0  }
0x89: {  	[sflag:s14] =	ssyncadd.s32 $0xFFFFC000  }
0x8a: {  	_ =	swait.ge [sflag:s18], $0x4000  }
0x8b: {  	[sflag:s18] =	ssyncset.done $0x0  }
0x8c: {  	[sflag:s18] =	ssyncadd.s32 $0xFFFFC000  }
0x8d: {  	[tilespmem:s19], [sflag:$0x2] =	stream.indirect.gather [hbm4b:s4+s16], $0x80, s21, s16, $0xb8;
	[tilespmem:$0x1E480] =	vst v63  }
0x8e: {  	_ = 	snop  }
0x8f: {  	[spmem:s1] =	stream.indirect.scatter.add.f32 [tilespmem:s17], [sflag:$0x3], $0x80, s22, s16, $0xb8;
	[tilespmem:$0x1E480] =	vst v63  }
0x90: {  	_ =	swait.ge [sflag:s14], $0x4000  }
0x91: {  	[sflag:s14] =	ssyncset.done $0x0  }
0x92: {  	[sflag:s14] =	ssyncadd.s32 $0xFFFFC000  }
0x93: {  	_ =	swait.ge [sflag:s20], $0x4000  }
0x94: {  	[sflag:s20] =	ssyncset.done $0x0  }
0x95: {  	[sflag:s20] =	ssyncadd.s32 $0xFFFFC000  }
0x96: {  	[spmem:s1] =	stream.indirect.scatter.add.f32 [tilespmem:s19], [sflag:$0x3], $0x80, s23, s16, $0xb8;
	[tilespmem:$0x1E480] =	vst v63  }
0x97: {  	_ =	swait.ge [sflag:s14], $0x4000  }
0x98: {  	s24 =	sadd.s32 $0x1, s24;
	[sflag:s14] =	ssyncset.done $0x0  }
0x99: {  	p1 =	sne.s32 s24, s11;
	[sflag:s14] =	ssyncadd.s32 $0xFFFFC000  }
.Ltmp2:
0x9a: {  	s25 =	simm.s32 @!p0 $0x3;
	[bflag:$0x0] =	sbarrier.arrive $0xFFFF;
	(pc) =	sbr.rel @p1 .LBB2_1-.Ltmp2, $4  }
0x9b: {  	[hbm:s10], [sflag:s12] =	dma.local @!p0 [spmem:s13], $0x3E80  }
0x9c: {  	_ =	swait.ge @!p0 [sflag:s25], $0x3E80  }
0x9d: {  	[sflag:s25] =	ssyncset.done @!p0 $0x0  }
0x9e: {  	[sflag:s25] =	ssyncadd.s32 @!p0 $0xFFFFC180  }
0x9f: {  	_ =	sfence.sel $0x180000  }
0xa0: {  	[bflag:$0x0] =	sbarrier.arrive $0xFFFF  }
0xa1: {  	p0 =	sne.s32 s2, $0x0;
	_ =	strace $0x9000004D  }
0xa2: {  	s0 =	sadd.s32 @!p0 $0x100000, s0;
	[bflag:$0x2] =	sbarrier.arrive $0xFFFF  }
0xa3: {  	[sflag:s0] =	ssyncadd.tile.s32 @!p0 $0x1;
	_ =	shalt  }
.Lfunc_end2:
_tile_overlayer_lowered:
.L_overlay_start_2:
0xa4: {  	(tag) =	ssettag $0x2  }
0xa5: {  	s0 =	rddreg [dreg:$0x0];
	s2 =	stileid.u32  }
0xa6: {  	s1 =	rddreg [dreg:$0x1];
	p0 =	sne.s32 s2, $0x0  }
0xa7: {  	s3 =	rddreg [dreg:$0x2];
	[bflag:$0x3] =	sbarrier.arrive $0xFFFF;
	s2 =	simm.s32 @!p0 $0x1C03  }
0xa8: {  	[timem:s3], [sflag:s2] =	dma.local @!p0 [hbm:s0], s1  }
0xa9: {  	s0 =	simm.s32 @!p0 $0x3  }
0xaa: {  	_ =	swait.ge @!p0 [sflag:s0], s1  }
0xab: {  	s1 =	ssub.s32 @!p0 $0x0, s1;
	[sflag:s0] =	ssyncset.done @!p0 $0x0  }
0xac: {  	[sflag:s0] =	ssyncadd.s32 @!p0 s1  }
0xad: {  	[bflag:$0x3] =	sbarrier.arrive $0xFFFF  }
0xae: {  	_ =	shalt  }

</sc_bundles>
